<compile_context>
chip_gen: v7x
topology: tpu7x:2x2x1
jax: 0.10.2.dev20260603
libtpu: 0.0.44.dev20260713+nightly
codegen_flags: <defaults>
</compile_context>

<pallas_src>
import functools

import jax
import jax.numpy as jnp
from jax import lax
from jax.experimental import pallas as pl
from jax.experimental.pallas import tpu as pltpu
from jax.experimental.pallas import tpu_sc as plsc

N = 256
L = 16

CHUNK = 8192
WAVE = 16
ZROWS = 128


def _sc_body(nedges, rows_total, idx_hbm, feat_hbm, zeros_hbm, out_hbm,
             idx_v, g_v, gh_v, sh_v, cdst0, csrc0, cdst1, csrc1, stage_v,
             zvmem, acc, zw0, zw1, gsem, zsem):
    c = lax.axis_index("c")
    s = lax.axis_index("s")
    epw = nedges // 16
    base_e = s * epw
    half = rows_total // 2
    sc_base = c * half
    nch = half // CHUNK
    zrows = CHUNK // 16
    my0 = s * zrows

    pltpu.sync_copy(idx_hbm.at[:, pl.ds(base_e, epw)], idx_v)
    pltpu.sync_copy(zeros_hbm, zvmem)

    def g_step(t, _):
        iv = idx_v[0, pl.ds(t * L, L)]
        jv = idx_v[1, pl.ds(t * L, L)]
        b = (base_e + t * L) // (nedges // 4)
        g_v[pl.ds(t * L, L)] = b * (N * N) + iv * N + jv
        return ()

    lax.fori_loop(0, epw // L, g_step, (), unroll=False)

    def pre_step(t, k):
        gv = g_v[pl.ds(t * L, L)]
        rel = gv - sc_base
        m = (rel >= 0) & (rel < half)
        cum = plsc.cumsum(m.astype(jnp.int32))
        pos = k + cum - 1
        plsc.store_scatter(gh_v, [pos], rel, mask=m)
        src = base_e + t * L + lax.iota(jnp.int32, L)
        plsc.store_scatter(sh_v, [pos], src, mask=m)
        return k + cum[L - 1]

    khalf = lax.fori_loop(0, epw // L, pre_step, jnp.int32(0), unroll=False)
    gh_v[pl.ds(khalf, L)] = jnp.full((L,), -1, jnp.int32)
    sh_v[pl.ds(khalf, L)] = jnp.full((L,), base_e, jnp.int32)
    nhg = (khalf + L - 1) // L

    for z in range(zrows // ZROWS):
        pltpu.sync_copy(zvmem, acc.at[pl.ds(my0 + z * ZROWS, ZROWS)])

    @pl.when(s == 0)
    def _():
        pltpu.sync_copy(zvmem.at[pl.ds(0, L)], acc.at[pl.ds(CHUNK, L)])

    plsc.subcore_barrier()

    def fire_zero(ch, sem):
        base = sc_base + ch * CHUNK + my0
        for z in range(zrows // ZROWS):
            pltpu.async_copy(
                zvmem, out_hbm.at[pl.ds(base + z * ZROWS, ZROWS)], sem)

    def drain_zero(sem):
        for z in range(zrows // ZROWS):
            pltpu.make_async_copy(
                zvmem, out_hbm.at[pl.ds(my0, ZROWS)], sem).wait()

    fire_zero(0, zw0)
    fire_zero(1, zw1)

    def compact(lo, cdst, csrc):
        rel_lo = lo - sc_base

        def comp_step(t, k):
            gv = gh_v[pl.ds(t * L, L)]
            rel = gv - rel_lo
            m = (rel >= 0) & (rel < CHUNK)
            cum = plsc.cumsum(m.astype(jnp.int32))
            pos = k + cum - 1
            plsc.store_scatter(cdst, [pos], rel, mask=m)
            src = sh_v[pl.ds(t * L, L)]
            plsc.store_scatter(csrc, [pos], src, mask=m)
            return k + cum[L - 1]

        k = lax.fori_loop(0, nhg, comp_step, jnp.int32(0), unroll=False)
        cdst[pl.ds(k, L)] = jnp.full((L,), CHUNK, jnp.int32)
        csrc[pl.ds(k, L)] = jnp.full((L,), base_e, jnp.int32)
        return k

    def gather_desc():
        return pltpu.make_async_copy(
            feat_hbm.at[csrc0[pl.ds(0, L)]], stage_v.at[pl.ds(0, L)], gsem)

    def add_desc():
        return pltpu.make_async_copy(
            stage_v.at[pl.ds(0, L)], acc.at[cdst0[pl.ds(0, L)]], gsem)

    def rz_desc():
        return pltpu.make_async_copy(
            zvmem.at[pl.ds(0, L)], acc.at[cdst0[pl.ds(0, L)]], zsem)

    def fire_gathers(csrc, g0, gcnt, sem):
        def gather_step(q, _):
            sv = csrc[pl.ds((g0 + q) * L, L)]
            pltpu.async_copy(feat_hbm.at[sv],
                             stage_v.at[pl.ds(q * L, L)], sem)
            return ()

        lax.fori_loop(0, gcnt, gather_step, (), unroll=False)

    def fire_adds(cdst, g0, gcnt, sem):
        def add_step(q, _):
            dv = cdst[pl.ds((g0 + q) * L, L)]
            pltpu.async_copy(stage_v.at[pl.ds(q * L, L)],
                             acc.at[dv], sem, add=True)
            return ()

        lax.fori_loop(0, gcnt, add_step, (), unroll=False)

    def drain(desc_fn, cnt):
        lax.fori_loop(0, cnt, lambda q, _: (desc_fn().wait(),)[1:],
                      (), unroll=False)

    def wave_adds(cdst, csrc, ng):
        gcnt0 = jnp.minimum(ng, WAVE)
        drain(gather_desc, gcnt0)
        fire_adds(cdst, 0, gcnt0, gsem)
        drain(add_desc, gcnt0)

        @pl.when(ng > WAVE)
        def _():
            def wave_step(w, _):
                g0 = w * WAVE
                gcnt = jnp.minimum(ng - g0, WAVE)
                fire_gathers(csrc, g0, gcnt, gsem)
                drain(gather_desc, gcnt)
                fire_adds(cdst, g0, gcnt, gsem)
                drain(add_desc, gcnt)
                return ()

            lax.fori_loop(1, (ng + WAVE - 1) // WAVE, wave_step, (),
                          unroll=False)

    def extract(lo, cdst, ng):
        def x_step(w, _):
            g0 = w * WAVE
            gcnt = jnp.minimum(ng - g0, WAVE)

            def xg_step(q, _):
                dv = cdst[pl.ds((g0 + q) * L, L)]
                dvx = jnp.where(dv >= CHUNK, 0, dv)
                pltpu.async_copy(acc.at[dvx],
                                 stage_v.at[pl.ds(q * L, L)], gsem)
                return ()

            lax.fori_loop(0, gcnt, xg_step, (), unroll=False)
            drain(xgather_desc, gcnt)

            def xs_step(q, _):
                dv = cdst[pl.ds((g0 + q) * L, L)]
                dvx = lo + jnp.where(dv >= CHUNK, 0, dv)
                pltpu.async_copy(stage_v.at[pl.ds(q * L, L)],
                                 out_hbm.at[dvx], gsem)
                return ()

            lax.fori_loop(0, gcnt, xs_step, (), unroll=False)
            drain(xscatter_desc, gcnt)
            return ()

        lax.fori_loop(0, (ng + WAVE - 1) // WAVE, x_step, (), unroll=False)

    def xgather_desc():
        return pltpu.make_async_copy(
            acc.at[cdst0[pl.ds(0, L)]], stage_v.at[pl.ds(0, L)], gsem)

    def xscatter_desc():
        return pltpu.make_async_copy(
            stage_v.at[pl.ds(0, L)], out_hbm.at[cdst0[pl.ds(0, L)]], gsem)

    def do_chunk(ch, zw, cdst, csrc, cdst_prev, k_prev):
        lo = sc_base + ch * CHUNK
        k = compact(lo, cdst, csrc)
        ng = (k + L - 1) // L
        fire_gathers(csrc, 0, jnp.minimum(ng, WAVE), gsem)

        @pl.when(ch >= 1)
        def _():
            ngp = (k_prev + L - 1) // L

            def rz_step(gi, _):
                dv = cdst_prev[pl.ds(gi * L, L)]
                pltpu.async_copy(zvmem.at[pl.ds(0, L)], acc.at[dv], zsem)
                return ()

            lax.fori_loop(0, ngp, rz_step, (), unroll=False)
            drain(rz_desc, ngp)

        plsc.subcore_barrier()

        wave_adds(cdst, csrc, ng)
        drain_zero(zw)
        plsc.subcore_barrier()

        extract(lo, cdst, ng)

        @pl.when(ch + 2 < nch)
        def _():
            fire_zero(ch + 2, zw)

        plsc.subcore_barrier()
        return k

    def pair(cc, ks):
        k0, k1 = ks
        k0 = do_chunk(2 * cc, zw0, cdst0, csrc0, cdst1, k1)
        k1 = do_chunk(2 * cc + 1, zw1, cdst1, csrc1, cdst0, k0)
        return (k0, k1)

    lax.fori_loop(0, nch // 2, pair, (jnp.int32(0), jnp.int32(0)),
                  unroll=False)


def kernel(edge_features_batch, pair_indices_batch):
    B, E, F = edge_features_batch.shape
    P = N * N
    rows_total = B * P
    nedges = B * E

    feat = edge_features_batch.reshape(nedges, F)
    idx = pair_indices_batch.astype(jnp.int32).reshape(nedges, 2).T
    zeros = jnp.zeros((ZROWS, F), jnp.float32)
    epw = nedges // 16

    mesh = plsc.VectorSubcoreMesh(core_axis_name="c", subcore_axis_name="s")
    run = pl.kernel(
        functools.partial(_sc_body, nedges, rows_total),
        mesh=mesh,
        compiler_params=pltpu.CompilerParams(needs_layout_passes=False),
        out_type=jax.ShapeDtypeStruct((rows_total, F), jnp.float32),
        scratch_types=[
            pltpu.VMEM((2, epw), jnp.int32),
            pltpu.VMEM((epw,), jnp.int32),
            pltpu.VMEM((epw + 2 * L,), jnp.int32),
            pltpu.VMEM((epw + 2 * L,), jnp.int32),
            pltpu.VMEM((epw + 2 * L,), jnp.int32),
            pltpu.VMEM((epw + 2 * L,), jnp.int32),
            pltpu.VMEM((epw + 2 * L,), jnp.int32),
            pltpu.VMEM((epw + 2 * L,), jnp.int32),
            pltpu.VMEM((WAVE * L, F), jnp.float32),
            pltpu.VMEM((ZROWS, F), jnp.float32),
            pltpu.VMEM_SHARED((CHUNK + L, F), jnp.float32),
            pltpu.SemaphoreType.DMA,
            pltpu.SemaphoreType.DMA,
            pltpu.SemaphoreType.DMA,
            pltpu.SemaphoreType.DMA,
        ],
    )
    out = run(idx, feat, zeros)
    return out.reshape(B, N, N, F)

# --- scband reference (transcript-rebuilt; emitter-appended) ---
"""Pipeline reference for scband-edges-augmented-layer-56538949484714 (READ-ONLY COPY).

The authoritative reference and input builder live on the scoring server;
editing this copy changes nothing except your own understanding.
"""

import jax, jax.numpy as jnp
import numpy as np


def setup_inputs(seed: int = 0) -> dict:
    key = jax.random.key(seed)
    k1, k2 = jax.random.split(key)
    B, E, feat = 4, 2048, 128
    N = 256
    edge_features_batch = jax.random.normal(k1, (B, E, feat), dtype=jnp.float32)
    pair_indices_batch = jax.random.randint(k2, (B, E, 2), 0, N, dtype=jnp.int64)
    # Guarantee the max atom index is present so the output shape is deterministic
    pair_indices_batch = pair_indices_batch.at[0, 0, 0].set(N - 1)
    return {"edge_features_batch": edge_features_batch, "pair_indices_batch": pair_indices_batch}


def reference(edge_features_batch, pair_indices_batch):
    # Faithful translation of EdgesAugmentedLayer.call:
    # scatter-add edge features into a dense [B, N, N, feat] augmented adjacency tensor,
    # where N = max atom index in the batch + 1.
    B, E, feat = edge_features_batch.shape
    pair_dim = pair_indices_batch.shape[-1]
    max_num_atoms = 256
    batch_index = jnp.repeat(jnp.arange(B, dtype=jnp.int64), E)
    indices = pair_indices_batch.reshape(-1, pair_dim)
    updates = edge_features_batch.reshape(-1, feat)
    initial = jnp.zeros((B, max_num_atoms, max_num_atoms, feat), dtype=edge_features_batch.dtype)
    augmented = initial.at[batch_index, indices[:, 0], indices[:, 1]].add(updates)
    return augmented

if __name__ == "__main__":
    import jax
    _d = setup_inputs()
    print(jax.jit(kernel)(*tuple(_d.values())))

</pallas_src>

<mosaic_0001>
#map = affine_map<(d0, d1) -> (0, 0)>
module attributes {stable_mosaic.version = 14 : i64} {
  func.func @_sc_body(%arg0: i32, %arg1: i32, %arg2: memref<2x8192xi32, #tpu.memory_space<hbm>>, %arg3: memref<8192x128xf32, #tpu.memory_space<hbm>>, %arg4: memref<128x128xf32, #tpu.memory_space<hbm>>, %arg5: memref<262144x128xf32, #tpu.memory_space<hbm>>, %arg6: memref<2x512xi32, #tpu.memory_space<vmem>>, %arg7: memref<512xi32, #tpu.memory_space<vmem>>, %arg8: memref<544xi32, #tpu.memory_space<vmem>>, %arg9: memref<544xi32, #tpu.memory_space<vmem>>, %arg10: memref<544xi32, #tpu.memory_space<vmem>>, %arg11: memref<544xi32, #tpu.memory_space<vmem>>, %arg12: memref<544xi32, #tpu.memory_space<vmem>>, %arg13: memref<544xi32, #tpu.memory_space<vmem>>, %arg14: memref<256x128xf32, #tpu.memory_space<vmem>>, %arg15: memref<128x128xf32, #tpu.memory_space<vmem>>, %arg16: memref<8208x128xf32, #tpu.memory_space<vmem_shared>>, %arg17: memref<!tpu.dma_semaphore, #tpu.memory_space<semaphore_mem>>, %arg18: memref<!tpu.dma_semaphore, #tpu.memory_space<semaphore_mem>>, %arg19: memref<!tpu.dma_semaphore, #tpu.memory_space<semaphore_mem>>, %arg20: memref<!tpu.dma_semaphore, #tpu.memory_space<semaphore_mem>>) attributes {dimension_semantics = [#tpu.dimension_semantics<core_parallel>, #tpu.dimension_semantics<subcore_parallel>], iteration_bounds = array<i64: 2, 16>, scalar_prefetch = 0 : i64, scratch_operands = 15 : i64, tpu.core_type = #tpu.core_type<sc_vector_subcore>, window_params = [{transform_indices = #map}, {transform_indices = #map}, {transform_indices = #map}, {transform_indices = #map}]} {
    %mul3A = arith.constant 512 : i32
    %mul3A_0 = arith.muli %arg1, %mul3A : i32
    %mul3A_1 = arith.constant 131072 : i32
    %mul3A_2 = arith.muli %arg0, %mul3A_1 : i32
    %mul3A_3 = arith.constant 512 : i32
    %mul3A_4 = arith.muli %arg1, %mul3A_3 : i32
    "tpu.region"() ({
      %run_scoped3A = tpu.sem_alloc : memref<!tpu.dma_semaphore, #tpu.memory_space<semaphore_mem>>
      %dma_start3A_111 = arith.constant 0 : i32
      %dma_start3A_112 = tpu.memref_slice %arg2[%dma_start3A_111, %mul3A_0] : memref<2x8192xi32, #tpu.memory_space<hbm>> -> memref<2x512xi32, #tpu.memory_space<hbm>>
      %dma_start3A_113 = arith.constant 0 : i32
      %dma_start3A_114 = tpu.memref_slice %arg2[%dma_start3A_113, %mul3A_0] : memref<2x8192xi32, #tpu.memory_space<hbm>> -> memref<2x512xi32, #tpu.memory_space<hbm>>
      tpu.enqueue_dma source(%dma_start3A_114 : memref<2x512xi32, #tpu.memory_space<hbm>>) target(%arg6 : memref<2x512xi32, #tpu.memory_space<vmem>>) target_semaphore(%run_scoped3A : memref<!tpu.dma_semaphore, #tpu.memory_space<semaphore_mem>>)
      %dma_wait3A = arith.constant 0 : i32
      %dma_wait3A_115 = tpu.memref_slice %arg2[%dma_wait3A, %mul3A_0] : memref<2x8192xi32, #tpu.memory_space<hbm>> -> memref<2x512xi32, #tpu.memory_space<hbm>>
      %dma_wait3A_116 = arith.constant 0 : i32
      %dma_wait3A_117 = tpu.memref_slice %arg2[%dma_wait3A_116, %mul3A_0] : memref<2x8192xi32, #tpu.memory_space<hbm>> -> memref<2x512xi32, #tpu.memory_space<hbm>>
      tpu.wait_dma2 semaphore(%run_scoped3A : memref<!tpu.dma_semaphore, #tpu.memory_space<semaphore_mem>>) src(%dma_wait3A_117 : memref<2x512xi32, #tpu.memory_space<hbm>>) dst(%arg6 : memref<2x512xi32, #tpu.memory_space<vmem>>)
      tpu.yield
    }) : () -> ()
    "tpu.region"() ({
      %run_scoped3A = tpu.sem_alloc : memref<!tpu.dma_semaphore, #tpu.memory_space<semaphore_mem>>
      tpu.enqueue_dma source(%arg4 : memref<128x128xf32, #tpu.memory_space<hbm>>) target(%arg15 : memref<128x128xf32, #tpu.memory_space<vmem>>) target_semaphore(%run_scoped3A : memref<!tpu.dma_semaphore, #tpu.memory_space<semaphore_mem>>)
      tpu.wait_dma2 semaphore(%run_scoped3A : memref<!tpu.dma_semaphore, #tpu.memory_space<semaphore_mem>>) src(%arg4 : memref<128x128xf32, #tpu.memory_space<hbm>>) dst(%arg15 : memref<128x128xf32, #tpu.memory_space<vmem>>)
      tpu.yield
    }) : () -> ()
    %scan3A = arith.constant 0 : i32
    %scan3A_5 = arith.constant 32 : i32
    %scan3A_6 = arith.addi %scan3A, %scan3A_5 : i32
    %scan3A_7 = arith.constant 1 : i32
    scf.for %scan3A_111 = %scan3A to %scan3A_6 step %scan3A_7  : i32 {
      %mul3A_112 = arith.constant 16 : i32
      %mul3A_113 = arith.muli %scan3A_111, %mul3A_112 : i32
      %get3A = arith.constant 0 : i32
      %get3A_114 = arith.index_cast %get3A : i32 to index
      %get3A_115 = arith.index_cast %mul3A_113 : i32 to index
      %get3A_116 = tpu.vector_load %arg6[%get3A_114, %get3A_115] {strides = array<i32>} : memref<2x512xi32, #tpu.memory_space<vmem>>, vector<16xi32>,
      %mul3A_117 = arith.constant 16 : i32
      %mul3A_118 = arith.muli %scan3A_111, %mul3A_117 : i32
      %get3A_119 = arith.constant 1 : i32
      %get3A_120 = arith.index_cast %get3A_119 : i32 to index
      %get3A_121 = arith.index_cast %mul3A_118 : i32 to index
      %get3A_122 = tpu.vector_load %arg6[%get3A_120, %get3A_121] {strides = array<i32>} : memref<2x512xi32, #tpu.memory_space<vmem>>, vector<16xi32>,
      %mul3A_123 = arith.constant 16 : i32
      %mul3A_124 = arith.muli %scan3A_111, %mul3A_123 : i32
      %add3A_125 = arith.addi %mul3A_0, %mul3A_124 : i32
      %jit3A_126 = arith.constant 2048 : i32
      %div3A_127 = arith.divsi %add3A_125, %jit3A_126 : i32
      %sign3A_128 = arith.constant 0 : i32
      %sign3A_129 = arith.cmpi sgt, %add3A_125, %sign3A_128 : i32
      %sign3A_130 = arith.extui %sign3A_129 : i1 to i32
      %sign3A_131 = arith.constant 0 : i32
      %sign3A_132 = arith.cmpi slt, %add3A_125, %sign3A_131 : i32
      %sign3A_133 = arith.extui %sign3A_132 : i1 to i32
      %sign3A_134 = arith.subi %sign3A_130, %sign3A_133 : i32
      %sign3A_135 = arith.constant 0 : i32
      %sign3A_136 = arith.cmpi sgt, %jit3A_126, %sign3A_135 : i32
      %sign3A_137 = arith.extui %sign3A_136 : i1 to i32
      %sign3A_138 = arith.constant 0 : i32
      %sign3A_139 = arith.cmpi slt, %jit3A_126, %sign3A_138 : i32
      %sign3A_140 = arith.extui %sign3A_139 : i1 to i32
      %sign3A_141 = arith.subi %sign3A_137, %sign3A_140 : i32
      %ne3A_142 = arith.cmpi ne, %sign3A_134, %sign3A_141 : i32
      %rem3A_143 = arith.remsi %add3A_125, %jit3A_126 : i32
      %ne3A_144 = arith.constant 0 : i32
      %ne3A_145 = arith.cmpi ne, %rem3A_143, %ne3A_144 : i32
      %and3A_146 = arith.andi %ne3A_142, %ne3A_145 : i1
      %sub3A_147 = arith.constant 1 : i32
      %sub3A_148 = arith.subi %div3A_127, %sub3A_147 : i32
      %select_n3A_149 = arith.select %and3A_146, %sub3A_148, %div3A_127 : i32
      %mul3A_150 = arith.constant 65536 : i32
      %mul3A_151 = arith.muli %select_n3A_149, %mul3A_150 : i32
      %mul3A_152 = arith.constant 256 : i32
      %mul3A_153 = vector.broadcast %mul3A_152 : i32 to vector<16xi32>
      %mul3A_154 = arith.muli %get3A_116, %mul3A_153 : vector<16xi32>
      %add3A_155 = vector.broadcast %mul3A_151 : i32 to vector<16xi32>
      %add3A_156 = arith.addi %add3A_155, %mul3A_154 : vector<16xi32>
      %add3A_157 = arith.addi %add3A_156, %get3A_122 : vector<16xi32>
      %mul3A_158 = arith.constant 16 : i32
      %mul3A_159 = arith.muli %scan3A_111, %mul3A_158 : i32
      %swap3A_160 = arith.index_cast %mul3A_159 : i32 to index
      %swap3A_161 = tpu.vector_load %arg7[%swap3A_160] {strides = array<i32>} : memref<512xi32, #tpu.memory_space<vmem>>, vector<16xi32>,
      tpu.vector_store %arg7[%swap3A_160], %add3A_157 {strides = array<i32>} : memref<512xi32, #tpu.memory_space<vmem>>, vector<16xi32>,
    }
    %scan3A_8 = arith.constant 32 : i32
    %scan3A_9 = arith.constant 0 : i32
    %scan3A_10 = arith.constant 0 : i32
    %scan3A_11 = arith.constant 32 : i32
    %scan3A_12 = arith.addi %scan3A_10, %scan3A_11 : i32
    %scan3A_13 = arith.constant 1 : i32
    %scan3A_14 = scf.for %scan3A_111 = %scan3A_10 to %scan3A_12 step %scan3A_13 iter_args(%scan3A_112 = %scan3A_9) -> (i32)  : i32 {
      %mul3A_113 = arith.constant 16 : i32
      %mul3A_114 = arith.muli %scan3A_111, %mul3A_113 : i32
      %get3A = arith.index_cast %mul3A_114 : i32 to index
      %get3A_115 = tpu.vector_load %arg7[%get3A] {strides = array<i32>} : memref<512xi32, #tpu.memory_space<vmem>>, vector<16xi32>,
      %sub3A_116 = vector.broadcast %mul3A_2 : i32 to vector<16xi32>
      %sub3A_117 = arith.subi %get3A_115, %sub3A_116 : vector<16xi32>
      %ge3A = arith.constant 0 : i32
      %ge3A_118 = vector.broadcast %ge3A : i32 to vector<16xi32>
      %ge3A_119 = arith.cmpi sge, %sub3A_117, %ge3A_118 : vector<16xi32>
      %lt3A = arith.constant 131072 : i32
      %lt3A_120 = vector.broadcast %lt3A : i32 to vector<16xi32>
      %lt3A_121 = arith.cmpi slt, %sub3A_117, %lt3A_120 : vector<16xi32>
      %and3A_122 = arith.andi %ge3A_119, %lt3A_121 : vector<16xi1>
      %convert_element_type3A_123 = arith.extui %and3A_122 : vector<16xi1> to vector<16xi32>
      %broadcast_in_dim3A_124 = arith.constant true
      %broadcast_in_dim3A_125 = vector.broadcast %broadcast_in_dim3A_124 : i1 to vector<16xi1>
      %masked_cumsum3A = tpu.scan <sum>, %convert_element_type3A_123 masked %broadcast_in_dim3A_125 : vector<16xi32>, vector<16xi1> -> vector<16xi32>
      %add3A_126 = vector.broadcast %scan3A_112 : i32 to vector<16xi32>
      %add3A_127 = arith.addi %add3A_126, %masked_cumsum3A : vector<16xi32>
      %sub3A_128 = arith.constant 1 : i32
      %sub3A_129 = vector.broadcast %sub3A_128 : i32 to vector<16xi32>
      %sub3A_130 = arith.subi %add3A_127, %sub3A_129 : vector<16xi32>
      tpu.vector_store_idx %arg8[%sub3A_130], %sub3A_117 masked %and3A_122 : memref<544xi32, #tpu.memory_space<vmem>>[vector<16xi32>], vector<16xi32>, vector<16xi1>
      %mul3A_131 = arith.constant 16 : i32
      %mul3A_132 = arith.muli %scan3A_111, %mul3A_131 : i32
      %add3A_133 = arith.addi %mul3A_0, %mul3A_132 : i32
      %iota3A = tpu.iota {dimensions = array<i32: 0>} : vector<16xi32>
      %add3A_134 = vector.broadcast %add3A_133 : i32 to vector<16xi32>
      %add3A_135 = arith.addi %add3A_134, %iota3A : vector<16xi32>
      tpu.vector_store_idx %arg9[%sub3A_130], %add3A_135 masked %and3A_122 : memref<544xi32, #tpu.memory_space<vmem>>[vector<16xi32>], vector<16xi32>, vector<16xi1>
      %slice3A = vector.extract_strided_slice %masked_cumsum3A {offsets = [15], sizes = [1], strides = [1]} : vector<16xi32> to vector<1xi32>
      %squeeze3A = vector.extract %slice3A[0] : i32 from vector<1xi32>
      %add3A_136 = arith.addi %scan3A_112, %squeeze3A : i32
      scf.yield %add3A_136 : i32
    }
    %scan3A_15 = arith.constant 32 : i32
    %broadcast_in_dim3A = arith.constant -1 : i32
    %broadcast_in_dim3A_16 = vector.broadcast %broadcast_in_dim3A : i32 to vector<16xi32>
    %swap3A = arith.index_cast %scan3A_14 : i32 to index
    %swap3A_17 = tpu.vector_load %arg8[%swap3A] {strides = array<i32>} : memref<544xi32, #tpu.memory_space<vmem>>, vector<16xi32>,
    tpu.vector_store %arg8[%swap3A], %broadcast_in_dim3A_16 {strides = array<i32>} : memref<544xi32, #tpu.memory_space<vmem>>, vector<16xi32>,
    %broadcast_in_dim3A_18 = vector.broadcast %mul3A_0 : i32 to vector<16xi32>
    %swap3A_19 = arith.index_cast %scan3A_14 : i32 to index
    %swap3A_20 = tpu.vector_load %arg9[%swap3A_19] {strides = array<i32>} : memref<544xi32, #tpu.memory_space<vmem>>, vector<16xi32>,
    tpu.vector_store %arg9[%swap3A_19], %broadcast_in_dim3A_18 {strides = array<i32>} : memref<544xi32, #tpu.memory_space<vmem>>, vector<16xi32>,
    %add3A = arith.constant 16 : i32
    %add3A_21 = arith.addi %scan3A_14, %add3A : i32
    %sub3A = arith.constant 1 : i32
    %sub3A_22 = arith.subi %add3A_21, %sub3A : i32
    %jit3A = arith.constant 16 : i32
    %div3A = arith.divsi %sub3A_22, %jit3A : i32
    %sign3A = arith.constant 0 : i32
    %sign3A_23 = arith.cmpi sgt, %sub3A_22, %sign3A : i32
    %sign3A_24 = arith.extui %sign3A_23 : i1 to i32
    %sign3A_25 = arith.constant 0 : i32
    %sign3A_26 = arith.cmpi slt, %sub3A_22, %sign3A_25 : i32
    %sign3A_27 = arith.extui %sign3A_26 : i1 to i32
    %sign3A_28 = arith.subi %sign3A_24, %sign3A_27 : i32
    %sign3A_29 = arith.constant 0 : i32
    %sign3A_30 = arith.cmpi sgt, %jit3A, %sign3A_29 : i32
    %sign3A_31 = arith.extui %sign3A_30 : i1 to i32
    %sign3A_32 = arith.constant 0 : i32
    %sign3A_33 = arith.cmpi slt, %jit3A, %sign3A_32 : i32
    %sign3A_34 = arith.extui %sign3A_33 : i1 to i32
    %sign3A_35 = arith.subi %sign3A_31, %sign3A_34 : i32
    %ne3A = arith.cmpi ne, %sign3A_28, %sign3A_35 : i32
    %rem3A = arith.remsi %sub3A_22, %jit3A : i32
    %ne3A_36 = arith.constant 0 : i32
    %ne3A_37 = arith.cmpi ne, %rem3A, %ne3A_36 : i32
    %and3A = arith.andi %ne3A, %ne3A_37 : i1
    %sub3A_38 = arith.constant 1 : i32
    %sub3A_39 = arith.subi %div3A, %sub3A_38 : i32
    %select_n3A = arith.select %and3A, %sub3A_39, %div3A : i32
    %add3A_40 = arith.constant 0 : i32
    %add3A_41 = arith.addi %mul3A_4, %add3A_40 : i32
    "tpu.region"() ({
      %run_scoped3A = tpu.sem_alloc : memref<!tpu.dma_semaphore, #tpu.memory_space<semaphore_mem>>
      %dma_start3A_111 = arith.constant 0 : i32
      %dma_start3A_112 = tpu.memref_slice %arg16[%add3A_41, %dma_start3A_111] : memref<8208x128xf32, #tpu.memory_space<vmem_shared>> -> memref<128x128xf32, #tpu.memory_space<vmem_shared>>
      %dma_start3A_113 = arith.constant 0 : i32
      %dma_start3A_114 = tpu.memref_slice %arg16[%add3A_41, %dma_start3A_113] : memref<8208x128xf32, #tpu.memory_space<vmem_shared>> -> memref<128x128xf32, #tpu.memory_space<vmem_shared>>
      tpu.enqueue_dma source(%arg15 : memref<128x128xf32, #tpu.memory_space<vmem>>) target(%dma_start3A_114 : memref<128x128xf32, #tpu.memory_space<vmem_shared>>) target_semaphore(%run_scoped3A : memref<!tpu.dma_semaphore, #tpu.memory_space<semaphore_mem>>)
      %dma_wait3A = arith.constant 0 : i32
      %dma_wait3A_115 = tpu.memref_slice %arg16[%add3A_41, %dma_wait3A] : memref<8208x128xf32, #tpu.memory_space<vmem_shared>> -> memref<128x128xf32, #tpu.memory_space<vmem_shared>>
      %dma_wait3A_116 = arith.constant 0 : i32
      %dma_wait3A_117 = tpu.memref_slice %arg16[%add3A_41, %dma_wait3A_116] : memref<8208x128xf32, #tpu.memory_space<vmem_shared>> -> memref<128x128xf32, #tpu.memory_space<vmem_shared>>
      tpu.wait_dma2 semaphore(%run_scoped3A : memref<!tpu.dma_semaphore, #tpu.memory_space<semaphore_mem>>) src(%arg15 : memref<128x128xf32, #tpu.memory_space<vmem>>) dst(%dma_wait3A_117 : memref<128x128xf32, #tpu.memory_space<vmem_shared>>)
      tpu.yield
    }) : () -> ()
    %add3A_42 = arith.constant 128 : i32
    %add3A_43 = arith.addi %mul3A_4, %add3A_42 : i32
    "tpu.region"() ({
      %run_scoped3A = tpu.sem_alloc : memref<!tpu.dma_semaphore, #tpu.memory_space<semaphore_mem>>
      %dma_start3A_111 = arith.constant 0 : i32
      %dma_start3A_112 = tpu.memref_slice %arg16[%add3A_43, %dma_start3A_111] : memref<8208x128xf32, #tpu.memory_space<vmem_shared>> -> memref<128x128xf32, #tpu.memory_space<vmem_shared>>
      %dma_start3A_113 = arith.constant 0 : i32
      %dma_start3A_114 = tpu.memref_slice %arg16[%add3A_43, %dma_start3A_113] : memref<8208x128xf32, #tpu.memory_space<vmem_shared>> -> memref<128x128xf32, #tpu.memory_space<vmem_shared>>
      tpu.enqueue_dma source(%arg15 : memref<128x128xf32, #tpu.memory_space<vmem>>) target(%dma_start3A_114 : memref<128x128xf32, #tpu.memory_space<vmem_shared>>) target_semaphore(%run_scoped3A : memref<!tpu.dma_semaphore, #tpu.memory_space<semaphore_mem>>)
      %dma_wait3A = arith.constant 0 : i32
      %dma_wait3A_115 = tpu.memref_slice %arg16[%add3A_43, %dma_wait3A] : memref<8208x128xf32, #tpu.memory_space<vmem_shared>> -> memref<128x128xf32, #tpu.memory_space<vmem_shared>>
      %dma_wait3A_116 = arith.constant 0 : i32
      %dma_wait3A_117 = tpu.memref_slice %arg16[%add3A_43, %dma_wait3A_116] : memref<8208x128xf32, #tpu.memory_space<vmem_shared>> -> memref<128x128xf32, #tpu.memory_space<vmem_shared>>
      tpu.wait_dma2 semaphore(%run_scoped3A : memref<!tpu.dma_semaphore, #tpu.memory_space<semaphore_mem>>) src(%arg15 : memref<128x128xf32, #tpu.memory_space<vmem>>) dst(%dma_wait3A_117 : memref<128x128xf32, #tpu.memory_space<vmem_shared>>)
      tpu.yield
    }) : () -> ()
    %add3A_44 = arith.constant 256 : i32
    %add3A_45 = arith.addi %mul3A_4, %add3A_44 : i32
    "tpu.region"() ({
      %run_scoped3A = tpu.sem_alloc : memref<!tpu.dma_semaphore, #tpu.memory_space<semaphore_mem>>
      %dma_start3A_111 = arith.constant 0 : i32
      %dma_start3A_112 = tpu.memref_slice %arg16[%add3A_45, %dma_start3A_111] : memref<8208x128xf32, #tpu.memory_space<vmem_shared>> -> memref<128x128xf32, #tpu.memory_space<vmem_shared>>
      %dma_start3A_113 = arith.constant 0 : i32
      %dma_start3A_114 = tpu.memref_slice %arg16[%add3A_45, %dma_start3A_113] : memref<8208x128xf32, #tpu.memory_space<vmem_shared>> -> memref<128x128xf32, #tpu.memory_space<vmem_shared>>
      tpu.enqueue_dma source(%arg15 : memref<128x128xf32, #tpu.memory_space<vmem>>) target(%dma_start3A_114 : memref<128x128xf32, #tpu.memory_space<vmem_shared>>) target_semaphore(%run_scoped3A : memref<!tpu.dma_semaphore, #tpu.memory_space<semaphore_mem>>)
      %dma_wait3A = arith.constant 0 : i32
      %dma_wait3A_115 = tpu.memref_slice %arg16[%add3A_45, %dma_wait3A] : memref<8208x128xf32, #tpu.memory_space<vmem_shared>> -> memref<128x128xf32, #tpu.memory_space<vmem_shared>>
      %dma_wait3A_116 = arith.constant 0 : i32
      %dma_wait3A_117 = tpu.memref_slice %arg16[%add3A_45, %dma_wait3A_116] : memref<8208x128xf32, #tpu.memory_space<vmem_shared>> -> memref<128x128xf32, #tpu.memory_space<vmem_shared>>
      tpu.wait_dma2 semaphore(%run_scoped3A : memref<!tpu.dma_semaphore, #tpu.memory_space<semaphore_mem>>) src(%arg15 : memref<128x128xf32, #tpu.memory_space<vmem>>) dst(%dma_wait3A_117 : memref<128x128xf32, #tpu.memory_space<vmem_shared>>)
      tpu.yield
    }) : () -> ()
    %add3A_46 = arith.constant 384 : i32
    %add3A_47 = arith.addi %mul3A_4, %add3A_46 : i32
    "tpu.region"() ({
      %run_scoped3A = tpu.sem_alloc : memref<!tpu.dma_semaphore, #tpu.memory_space<semaphore_mem>>
      %dma_start3A_111 = arith.constant 0 : i32
      %dma_start3A_112 = tpu.memref_slice %arg16[%add3A_47, %dma_start3A_111] : memref<8208x128xf32, #tpu.memory_space<vmem_shared>> -> memref<128x128xf32, #tpu.memory_space<vmem_shared>>
      %dma_start3A_113 = arith.constant 0 : i32
      %dma_start3A_114 = tpu.memref_slice %arg16[%add3A_47, %dma_start3A_113] : memref<8208x128xf32, #tpu.memory_space<vmem_shared>> -> memref<128x128xf32, #tpu.memory_space<vmem_shared>>
      tpu.enqueue_dma source(%arg15 : memref<128x128xf32, #tpu.memory_space<vmem>>) target(%dma_start3A_114 : memref<128x128xf32, #tpu.memory_space<vmem_shared>>) target_semaphore(%run_scoped3A : memref<!tpu.dma_semaphore, #tpu.memory_space<semaphore_mem>>)
      %dma_wait3A = arith.constant 0 : i32
      %dma_wait3A_115 = tpu.memref_slice %arg16[%add3A_47, %dma_wait3A] : memref<8208x128xf32, #tpu.memory_space<vmem_shared>> -> memref<128x128xf32, #tpu.memory_space<vmem_shared>>
      %dma_wait3A_116 = arith.constant 0 : i32
      %dma_wait3A_117 = tpu.memref_slice %arg16[%add3A_47, %dma_wait3A_116] : memref<8208x128xf32, #tpu.memory_space<vmem_shared>> -> memref<128x128xf32, #tpu.memory_space<vmem_shared>>
      tpu.wait_dma2 semaphore(%run_scoped3A : memref<!tpu.dma_semaphore, #tpu.memory_space<semaphore_mem>>) src(%arg15 : memref<128x128xf32, #tpu.memory_space<vmem>>) dst(%dma_wait3A_117 : memref<128x128xf32, #tpu.memory_space<vmem_shared>>)
      tpu.yield
    }) : () -> ()
    %eq3A = arith.constant 0 : i32
    %eq3A_48 = arith.cmpi eq, %arg1, %eq3A : i32
    %convert_element_type3A = arith.extui %eq3A_48 : i1 to i32
    %cond3A = arith.constant 0 : i32
    %cond3A_49 = arith.cmpi ne, %convert_element_type3A, %cond3A : i32
    scf.if %cond3A_49 {
      "tpu.region"() ({
        %run_scoped3A = tpu.sem_alloc : memref<!tpu.dma_semaphore, #tpu.memory_space<semaphore_mem>>
        %dma_start3A_111 = arith.constant 0 : i32
        %dma_start3A_112 = arith.constant 0 : i32
        %dma_start3A_113 = tpu.memref_slice %arg15[%dma_start3A_111, %dma_start3A_112] : memref<128x128xf32, #tpu.memory_space<vmem>> -> memref<16x128xf32, #tpu.memory_space<vmem>>
        %dma_start3A_114 = arith.constant 8192 : i32
        %dma_start3A_115 = arith.constant 0 : i32
        %dma_start3A_116 = tpu.memref_slice %arg16[%dma_start3A_114, %dma_start3A_115] : memref<8208x128xf32, #tpu.memory_space<vmem_shared>> -> memref<16x128xf32, #tpu.memory_space<vmem_shared>>
        %dma_start3A_117 = arith.constant 8192 : i32
        %dma_start3A_118 = arith.constant 0 : i32
        %dma_start3A_119 = tpu.memref_slice %arg16[%dma_start3A_117, %dma_start3A_118] : memref<8208x128xf32, #tpu.memory_space<vmem_shared>> -> memref<16x128xf32, #tpu.memory_space<vmem_shared>>
        %dma_start3A_120 = arith.constant 0 : i32
        %dma_start3A_121 = arith.constant 0 : i32
        %dma_start3A_122 = tpu.memref_slice %arg15[%dma_start3A_120, %dma_start3A_121] : memref<128x128xf32, #tpu.memory_space<vmem>> -> memref<16x128xf32, #tpu.memory_space<vmem>>
        tpu.enqueue_dma source(%dma_start3A_122 : memref<16x128xf32, #tpu.memory_space<vmem>>) target(%dma_start3A_119 : memref<16x128xf32, #tpu.memory_space<vmem_shared>>) target_semaphore(%run_scoped3A : memref<!tpu.dma_semaphore, #tpu.memory_space<semaphore_mem>>)
        %dma_wait3A = arith.constant 0 : i32
        %dma_wait3A_123 = arith.constant 0 : i32
        %dma_wait3A_124 = tpu.memref_slice %arg15[%dma_wait3A, %dma_wait3A_123] : memref<128x128xf32, #tpu.memory_space<vmem>> -> memref<16x128xf32, #tpu.memory_space<vmem>>
        %dma_wait3A_125 = arith.constant 8192 : i32
        %dma_wait3A_126 = arith.constant 0 : i32
        %dma_wait3A_127 = tpu.memref_slice %arg16[%dma_wait3A_125, %dma_wait3A_126] : memref<8208x128xf32, #tpu.memory_space<vmem_shared>> -> memref<16x128xf32, #tpu.memory_space<vmem_shared>>
        %dma_wait3A_128 = arith.constant 8192 : i32
        %dma_wait3A_129 = arith.constant 0 : i32
        %dma_wait3A_130 = tpu.memref_slice %arg16[%dma_wait3A_128, %dma_wait3A_129] : memref<8208x128xf32, #tpu.memory_space<vmem_shared>> -> memref<16x128xf32, #tpu.memory_space<vmem_shared>>
        %dma_wait3A_131 = arith.constant 0 : i32
        %dma_wait3A_132 = arith.constant 0 : i32
        %dma_wait3A_133 = tpu.memref_slice %arg15[%dma_wait3A_131, %dma_wait3A_132] : memref<128x128xf32, #tpu.memory_space<vmem>> -> memref<16x128xf32, #tpu.memory_space<vmem>>
        tpu.wait_dma2 semaphore(%run_scoped3A : memref<!tpu.dma_semaphore, #tpu.memory_space<semaphore_mem>>) src(%dma_wait3A_133 : memref<16x128xf32, #tpu.memory_space<vmem>>) dst(%dma_wait3A_130 : memref<16x128xf32, #tpu.memory_space<vmem_shared>>)
        tpu.yield
      }) : () -> ()
    } else {
    }
    %barrier3A = arith.constant 0 : index
    tpu.barrier barrier_id(%barrier3A)
    %add3A_50 = arith.constant 0 : i32
    %add3A_51 = arith.addi %mul3A_2, %add3A_50 : i32
    %add3A_52 = arith.addi %add3A_51, %mul3A_4 : i32
    %add3A_53 = arith.constant 0 : i32
    %add3A_54 = arith.addi %add3A_52, %add3A_53 : i32
    %dma_start3A = arith.constant 0 : i32
    %dma_start3A_55 = tpu.memref_slice %arg5[%add3A_54, %dma_start3A] : memref<262144x128xf32, #tpu.memory_space<hbm>> -> memref<128x128xf32, #tpu.memory_space<hbm>>
    %dma_start3A_56 = arith.constant 0 : i32
    %dma_start3A_57 = tpu.memref_slice %arg5[%add3A_54, %dma_start3A_56] : memref<262144x128xf32, #tpu.memory_space<hbm>> -> memref<128x128xf32, #tpu.memory_space<hbm>>
    tpu.enqueue_dma source(%arg15 : memref<128x128xf32, #tpu.memory_space<vmem>>) target(%dma_start3A_57 : memref<128x128xf32, #tpu.memory_space<hbm>>) target_semaphore(%arg17 : memref<!tpu.dma_semaphore, #tpu.memory_space<semaphore_mem>>)
    %add3A_58 = arith.constant 128 : i32
    %add3A_59 = arith.addi %add3A_52, %add3A_58 : i32
    %dma_start3A_60 = arith.constant 0 : i32
    %dma_start3A_61 = tpu.memref_slice %arg5[%add3A_59, %dma_start3A_60] : memref<262144x128xf32, #tpu.memory_space<hbm>> -> memref<128x128xf32, #tpu.memory_space<hbm>>
    %dma_start3A_62 = arith.constant 0 : i32
    %dma_start3A_63 = tpu.memref_slice %arg5[%add3A_59, %dma_start3A_62] : memref<262144x128xf32, #tpu.memory_space<hbm>> -> memref<128x128xf32, #tpu.memory_space<hbm>>
    tpu.enqueue_dma source(%arg15 : memref<128x128xf32, #tpu.memory_space<vmem>>) target(%dma_start3A_63 : memref<128x128xf32, #tpu.memory_space<hbm>>) target_semaphore(%arg17 : memref<!tpu.dma_semaphore, #tpu.memory_space<semaphore_mem>>)
    %add3A_64 = arith.constant 256 : i32
    %add3A_65 = arith.addi %add3A_52, %add3A_64 : i32
    %dma_start3A_66 = arith.constant 0 : i32
    %dma_start3A_67 = tpu.memref_slice %arg5[%add3A_65, %dma_start3A_66] : memref<262144x128xf32, #tpu.memory_space<hbm>> -> memref<128x128xf32, #tpu.memory_space<hbm>>
    %dma_start3A_68 = arith.constant 0 : i32
    %dma_start3A_69 = tpu.memref_slice %arg5[%add3A_65, %dma_start3A_68] : memref<262144x128xf32, #tpu.memory_space<hbm>> -> memref<128x128xf32, #tpu.memory_space<hbm>>
    tpu.enqueue_dma source(%arg15 : memref<128x128xf32, #tpu.memory_space<vmem>>) target(%dma_start3A_69 : memref<128x128xf32, #tpu.memory_space<hbm>>) target_semaphore(%arg17 : memref<!tpu.dma_semaphore, #tpu.memory_space<semaphore_mem>>)
    %add3A_70 = arith.constant 384 : i32
    %add3A_71 = arith.addi %add3A_52, %add3A_70 : i32
    %dma_start3A_72 = arith.constant 0 : i32
    %dma_start3A_73 = tpu.memref_slice %arg5[%add3A_71, %dma_start3A_72] : memref<262144x128xf32, #tpu.memory_space<hbm>> -> memref<128x128xf32, #tpu.memory_space<hbm>>
    %dma_start3A_74 = arith.constant 0 : i32
    %dma_start3A_75 = tpu.memref_slice %arg5[%add3A_71, %dma_start3A_74] : memref<262144x128xf32, #tpu.memory_space<hbm>> -> memref<128x128xf32, #tpu.memory_space<hbm>>
    tpu.enqueue_dma source(%arg15 : memref<128x128xf32, #tpu.memory_space<vmem>>) target(%dma_start3A_75 : memref<128x128xf32, #tpu.memory_space<hbm>>) target_semaphore(%arg17 : memref<!tpu.dma_semaphore, #tpu.memory_space<semaphore_mem>>)
    %add3A_76 = arith.constant 8192 : i32
    %add3A_77 = arith.addi %mul3A_2, %add3A_76 : i32
    %add3A_78 = arith.addi %add3A_77, %mul3A_4 : i32
    %add3A_79 = arith.constant 0 : i32
    %add3A_80 = arith.addi %add3A_78, %add3A_79 : i32
    %dma_start3A_81 = arith.constant 0 : i32
    %dma_start3A_82 = tpu.memref_slice %arg5[%add3A_80, %dma_start3A_81] : memref<262144x128xf32, #tpu.memory_space<hbm>> -> memref<128x128xf32, #tpu.memory_space<hbm>>
    %dma_start3A_83 = arith.constant 0 : i32
    %dma_start3A_84 = tpu.memref_slice %arg5[%add3A_80, %dma_start3A_83] : memref<262144x128xf32, #tpu.memory_space<hbm>> -> memref<128x128xf32, #tpu.memory_space<hbm>>
    tpu.enqueue_dma source(%arg15 : memref<128x128xf32, #tpu.memory_space<vmem>>) target(%dma_start3A_84 : memref<128x128xf32, #tpu.memory_space<hbm>>) target_semaphore(%arg18 : memref<!tpu.dma_semaphore, #tpu.memory_space<semaphore_mem>>)
    %add3A_85 = arith.constant 128 : i32
    %add3A_86 = arith.addi %add3A_78, %add3A_85 : i32
    %dma_start3A_87 = arith.constant 0 : i32
    %dma_start3A_88 = tpu.memref_slice %arg5[%add3A_86, %dma_start3A_87] : memref<262144x128xf32, #tpu.memory_space<hbm>> -> memref<128x128xf32, #tpu.memory_space<hbm>>
    %dma_start3A_89 = arith.constant 0 : i32
    %dma_start3A_90 = tpu.memref_slice %arg5[%add3A_86, %dma_start3A_89] : memref<262144x128xf32, #tpu.memory_space<hbm>> -> memref<128x128xf32, #tpu.memory_space<hbm>>
    tpu.enqueue_dma source(%arg15 : memref<128x128xf32, #tpu.memory_space<vmem>>) target(%dma_start3A_90 : memref<128x128xf32, #tpu.memory_space<hbm>>) target_semaphore(%arg18 : memref<!tpu.dma_semaphore, #tpu.memory_space<semaphore_mem>>)
    %add3A_91 = arith.constant 256 : i32
    %add3A_92 = arith.addi %add3A_78, %add3A_91 : i32
    %dma_start3A_93 = arith.constant 0 : i32
    %dma_start3A_94 = tpu.memref_slice %arg5[%add3A_92, %dma_start3A_93] : memref<262144x128xf32, #tpu.memory_space<hbm>> -> memref<128x128xf32, #tpu.memory_space<hbm>>
    %dma_start3A_95 = arith.constant 0 : i32
    %dma_start3A_96 = tpu.memref_slice %arg5[%add3A_92, %dma_start3A_95] : memref<262144x128xf32, #tpu.memory_space<hbm>> -> memref<128x128xf32, #tpu.memory_space<hbm>>
    tpu.enqueue_dma source(%arg15 : memref<128x128xf32, #tpu.memory_space<vmem>>) target(%dma_start3A_96 : memref<128x128xf32, #tpu.memory_space<hbm>>) target_semaphore(%arg18 : memref<!tpu.dma_semaphore, #tpu.memory_space<semaphore_mem>>)
    %add3A_97 = arith.constant 384 : i32
    %add3A_98 = arith.addi %add3A_78, %add3A_97 : i32
    %dma_start3A_99 = arith.constant 0 : i32
    %dma_start3A_100 = tpu.memref_slice %arg5[%add3A_98, %dma_start3A_99] : memref<262144x128xf32, #tpu.memory_space<hbm>> -> memref<128x128xf32, #tpu.memory_space<hbm>>
    %dma_start3A_101 = arith.constant 0 : i32
    %dma_start3A_102 = tpu.memref_slice %arg5[%add3A_98, %dma_start3A_101] : memref<262144x128xf32, #tpu.memory_space<hbm>> -> memref<128x128xf32, #tpu.memory_space<hbm>>
    tpu.enqueue_dma source(%arg15 : memref<128x128xf32, #tpu.memory_space<vmem>>) target(%dma_start3A_102 : memref<128x128xf32, #tpu.memory_space<hbm>>) target_semaphore(%arg18 : memref<!tpu.dma_semaphore, #tpu.memory_space<semaphore_mem>>)
    %scan3A_103 = arith.constant 0 : i32
    %scan3A_104 = arith.constant 0 : i32
    %scan3A_105 = arith.constant 0 : i32
    %scan3A_106 = arith.constant 8 : i32
    %scan3A_107 = arith.addi %scan3A_105, %scan3A_106 : i32
    %scan3A_108 = arith.constant 1 : i32
    %scan3A_109:2 = scf.for %scan3A_111 = %scan3A_105 to %scan3A_107 step %scan3A_108 iter_args(%scan3A_112 = %scan3A_103, %scan3A_113 = %scan3A_104) -> (i32, i32)  : i32 {
      %mul3A_114 = arith.constant 2 : i32
      %mul3A_115 = arith.muli %mul3A_114, %scan3A_111 : i32
      %mul3A_116 = arith.constant 8192 : i32
      %mul3A_117 = arith.muli %mul3A_115, %mul3A_116 : i32
      %add3A_118 = arith.addi %mul3A_2, %mul3A_117 : i32
      %sub3A_119 = arith.subi %add3A_118, %mul3A_2 : i32
      %while3A = arith.constant 0 : i32
      %while3A_120 = arith.constant 0 : i32
      %while3A_121 = arith.subi %select_n3A, %while3A : i32
      %while3A_122 = arith.addi %while3A, %while3A_121 : i32
      %while3A_123 = arith.constant 1 : i32
      %while3A_124 = arith.divsi %while3A_121, %while3A_123 : i32
      %while3A_125 = arith.muli %while3A_124, %while3A_123 : i32
      %while3A_126 = arith.addi %while3A, %while3A_125 : i32
      %while3A_127 = arith.constant 1 : i32
      %while3A_128 = scf.for %while3A_442 = %while3A to %while3A_126 step %while3A_127 iter_args(%while3A_443 = %while3A_120) -> (i32)  : i32 {
        %mul3A_444 = arith.constant 16 : i32
        %mul3A_445 = arith.muli %while3A_442, %mul3A_444 : i32
        %get3A = arith.index_cast %mul3A_445 : i32 to index
        %get3A_446 = tpu.vector_load %arg8[%get3A] {strides = array<i32>} : memref<544xi32, #tpu.memory_space<vmem>>, vector<16xi32>,
        %sub3A_447 = vector.broadcast %sub3A_119 : i32 to vector<16xi32>
        %sub3A_448 = arith.subi %get3A_446, %sub3A_447 : vector<16xi32>
        %ge3A_449 = arith.constant 0 : i32
        %ge3A_450 = vector.broadcast %ge3A_449 : i32 to vector<16xi32>
        %ge3A_451 = arith.cmpi sge, %sub3A_448, %ge3A_450 : vector<16xi32>
        %lt3A_452 = arith.constant 8192 : i32
        %lt3A_453 = vector.broadcast %lt3A_452 : i32 to vector<16xi32>
        %lt3A_454 = arith.cmpi slt, %sub3A_448, %lt3A_453 : vector<16xi32>
        %and3A_455 = arith.andi %ge3A_451, %lt3A_454 : vector<16xi1>
        %convert_element_type3A_456 = arith.extui %and3A_455 : vector<16xi1> to vector<16xi32>
        %broadcast_in_dim3A_457 = arith.constant true
        %broadcast_in_dim3A_458 = vector.broadcast %broadcast_in_dim3A_457 : i1 to vector<16xi1>
        %masked_cumsum3A = tpu.scan <sum>, %convert_element_type3A_456 masked %broadcast_in_dim3A_458 : vector<16xi32>, vector<16xi1> -> vector<16xi32>
        %add3A_459 = vector.broadcast %while3A_443 : i32 to vector<16xi32>
        %add3A_460 = arith.addi %add3A_459, %masked_cumsum3A : vector<16xi32>
        %sub3A_461 = arith.constant 1 : i32
        %sub3A_462 = vector.broadcast %sub3A_461 : i32 to vector<16xi32>
        %sub3A_463 = arith.subi %add3A_460, %sub3A_462 : vector<16xi32>
        tpu.vector_store_idx %arg10[%sub3A_463], %sub3A_448 masked %and3A_455 : memref<544xi32, #tpu.memory_space<vmem>>[vector<16xi32>], vector<16xi32>, vector<16xi1>
        %mul3A_464 = arith.constant 16 : i32
        %mul3A_465 = arith.muli %while3A_442, %mul3A_464 : i32
        %get3A_466 = arith.index_cast %mul3A_465 : i32 to index
        %get3A_467 = tpu.vector_load %arg9[%get3A_466] {strides = array<i32>} : memref<544xi32, #tpu.memory_space<vmem>>, vector<16xi32>,
        tpu.vector_store_idx %arg11[%sub3A_463], %get3A_467 masked %and3A_455 : memref<544xi32, #tpu.memory_space<vmem>>[vector<16xi32>], vector<16xi32>, vector<16xi1>
        %slice3A = vector.extract_strided_slice %masked_cumsum3A {offsets = [15], sizes = [1], strides = [1]} : vector<16xi32> to vector<1xi32>
        %squeeze3A = vector.extract %slice3A[0] : i32 from vector<1xi32>
        %add3A_468 = arith.addi %while3A_443, %squeeze3A : i32
        scf.yield %add3A_468 : i32
      }
      %while3A_129 = arith.constant 1 : i32
      %while3A_130 = scf.for %while3A_442 = %while3A_126 to %while3A_122 step %while3A_129 iter_args(%while3A_443 = %while3A_128) -> (i32)  : i32 {
        %mul3A_444 = arith.constant 16 : i32
        %mul3A_445 = arith.muli %while3A_442, %mul3A_444 : i32
        %get3A = arith.index_cast %mul3A_445 : i32 to index
        %get3A_446 = tpu.vector_load %arg8[%get3A] {strides = array<i32>} : memref<544xi32, #tpu.memory_space<vmem>>, vector<16xi32>,
        %sub3A_447 = vector.broadcast %sub3A_119 : i32 to vector<16xi32>
        %sub3A_448 = arith.subi %get3A_446, %sub3A_447 : vector<16xi32>
        %ge3A_449 = arith.constant 0 : i32
        %ge3A_450 = vector.broadcast %ge3A_449 : i32 to vector<16xi32>
        %ge3A_451 = arith.cmpi sge, %sub3A_448, %ge3A_450 : vector<16xi32>
        %lt3A_452 = arith.constant 8192 : i32
        %lt3A_453 = vector.broadcast %lt3A_452 : i32 to vector<16xi32>
        %lt3A_454 = arith.cmpi slt, %sub3A_448, %lt3A_453 : vector<16xi32>
        %and3A_455 = arith.andi %ge3A_451, %lt3A_454 : vector<16xi1>
        %convert_element_type3A_456 = arith.extui %and3A_455 : vector<16xi1> to vector<16xi32>
        %broadcast_in_dim3A_457 = arith.constant true
        %broadcast_in_dim3A_458 = vector.broadcast %broadcast_in_dim3A_457 : i1 to vector<16xi1>
        %masked_cumsum3A = tpu.scan <sum>, %convert_element_type3A_456 masked %broadcast_in_dim3A_458 : vector<16xi32>, vector<16xi1> -> vector<16xi32>
        %add3A_459 = vector.broadcast %while3A_443 : i32 to vector<16xi32>
        %add3A_460 = arith.addi %add3A_459, %masked_cumsum3A : vector<16xi32>
        %sub3A_461 = arith.constant 1 : i32
        %sub3A_462 = vector.broadcast %sub3A_461 : i32 to vector<16xi32>
        %sub3A_463 = arith.subi %add3A_460, %sub3A_462 : vector<16xi32>
        tpu.vector_store_idx %arg10[%sub3A_463], %sub3A_448 masked %and3A_455 : memref<544xi32, #tpu.memory_space<vmem>>[vector<16xi32>], vector<16xi32>, vector<16xi1>
        %mul3A_464 = arith.constant 16 : i32
        %mul3A_465 = arith.muli %while3A_442, %mul3A_464 : i32
        %get3A_466 = arith.index_cast %mul3A_465 : i32 to index
        %get3A_467 = tpu.vector_load %arg9[%get3A_466] {strides = array<i32>} : memref<544xi32, #tpu.memory_space<vmem>>, vector<16xi32>,
        tpu.vector_store_idx %arg11[%sub3A_463], %get3A_467 masked %and3A_455 : memref<544xi32, #tpu.memory_space<vmem>>[vector<16xi32>], vector<16xi32>, vector<16xi1>
        %slice3A = vector.extract_strided_slice %masked_cumsum3A {offsets = [15], sizes = [1], strides = [1]} : vector<16xi32> to vector<1xi32>
        %squeeze3A = vector.extract %slice3A[0] : i32 from vector<1xi32>
        %add3A_468 = arith.addi %while3A_443, %squeeze3A : i32
        scf.yield %add3A_468 : i32
      }
      %broadcast_in_dim3A_131 = arith.constant 8192 : i32
      %broadcast_in_dim3A_132 = vector.broadcast %broadcast_in_dim3A_131 : i32 to vector<16xi32>
      %swap3A_133 = arith.index_cast %while3A_130 : i32 to index
      %swap3A_134 = tpu.vector_load %arg10[%swap3A_133] {strides = array<i32>} : memref<544xi32, #tpu.memory_space<vmem>>, vector<16xi32>,
      tpu.vector_store %arg10[%swap3A_133], %broadcast_in_dim3A_132 {strides = array<i32>} : memref<544xi32, #tpu.memory_space<vmem>>, vector<16xi32>,
      %broadcast_in_dim3A_135 = vector.broadcast %mul3A_0 : i32 to vector<16xi32>
      %swap3A_136 = arith.index_cast %while3A_130 : i32 to index
      %swap3A_137 = tpu.vector_load %arg11[%swap3A_136] {strides = array<i32>} : memref<544xi32, #tpu.memory_space<vmem>>, vector<16xi32>,
      tpu.vector_store %arg11[%swap3A_136], %broadcast_in_dim3A_135 {strides = array<i32>} : memref<544xi32, #tpu.memory_space<vmem>>, vector<16xi32>,
      %add3A_138 = arith.constant 16 : i32
      %add3A_139 = arith.addi %while3A_130, %add3A_138 : i32
      %sub3A_140 = arith.constant 1 : i32
      %sub3A_141 = arith.subi %add3A_139, %sub3A_140 : i32
      %jit3A_142 = arith.constant 16 : i32
      %div3A_143 = arith.divsi %sub3A_141, %jit3A_142 : i32
      %sign3A_144 = arith.constant 0 : i32
      %sign3A_145 = arith.cmpi sgt, %sub3A_141, %sign3A_144 : i32
      %sign3A_146 = arith.extui %sign3A_145 : i1 to i32
      %sign3A_147 = arith.constant 0 : i32
      %sign3A_148 = arith.cmpi slt, %sub3A_141, %sign3A_147 : i32
      %sign3A_149 = arith.extui %sign3A_148 : i1 to i32
      %sign3A_150 = arith.subi %sign3A_146, %sign3A_149 : i32
      %sign3A_151 = arith.constant 0 : i32
      %sign3A_152 = arith.cmpi sgt, %jit3A_142, %sign3A_151 : i32
      %sign3A_153 = arith.extui %sign3A_152 : i1 to i32
      %sign3A_154 = arith.constant 0 : i32
      %sign3A_155 = arith.cmpi slt, %jit3A_142, %sign3A_154 : i32
      %sign3A_156 = arith.extui %sign3A_155 : i1 to i32
      %sign3A_157 = arith.subi %sign3A_153, %sign3A_156 : i32
      %ne3A_158 = arith.cmpi ne, %sign3A_150, %sign3A_157 : i32
      %rem3A_159 = arith.remsi %sub3A_141, %jit3A_142 : i32
      %ne3A_160 = arith.constant 0 : i32
      %ne3A_161 = arith.cmpi ne, %rem3A_159, %ne3A_160 : i32
      %and3A_162 = arith.andi %ne3A_158, %ne3A_161 : i1
      %sub3A_163 = arith.constant 1 : i32
      %sub3A_164 = arith.subi %div3A_143, %sub3A_163 : i32
      %select_n3A_165 = arith.select %and3A_162, %sub3A_164, %div3A_143 : i32
      %min3A = arith.constant 16 : i32
      %min3A_166 = arith.minsi %select_n3A_165, %min3A : i32
      %while3A_167 = arith.constant 0 : i32
      %while3A_168 = arith.subi %min3A_166, %while3A_167 : i32
      %while3A_169 = arith.addi %while3A_167, %while3A_168 : i32
      %while3A_170 = arith.constant 1 : i32
      %while3A_171 = arith.divsi %while3A_168, %while3A_170 : i32
      %while3A_172 = arith.muli %while3A_171, %while3A_170 : i32
      %while3A_173 = arith.addi %while3A_167, %while3A_172 : i32
      %while3A_174 = arith.constant 1 : i32
      scf.for %while3A_442 = %while3A_167 to %while3A_173 step %while3A_174  : i32 {
        %add3A_443 = arith.constant 0 : i32
        %add3A_444 = arith.addi %add3A_443, %while3A_442 : i32
        %mul3A_445 = arith.constant 16 : i32
        %mul3A_446 = arith.muli %add3A_444, %mul3A_445 : i32
        %get3A = arith.index_cast %mul3A_446 : i32 to index
        %get3A_447 = tpu.vector_load %arg11[%get3A] {strides = array<i32>} : memref<544xi32, #tpu.memory_space<vmem>>, vector<16xi32>,
        %mul3A_448 = arith.constant 16 : i32
        %mul3A_449 = arith.muli %while3A_442, %mul3A_448 : i32
        %dma_start3A_450 = arith.constant 0 : i32
        %dma_start3A_451 = tpu.memref_slice %arg14[%mul3A_449, %dma_start3A_450] : memref<256x128xf32, #tpu.memory_space<vmem>> -> memref<16x128xf32, #tpu.memory_space<vmem>>
        %dma_start3A_452 = arith.constant 0 : i32
        %dma_start3A_453 = arith.constant 0 : i32
        %dma_start3A_454 = tpu.memref_slice %arg3[%dma_start3A_452, %dma_start3A_453] : memref<8192x128xf32, #tpu.memory_space<hbm>> -> memref<8192x128xf32, #tpu.memory_space<hbm>>
        tpu.enqueue_indirect_dma source(%dma_start3A_454 : memref<8192x128xf32, #tpu.memory_space<hbm>>) target(%dma_start3A_451 : memref<16x128xf32, #tpu.memory_space<vmem>>) offsets(%get3A_447 : vector<16xi32>) semaphore(%arg19 : memref<!tpu.dma_semaphore, #tpu.memory_space<semaphore_mem>>)
      }
      %while3A_175 = arith.constant 1 : i32
      scf.for %while3A_442 = %while3A_173 to %while3A_169 step %while3A_175  : i32 {
        %add3A_443 = arith.constant 0 : i32
        %add3A_444 = arith.addi %add3A_443, %while3A_442 : i32
        %mul3A_445 = arith.constant 16 : i32
        %mul3A_446 = arith.muli %add3A_444, %mul3A_445 : i32
        %get3A = arith.index_cast %mul3A_446 : i32 to index
        %get3A_447 = tpu.vector_load %arg11[%get3A] {strides = array<i32>} : memref<544xi32, #tpu.memory_space<vmem>>, vector<16xi32>,
        %mul3A_448 = arith.constant 16 : i32
        %mul3A_449 = arith.muli %while3A_442, %mul3A_448 : i32
        %dma_start3A_450 = arith.constant 0 : i32
        %dma_start3A_451 = tpu.memref_slice %arg14[%mul3A_449, %dma_start3A_450] : memref<256x128xf32, #tpu.memory_space<vmem>> -> memref<16x128xf32, #tpu.memory_space<vmem>>
        %dma_start3A_452 = arith.constant 0 : i32
        %dma_start3A_453 = arith.constant 0 : i32
        %dma_start3A_454 = tpu.memref_slice %arg3[%dma_start3A_452, %dma_start3A_453] : memref<8192x128xf32, #tpu.memory_space<hbm>> -> memref<8192x128xf32, #tpu.memory_space<hbm>>
        tpu.enqueue_indirect_dma source(%dma_start3A_454 : memref<8192x128xf32, #tpu.memory_space<hbm>>) target(%dma_start3A_451 : memref<16x128xf32, #tpu.memory_space<vmem>>) offsets(%get3A_447 : vector<16xi32>) semaphore(%arg19 : memref<!tpu.dma_semaphore, #tpu.memory_space<semaphore_mem>>)
      }
      %ge3A = arith.constant 1 : i32
      %ge3A_176 = arith.cmpi sge, %mul3A_115, %ge3A : i32
      %convert_element_type3A_177 = arith.extui %ge3A_176 : i1 to i32
      %cond3A_178 = arith.constant 0 : i32
      %cond3A_179 = arith.cmpi ne, %convert_element_type3A_177, %cond3A_178 : i32
      scf.if %cond3A_179 {
        %add3A_442 = arith.constant 16 : i32
        %add3A_443 = arith.addi %scan3A_113, %add3A_442 : i32
        %sub3A_444 = arith.constant 1 : i32
        %sub3A_445 = arith.subi %add3A_443, %sub3A_444 : i32
        %jit3A_446 = arith.constant 16 : i32
        %div3A_447 = arith.divsi %sub3A_445, %jit3A_446 : i32
        %sign3A_448 = arith.constant 0 : i32
        %sign3A_449 = arith.cmpi sgt, %sub3A_445, %sign3A_448 : i32
        %sign3A_450 = arith.extui %sign3A_449 : i1 to i32
        %sign3A_451 = arith.constant 0 : i32
        %sign3A_452 = arith.cmpi slt, %sub3A_445, %sign3A_451 : i32
        %sign3A_453 = arith.extui %sign3A_452 : i1 to i32
        %sign3A_454 = arith.subi %sign3A_450, %sign3A_453 : i32
        %sign3A_455 = arith.constant 0 : i32
        %sign3A_456 = arith.cmpi sgt, %jit3A_446, %sign3A_455 : i32
        %sign3A_457 = arith.extui %sign3A_456 : i1 to i32
        %sign3A_458 = arith.constant 0 : i32
        %sign3A_459 = arith.cmpi slt, %jit3A_446, %sign3A_458 : i32
        %sign3A_460 = arith.extui %sign3A_459 : i1 to i32
        %sign3A_461 = arith.subi %sign3A_457, %sign3A_460 : i32
        %ne3A_462 = arith.cmpi ne, %sign3A_454, %sign3A_461 : i32
        %rem3A_463 = arith.remsi %sub3A_445, %jit3A_446 : i32
        %ne3A_464 = arith.constant 0 : i32
        %ne3A_465 = arith.cmpi ne, %rem3A_463, %ne3A_464 : i32
        %and3A_466 = arith.andi %ne3A_462, %ne3A_465 : i1
        %sub3A_467 = arith.constant 1 : i32
        %sub3A_468 = arith.subi %div3A_447, %sub3A_467 : i32
        %select_n3A_469 = arith.select %and3A_466, %sub3A_468, %div3A_447 : i32
        %while3A_470 = arith.constant 0 : i32
        %while3A_471 = arith.subi %select_n3A_469, %while3A_470 : i32
        %while3A_472 = arith.addi %while3A_470, %while3A_471 : i32
        %while3A_473 = arith.constant 1 : i32
        %while3A_474 = arith.divsi %while3A_471, %while3A_473 : i32
        %while3A_475 = arith.muli %while3A_474, %while3A_473 : i32
        %while3A_476 = arith.addi %while3A_470, %while3A_475 : i32
        %while3A_477 = arith.constant 1 : i32
        scf.for %while3A_488 = %while3A_470 to %while3A_476 step %while3A_477  : i32 {
          %mul3A_489 = arith.constant 16 : i32
          %mul3A_490 = arith.muli %while3A_488, %mul3A_489 : i32
          %get3A = arith.index_cast %mul3A_490 : i32 to index
          %get3A_491 = tpu.vector_load %arg12[%get3A] {strides = array<i32>} : memref<544xi32, #tpu.memory_space<vmem>>, vector<16xi32>,
          %dma_start3A_492 = arith.constant 0 : i32
          %dma_start3A_493 = arith.constant 0 : i32
          %dma_start3A_494 = tpu.memref_slice %arg15[%dma_start3A_492, %dma_start3A_493] : memref<128x128xf32, #tpu.memory_space<vmem>> -> memref<16x128xf32, #tpu.memory_space<vmem>>
          %dma_start3A_495 = arith.constant 0 : i32
          %dma_start3A_496 = arith.constant 0 : i32
          %dma_start3A_497 = tpu.memref_slice %arg16[%dma_start3A_495, %dma_start3A_496] : memref<8208x128xf32, #tpu.memory_space<vmem_shared>> -> memref<8208x128xf32, #tpu.memory_space<vmem_shared>>
          tpu.enqueue_indirect_dma source(%dma_start3A_494 : memref<16x128xf32, #tpu.memory_space<vmem>>) target(%dma_start3A_497 : memref<8208x128xf32, #tpu.memory_space<vmem_shared>>) offsets(%get3A_491 : vector<16xi32>) semaphore(%arg20 : memref<!tpu.dma_semaphore, #tpu.memory_space<semaphore_mem>>)
        }
        %while3A_478 = arith.constant 1 : i32
        scf.for %while3A_488 = %while3A_476 to %while3A_472 step %while3A_478  : i32 {
          %mul3A_489 = arith.constant 16 : i32
          %mul3A_490 = arith.muli %while3A_488, %mul3A_489 : i32
          %get3A = arith.index_cast %mul3A_490 : i32 to index
          %get3A_491 = tpu.vector_load %arg12[%get3A] {strides = array<i32>} : memref<544xi32, #tpu.memory_space<vmem>>, vector<16xi32>,
          %dma_start3A_492 = arith.constant 0 : i32
          %dma_start3A_493 = arith.constant 0 : i32
          %dma_start3A_494 = tpu.memref_slice %arg15[%dma_start3A_492, %dma_start3A_493] : memref<128x128xf32, #tpu.memory_space<vmem>> -> memref<16x128xf32, #tpu.memory_space<vmem>>
          %dma_start3A_495 = arith.constant 0 : i32
          %dma_start3A_496 = arith.constant 0 : i32
          %dma_start3A_497 = tpu.memref_slice %arg16[%dma_start3A_495, %dma_start3A_496] : memref<8208x128xf32, #tpu.memory_space<vmem_shared>> -> memref<8208x128xf32, #tpu.memory_space<vmem_shared>>
          tpu.enqueue_indirect_dma source(%dma_start3A_494 : memref<16x128xf32, #tpu.memory_space<vmem>>) target(%dma_start3A_497 : memref<8208x128xf32, #tpu.memory_space<vmem_shared>>) offsets(%get3A_491 : vector<16xi32>) semaphore(%arg20 : memref<!tpu.dma_semaphore, #tpu.memory_space<semaphore_mem>>)
        }
        %while3A_479 = arith.constant 0 : i32
        %while3A_480 = arith.subi %select_n3A_469, %while3A_479 : i32
        %while3A_481 = arith.addi %while3A_479, %while3A_480 : i32
        %while3A_482 = arith.constant 1 : i32
        %while3A_483 = arith.divsi %while3A_480, %while3A_482 : i32
        %while3A_484 = arith.muli %while3A_483, %while3A_482 : i32
        %while3A_485 = arith.addi %while3A_479, %while3A_484 : i32
        %while3A_486 = arith.constant 1 : i32
        scf.for %while3A_488 = %while3A_479 to %while3A_485 step %while3A_486  : i32 {
          %get3A = arith.constant 0 : index
          %get3A_489 = tpu.vector_load %arg10[%get3A] {strides = array<i32>} : memref<544xi32, #tpu.memory_space<vmem>>, vector<16xi32>,
          %dma_wait3A_490 = arith.constant 0 : i32
          %dma_wait3A_491 = arith.constant 0 : i32
          %dma_wait3A_492 = tpu.memref_slice %arg15[%dma_wait3A_490, %dma_wait3A_491] : memref<128x128xf32, #tpu.memory_space<vmem>> -> memref<16x128xf32, #tpu.memory_space<vmem>>
          %dma_wait3A_493 = arith.constant 0 : i32
          %dma_wait3A_494 = arith.constant 0 : i32
          %dma_wait3A_495 = tpu.memref_slice %arg16[%dma_wait3A_493, %dma_wait3A_494] : memref<8208x128xf32, #tpu.memory_space<vmem_shared>> -> memref<8208x128xf32, #tpu.memory_space<vmem_shared>>
          tpu.wait_indirect_dma semaphore(%arg20 : memref<!tpu.dma_semaphore, #tpu.memory_space<semaphore_mem>>) src(%dma_wait3A_492 : memref<16x128xf32, #tpu.memory_space<vmem>>) dst(%dma_wait3A_495 : memref<8208x128xf32, #tpu.memory_space<vmem_shared>>)
        }
        %while3A_487 = arith.constant 1 : i32
        scf.for %while3A_488 = %while3A_485 to %while3A_481 step %while3A_487  : i32 {
          %get3A = arith.constant 0 : index
          %get3A_489 = tpu.vector_load %arg10[%get3A] {strides = array<i32>} : memref<544xi32, #tpu.memory_space<vmem>>, vector<16xi32>,
          %dma_wait3A_490 = arith.constant 0 : i32
          %dma_wait3A_491 = arith.constant 0 : i32
          %dma_wait3A_492 = tpu.memref_slice %arg15[%dma_wait3A_490, %dma_wait3A_491] : memref<128x128xf32, #tpu.memory_space<vmem>> -> memref<16x128xf32, #tpu.memory_space<vmem>>
          %dma_wait3A_493 = arith.constant 0 : i32
          %dma_wait3A_494 = arith.constant 0 : i32
          %dma_wait3A_495 = tpu.memref_slice %arg16[%dma_wait3A_493, %dma_wait3A_494] : memref<8208x128xf32, #tpu.memory_space<vmem_shared>> -> memref<8208x128xf32, #tpu.memory_space<vmem_shared>>
          tpu.wait_indirect_dma semaphore(%arg20 : memref<!tpu.dma_semaphore, #tpu.memory_space<semaphore_mem>>) src(%dma_wait3A_492 : memref<16x128xf32, #tpu.memory_space<vmem>>) dst(%dma_wait3A_495 : memref<8208x128xf32, #tpu.memory_space<vmem_shared>>)
        }
      } else {
      }
      %barrier3A_180 = arith.constant 0 : index
      tpu.barrier barrier_id(%barrier3A_180)
      %min3A_181 = arith.constant 16 : i32
      %min3A_182 = arith.minsi %select_n3A_165, %min3A_181 : i32
      %while3A_183 = arith.constant 0 : i32
      %while3A_184 = arith.subi %min3A_182, %while3A_183 : i32
      %while3A_185 = arith.addi %while3A_183, %while3A_184 : i32
      %while3A_186 = arith.constant 1 : i32
      %while3A_187 = arith.divsi %while3A_184, %while3A_186 : i32
      %while3A_188 = arith.muli %while3A_187, %while3A_186 : i32
      %while3A_189 = arith.addi %while3A_183, %while3A_188 : i32
      %while3A_190 = arith.constant 1 : i32
      scf.for %while3A_442 = %while3A_183 to %while3A_189 step %while3A_190  : i32 {
        %get3A = arith.constant 0 : index
        %get3A_443 = tpu.vector_load %arg11[%get3A] {strides = array<i32>} : memref<544xi32, #tpu.memory_space<vmem>>, vector<16xi32>,
        %dma_wait3A_444 = arith.constant 0 : i32
        %dma_wait3A_445 = arith.constant 0 : i32
        %dma_wait3A_446 = tpu.memref_slice %arg14[%dma_wait3A_444, %dma_wait3A_445] : memref<256x128xf32, #tpu.memory_space<vmem>> -> memref<16x128xf32, #tpu.memory_space<vmem>>
        %dma_wait3A_447 = arith.constant 0 : i32
        %dma_wait3A_448 = arith.constant 0 : i32
        %dma_wait3A_449 = tpu.memref_slice %arg3[%dma_wait3A_447, %dma_wait3A_448] : memref<8192x128xf32, #tpu.memory_space<hbm>> -> memref<8192x128xf32, #tpu.memory_space<hbm>>
        tpu.wait_indirect_dma semaphore(%arg19 : memref<!tpu.dma_semaphore, #tpu.memory_space<semaphore_mem>>) src(%dma_wait3A_449 : memref<8192x128xf32, #tpu.memory_space<hbm>>) dst(%dma_wait3A_446 : memref<16x128xf32, #tpu.memory_space<vmem>>)
      }
      %while3A_191 = arith.constant 1 : i32
      scf.for %while3A_442 = %while3A_189 to %while3A_185 step %while3A_191  : i32 {
        %get3A = arith.constant 0 : index
        %get3A_443 = tpu.vector_load %arg11[%get3A] {strides = array<i32>} : memref<544xi32, #tpu.memory_space<vmem>>, vector<16xi32>,
        %dma_wait3A_444 = arith.constant 0 : i32
        %dma_wait3A_445 = arith.constant 0 : i32
        %dma_wait3A_446 = tpu.memref_slice %arg14[%dma_wait3A_444, %dma_wait3A_445] : memref<256x128xf32, #tpu.memory_space<vmem>> -> memref<16x128xf32, #tpu.memory_space<vmem>>
        %dma_wait3A_447 = arith.constant 0 : i32
        %dma_wait3A_448 = arith.constant 0 : i32
        %dma_wait3A_449 = tpu.memref_slice %arg3[%dma_wait3A_447, %dma_wait3A_448] : memref<8192x128xf32, #tpu.memory_space<hbm>> -> memref<8192x128xf32, #tpu.memory_space<hbm>>
        tpu.wait_indirect_dma semaphore(%arg19 : memref<!tpu.dma_semaphore, #tpu.memory_space<semaphore_mem>>) src(%dma_wait3A_449 : memref<8192x128xf32, #tpu.memory_space<hbm>>) dst(%dma_wait3A_446 : memref<16x128xf32, #tpu.memory_space<vmem>>)
      }
      %while3A_192 = arith.constant 0 : i32
      %while3A_193 = arith.subi %min3A_182, %while3A_192 : i32
      %while3A_194 = arith.addi %while3A_192, %while3A_193 : i32
      %while3A_195 = arith.constant 1 : i32
      %while3A_196 = arith.divsi %while3A_193, %while3A_195 : i32
      %while3A_197 = arith.muli %while3A_196, %while3A_195 : i32
      %while3A_198 = arith.addi %while3A_192, %while3A_197 : i32
      %while3A_199 = arith.constant 1 : i32
      scf.for %while3A_442 = %while3A_192 to %while3A_198 step %while3A_199  : i32 {
        %add3A_443 = arith.constant 0 : i32
        %add3A_444 = arith.addi %add3A_443, %while3A_442 : i32
        %mul3A_445 = arith.constant 16 : i32
        %mul3A_446 = arith.muli %add3A_444, %mul3A_445 : i32
        %get3A = arith.index_cast %mul3A_446 : i32 to index
        %get3A_447 = tpu.vector_load %arg10[%get3A] {strides = array<i32>} : memref<544xi32, #tpu.memory_space<vmem>>, vector<16xi32>,
        %mul3A_448 = arith.constant 16 : i32
        %mul3A_449 = arith.muli %while3A_442, %mul3A_448 : i32
        %dma_start3A_450 = arith.constant 0 : i32
        %dma_start3A_451 = tpu.memref_slice %arg14[%mul3A_449, %dma_start3A_450] : memref<256x128xf32, #tpu.memory_space<vmem>> -> memref<16x128xf32, #tpu.memory_space<vmem>>
        %dma_start3A_452 = arith.constant 0 : i32
        %dma_start3A_453 = arith.constant 0 : i32
        %dma_start3A_454 = tpu.memref_slice %arg16[%dma_start3A_452, %dma_start3A_453] : memref<8208x128xf32, #tpu.memory_space<vmem_shared>> -> memref<8208x128xf32, #tpu.memory_space<vmem_shared>>
        tpu.enqueue_indirect_dma source(%dma_start3A_451 : memref<16x128xf32, #tpu.memory_space<vmem>>) target(%dma_start3A_454 : memref<8208x128xf32, #tpu.memory_space<vmem_shared>>) offsets(%get3A_447 : vector<16xi32>) semaphore(%arg19 : memref<!tpu.dma_semaphore, #tpu.memory_space<semaphore_mem>>) {add = true}
      }
      %while3A_200 = arith.constant 1 : i32
      scf.for %while3A_442 = %while3A_198 to %while3A_194 step %while3A_200  : i32 {
        %add3A_443 = arith.constant 0 : i32
        %add3A_444 = arith.addi %add3A_443, %while3A_442 : i32
        %mul3A_445 = arith.constant 16 : i32
        %mul3A_446 = arith.muli %add3A_444, %mul3A_445 : i32
        %get3A = arith.index_cast %mul3A_446 : i32 to index
        %get3A_447 = tpu.vector_load %arg10[%get3A] {strides = array<i32>} : memref<544xi32, #tpu.memory_space<vmem>>, vector<16xi32>,
        %mul3A_448 = arith.constant 16 : i32
        %mul3A_449 = arith.muli %while3A_442, %mul3A_448 : i32
        %dma_start3A_450 = arith.constant 0 : i32
        %dma_start3A_451 = tpu.memref_slice %arg14[%mul3A_449, %dma_start3A_450] : memref<256x128xf32, #tpu.memory_space<vmem>> -> memref<16x128xf32, #tpu.memory_space<vmem>>
        %dma_start3A_452 = arith.constant 0 : i32
        %dma_start3A_453 = arith.constant 0 : i32
        %dma_start3A_454 = tpu.memref_slice %arg16[%dma_start3A_452, %dma_start3A_453] : memref<8208x128xf32, #tpu.memory_space<vmem_shared>> -> memref<8208x128xf32, #tpu.memory_space<vmem_shared>>
        tpu.enqueue_indirect_dma source(%dma_start3A_451 : memref<16x128xf32, #tpu.memory_space<vmem>>) target(%dma_start3A_454 : memref<8208x128xf32, #tpu.memory_space<vmem_shared>>) offsets(%get3A_447 : vector<16xi32>) semaphore(%arg19 : memref<!tpu.dma_semaphore, #tpu.memory_space<semaphore_mem>>) {add = true}
      }
      %while3A_201 = arith.constant 0 : i32
      %while3A_202 = arith.subi %min3A_182, %while3A_201 : i32
      %while3A_203 = arith.addi %while3A_201, %while3A_202 : i32
      %while3A_204 = arith.constant 1 : i32
      %while3A_205 = arith.divsi %while3A_202, %while3A_204 : i32
      %while3A_206 = arith.muli %while3A_205, %while3A_204 : i32
      %while3A_207 = arith.addi %while3A_201, %while3A_206 : i32
      %while3A_208 = arith.constant 1 : i32
      scf.for %while3A_442 = %while3A_201 to %while3A_207 step %while3A_208  : i32 {
        %get3A = arith.constant 0 : index
        %get3A_443 = tpu.vector_load %arg10[%get3A] {strides = array<i32>} : memref<544xi32, #tpu.memory_space<vmem>>, vector<16xi32>,
        %dma_wait3A_444 = arith.constant 0 : i32
        %dma_wait3A_445 = arith.constant 0 : i32
        %dma_wait3A_446 = tpu.memref_slice %arg14[%dma_wait3A_444, %dma_wait3A_445] : memref<256x128xf32, #tpu.memory_space<vmem>> -> memref<16x128xf32, #tpu.memory_space<vmem>>
        %dma_wait3A_447 = arith.constant 0 : i32
        %dma_wait3A_448 = arith.constant 0 : i32
        %dma_wait3A_449 = tpu.memref_slice %arg16[%dma_wait3A_447, %dma_wait3A_448] : memref<8208x128xf32, #tpu.memory_space<vmem_shared>> -> memref<8208x128xf32, #tpu.memory_space<vmem_shared>>
        tpu.wait_indirect_dma semaphore(%arg19 : memref<!tpu.dma_semaphore, #tpu.memory_space<semaphore_mem>>) src(%dma_wait3A_446 : memref<16x128xf32, #tpu.memory_space<vmem>>) dst(%dma_wait3A_449 : memref<8208x128xf32, #tpu.memory_space<vmem_shared>>)
      }
      %while3A_209 = arith.constant 1 : i32
      scf.for %while3A_442 = %while3A_207 to %while3A_203 step %while3A_209  : i32 {
        %get3A = arith.constant 0 : index
        %get3A_443 = tpu.vector_load %arg10[%get3A] {strides = array<i32>} : memref<544xi32, #tpu.memory_space<vmem>>, vector<16xi32>,
        %dma_wait3A_444 = arith.constant 0 : i32
        %dma_wait3A_445 = arith.constant 0 : i32
        %dma_wait3A_446 = tpu.memref_slice %arg14[%dma_wait3A_444, %dma_wait3A_445] : memref<256x128xf32, #tpu.memory_space<vmem>> -> memref<16x128xf32, #tpu.memory_space<vmem>>
        %dma_wait3A_447 = arith.constant 0 : i32
        %dma_wait3A_448 = arith.constant 0 : i32
        %dma_wait3A_449 = tpu.memref_slice %arg16[%dma_wait3A_447, %dma_wait3A_448] : memref<8208x128xf32, #tpu.memory_space<vmem_shared>> -> memref<8208x128xf32, #tpu.memory_space<vmem_shared>>
        tpu.wait_indirect_dma semaphore(%arg19 : memref<!tpu.dma_semaphore, #tpu.memory_space<semaphore_mem>>) src(%dma_wait3A_446 : memref<16x128xf32, #tpu.memory_space<vmem>>) dst(%dma_wait3A_449 : memref<8208x128xf32, #tpu.memory_space<vmem_shared>>)
      }
      %gt3A = arith.constant 16 : i32
      %gt3A_210 = arith.cmpi sgt, %select_n3A_165, %gt3A : i32
      %convert_element_type3A_211 = arith.extui %gt3A_210 : i1 to i32
      %cond3A_212 = arith.constant 0 : i32
      %cond3A_213 = arith.cmpi ne, %convert_element_type3A_211, %cond3A_212 : i32
      scf.if %cond3A_213 {
        %add3A_442 = arith.constant 16 : i32
        %add3A_443 = arith.addi %select_n3A_165, %add3A_442 : i32
        %sub3A_444 = arith.constant 1 : i32
        %sub3A_445 = arith.subi %add3A_443, %sub3A_444 : i32
        %jit3A_446 = arith.constant 16 : i32
        %div3A_447 = arith.divsi %sub3A_445, %jit3A_446 : i32
        %sign3A_448 = arith.constant 0 : i32
        %sign3A_449 = arith.cmpi sgt, %sub3A_445, %sign3A_448 : i32
        %sign3A_450 = arith.extui %sign3A_449 : i1 to i32
        %sign3A_451 = arith.constant 0 : i32
        %sign3A_452 = arith.cmpi slt, %sub3A_445, %sign3A_451 : i32
        %sign3A_453 = arith.extui %sign3A_452 : i1 to i32
        %sign3A_454 = arith.subi %sign3A_450, %sign3A_453 : i32
        %sign3A_455 = arith.constant 0 : i32
        %sign3A_456 = arith.cmpi sgt, %jit3A_446, %sign3A_455 : i32
        %sign3A_457 = arith.extui %sign3A_456 : i1 to i32
        %sign3A_458 = arith.constant 0 : i32
        %sign3A_459 = arith.cmpi slt, %jit3A_446, %sign3A_458 : i32
        %sign3A_460 = arith.extui %sign3A_459 : i1 to i32
        %sign3A_461 = arith.subi %sign3A_457, %sign3A_460 : i32
        %ne3A_462 = arith.cmpi ne, %sign3A_454, %sign3A_461 : i32
        %rem3A_463 = arith.remsi %sub3A_445, %jit3A_446 : i32
        %ne3A_464 = arith.constant 0 : i32
        %ne3A_465 = arith.cmpi ne, %rem3A_463, %ne3A_464 : i32
        %and3A_466 = arith.andi %ne3A_462, %ne3A_465 : i1
        %sub3A_467 = arith.constant 1 : i32
        %sub3A_468 = arith.subi %div3A_447, %sub3A_467 : i32
        %select_n3A_469 = arith.select %and3A_466, %sub3A_468, %div3A_447 : i32
        %while3A_470 = arith.constant 1 : i32
        %while3A_471 = arith.subi %select_n3A_469, %while3A_470 : i32
        %while3A_472 = arith.addi %while3A_470, %while3A_471 : i32
        %while3A_473 = arith.constant 1 : i32
        %while3A_474 = arith.divsi %while3A_471, %while3A_473 : i32
        %while3A_475 = arith.muli %while3A_474, %while3A_473 : i32
        %while3A_476 = arith.addi %while3A_470, %while3A_475 : i32
        %while3A_477 = arith.constant 1 : i32
        scf.for %while3A_479 = %while3A_470 to %while3A_476 step %while3A_477  : i32 {
          %mul3A_480 = arith.constant 16 : i32
          %mul3A_481 = arith.muli %while3A_479, %mul3A_480 : i32
          %sub3A_482 = arith.subi %select_n3A_165, %mul3A_481 : i32
          %min3A_483 = arith.constant 16 : i32
          %min3A_484 = arith.minsi %sub3A_482, %min3A_483 : i32
          %while3A_485 = arith.constant 0 : i32
          %while3A_486 = arith.subi %min3A_484, %while3A_485 : i32
          %while3A_487 = arith.addi %while3A_485, %while3A_486 : i32
          %while3A_488 = arith.constant 1 : i32
          %while3A_489 = arith.divsi %while3A_486, %while3A_488 : i32
          %while3A_490 = arith.muli %while3A_489, %while3A_488 : i32
          %while3A_491 = arith.addi %while3A_485, %while3A_490 : i32
          %while3A_492 = arith.constant 1 : i32
          scf.for %while3A_521 = %while3A_485 to %while3A_491 step %while3A_492  : i32 {
            %add3A_522 = arith.addi %mul3A_481, %while3A_521 : i32
            %mul3A_523 = arith.constant 16 : i32
            %mul3A_524 = arith.muli %add3A_522, %mul3A_523 : i32
            %get3A = arith.index_cast %mul3A_524 : i32 to index
            %get3A_525 = tpu.vector_load %arg11[%get3A] {strides = array<i32>} : memref<544xi32, #tpu.memory_space<vmem>>, vector<16xi32>,
            %mul3A_526 = arith.constant 16 : i32
            %mul3A_527 = arith.muli %while3A_521, %mul3A_526 : i32
            %dma_start3A_528 = arith.constant 0 : i32
            %dma_start3A_529 = tpu.memref_slice %arg14[%mul3A_527, %dma_start3A_528] : memref<256x128xf32, #tpu.memory_space<vmem>> -> memref<16x128xf32, #tpu.memory_space<vmem>>
            %dma_start3A_530 = arith.constant 0 : i32
            %dma_start3A_531 = arith.constant 0 : i32
            %dma_start3A_532 = tpu.memref_slice %arg3[%dma_start3A_530, %dma_start3A_531] : memref<8192x128xf32, #tpu.memory_space<hbm>> -> memref<8192x128xf32, #tpu.memory_space<hbm>>
            tpu.enqueue_indirect_dma source(%dma_start3A_532 : memref<8192x128xf32, #tpu.memory_space<hbm>>) target(%dma_start3A_529 : memref<16x128xf32, #tpu.memory_space<vmem>>) offsets(%get3A_525 : vector<16xi32>) semaphore(%arg19 : memref<!tpu.dma_semaphore, #tpu.memory_space<semaphore_mem>>)
          }
          %while3A_493 = arith.constant 1 : i32
          scf.for %while3A_521 = %while3A_491 to %while3A_487 step %while3A_493  : i32 {
            %add3A_522 = arith.addi %mul3A_481, %while3A_521 : i32
            %mul3A_523 = arith.constant 16 : i32
            %mul3A_524 = arith.muli %add3A_522, %mul3A_523 : i32
            %get3A = arith.index_cast %mul3A_524 : i32 to index
            %get3A_525 = tpu.vector_load %arg11[%get3A] {strides = array<i32>} : memref<544xi32, #tpu.memory_space<vmem>>, vector<16xi32>,
            %mul3A_526 = arith.constant 16 : i32
            %mul3A_527 = arith.muli %while3A_521, %mul3A_526 : i32
            %dma_start3A_528 = arith.constant 0 : i32
            %dma_start3A_529 = tpu.memref_slice %arg14[%mul3A_527, %dma_start3A_528] : memref<256x128xf32, #tpu.memory_space<vmem>> -> memref<16x128xf32, #tpu.memory_space<vmem>>
            %dma_start3A_530 = arith.constant 0 : i32
            %dma_start3A_531 = arith.constant 0 : i32
            %dma_start3A_532 = tpu.memref_slice %arg3[%dma_start3A_530, %dma_start3A_531] : memref<8192x128xf32, #tpu.memory_space<hbm>> -> memref<8192x128xf32, #tpu.memory_space<hbm>>
            tpu.enqueue_indirect_dma source(%dma_start3A_532 : memref<8192x128xf32, #tpu.memory_space<hbm>>) target(%dma_start3A_529 : memref<16x128xf32, #tpu.memory_space<vmem>>) offsets(%get3A_525 : vector<16xi32>) semaphore(%arg19 : memref<!tpu.dma_semaphore, #tpu.memory_space<semaphore_mem>>)
          }
          %while3A_494 = arith.constant 0 : i32
          %while3A_495 = arith.subi %min3A_484, %while3A_494 : i32
          %while3A_496 = arith.addi %while3A_494, %while3A_495 : i32
          %while3A_497 = arith.constant 1 : i32
          %while3A_498 = arith.divsi %while3A_495, %while3A_497 : i32
          %while3A_499 = arith.muli %while3A_498, %while3A_497 : i32
          %while3A_500 = arith.addi %while3A_494, %while3A_499 : i32
          %while3A_501 = arith.constant 1 : i32
          scf.for %while3A_521 = %while3A_494 to %while3A_500 step %while3A_501  : i32 {
            %get3A = arith.constant 0 : index
            %get3A_522 = tpu.vector_load %arg11[%get3A] {strides = array<i32>} : memref<544xi32, #tpu.memory_space<vmem>>, vector<16xi32>,
            %dma_wait3A_523 = arith.constant 0 : i32
            %dma_wait3A_524 = arith.constant 0 : i32
            %dma_wait3A_525 = tpu.memref_slice %arg14[%dma_wait3A_523, %dma_wait3A_524] : memref<256x128xf32, #tpu.memory_space<vmem>> -> memref<16x128xf32, #tpu.memory_space<vmem>>
            %dma_wait3A_526 = arith.constant 0 : i32
            %dma_wait3A_527 = arith.constant 0 : i32
            %dma_wait3A_528 = tpu.memref_slice %arg3[%dma_wait3A_526, %dma_wait3A_527] : memref<8192x128xf32, #tpu.memory_space<hbm>> -> memref<8192x128xf32, #tpu.memory_space<hbm>>
            tpu.wait_indirect_dma semaphore(%arg19 : memref<!tpu.dma_semaphore, #tpu.memory_space<semaphore_mem>>) src(%dma_wait3A_528 : memref<8192x128xf32, #tpu.memory_space<hbm>>) dst(%dma_wait3A_525 : memref<16x128xf32, #tpu.memory_space<vmem>>)
          }
          %while3A_502 = arith.constant 1 : i32
          scf.for %while3A_521 = %while3A_500 to %while3A_496 step %while3A_502  : i32 {
            %get3A = arith.constant 0 : index
            %get3A_522 = tpu.vector_load %arg11[%get3A] {strides = array<i32>} : memref<544xi32, #tpu.memory_space<vmem>>, vector<16xi32>,
            %dma_wait3A_523 = arith.constant 0 : i32
            %dma_wait3A_524 = arith.constant 0 : i32
            %dma_wait3A_525 = tpu.memref_slice %arg14[%dma_wait3A_523, %dma_wait3A_524] : memref<256x128xf32, #tpu.memory_space<vmem>> -> memref<16x128xf32, #tpu.memory_space<vmem>>
            %dma_wait3A_526 = arith.constant 0 : i32
            %dma_wait3A_527 = arith.constant 0 : i32
            %dma_wait3A_528 = tpu.memref_slice %arg3[%dma_wait3A_526, %dma_wait3A_527] : memref<8192x128xf32, #tpu.memory_space<hbm>> -> memref<8192x128xf32, #tpu.memory_space<hbm>>
            tpu.wait_indirect_dma semaphore(%arg19 : memref<!tpu.dma_semaphore, #tpu.memory_space<semaphore_mem>>) src(%dma_wait3A_528 : memref<8192x128xf32, #tpu.memory_space<hbm>>) dst(%dma_wait3A_525 : memref<16x128xf32, #tpu.memory_space<vmem>>)
          }
          %while3A_503 = arith.constant 0 : i32
          %while3A_504 = arith.subi %min3A_484, %while3A_503 : i32
          %while3A_505 = arith.addi %while3A_503, %while3A_504 : i32
          %while3A_506 = arith.constant 1 : i32
          %while3A_507 = arith.divsi %while3A_504, %while3A_506 : i32
          %while3A_508 = arith.muli %while3A_507, %while3A_506 : i32
          %while3A_509 = arith.addi %while3A_503, %while3A_508 : i32
          %while3A_510 = arith.constant 1 : i32
          scf.for %while3A_521 = %while3A_503 to %while3A_509 step %while3A_510  : i32 {
            %add3A_522 = arith.addi %mul3A_481, %while3A_521 : i32
            %mul3A_523 = arith.constant 16 : i32
            %mul3A_524 = arith.muli %add3A_522, %mul3A_523 : i32
            %get3A = arith.index_cast %mul3A_524 : i32 to index
            %get3A_525 = tpu.vector_load %arg10[%get3A] {strides = array<i32>} : memref<544xi32, #tpu.memory_space<vmem>>, vector<16xi32>,
            %mul3A_526 = arith.constant 16 : i32
            %mul3A_527 = arith.muli %while3A_521, %mul3A_526 : i32
            %dma_start3A_528 = arith.constant 0 : i32
            %dma_start3A_529 = tpu.memref_slice %arg14[%mul3A_527, %dma_start3A_528] : memref<256x128xf32, #tpu.memory_space<vmem>> -> memref<16x128xf32, #tpu.memory_space<vmem>>
            %dma_start3A_530 = arith.constant 0 : i32
            %dma_start3A_531 = arith.constant 0 : i32
            %dma_start3A_532 = tpu.memref_slice %arg16[%dma_start3A_530, %dma_start3A_531] : memref<8208x128xf32, #tpu.memory_space<vmem_shared>> -> memref<8208x128xf32, #tpu.memory_space<vmem_shared>>
            tpu.enqueue_indirect_dma source(%dma_start3A_529 : memref<16x128xf32, #tpu.memory_space<vmem>>) target(%dma_start3A_532 : memref<8208x128xf32, #tpu.memory_space<vmem_shared>>) offsets(%get3A_525 : vector<16xi32>) semaphore(%arg19 : memref<!tpu.dma_semaphore, #tpu.memory_space<semaphore_mem>>) {add = true}
          }
          %while3A_511 = arith.constant 1 : i32
          scf.for %while3A_521 = %while3A_509 to %while3A_505 step %while3A_511  : i32 {
            %add3A_522 = arith.addi %mul3A_481, %while3A_521 : i32
            %mul3A_523 = arith.constant 16 : i32
            %mul3A_524 = arith.muli %add3A_522, %mul3A_523 : i32
            %get3A = arith.index_cast %mul3A_524 : i32 to index
            %get3A_525 = tpu.vector_load %arg10[%get3A] {strides = array<i32>} : memref<544xi32, #tpu.memory_space<vmem>>, vector<16xi32>,
            %mul3A_526 = arith.constant 16 : i32
            %mul3A_527 = arith.muli %while3A_521, %mul3A_526 : i32
            %dma_start3A_528 = arith.constant 0 : i32
            %dma_start3A_529 = tpu.memref_slice %arg14[%mul3A_527, %dma_start3A_528] : memref<256x128xf32, #tpu.memory_space<vmem>> -> memref<16x128xf32, #tpu.memory_space<vmem>>
            %dma_start3A_530 = arith.constant 0 : i32
            %dma_start3A_531 = arith.constant 0 : i32
            %dma_start3A_532 = tpu.memref_slice %arg16[%dma_start3A_530, %dma_start3A_531] : memref<8208x128xf32, #tpu.memory_space<vmem_shared>> -> memref<8208x128xf32, #tpu.memory_space<vmem_shared>>
            tpu.enqueue_indirect_dma source(%dma_start3A_529 : memref<16x128xf32, #tpu.memory_space<vmem>>) target(%dma_start3A_532 : memref<8208x128xf32, #tpu.memory_space<vmem_shared>>) offsets(%get3A_525 : vector<16xi32>) semaphore(%arg19 : memref<!tpu.dma_semaphore, #tpu.memory_space<semaphore_mem>>) {add = true}
          }
          %while3A_512 = arith.constant 0 : i32
          %while3A_513 = arith.subi %min3A_484, %while3A_512 : i32
          %while3A_514 = arith.addi %while3A_512, %while3A_513 : i32
          %while3A_515 = arith.constant 1 : i32
          %while3A_516 = arith.divsi %while3A_513, %while3A_515 : i32
          %while3A_517 = arith.muli %while3A_516, %while3A_515 : i32
          %while3A_518 = arith.addi %while3A_512, %while3A_517 : i32
          %while3A_519 = arith.constant 1 : i32
          scf.for %while3A_521 = %while3A_512 to %while3A_518 step %while3A_519  : i32 {
            %get3A = arith.constant 0 : index
            %get3A_522 = tpu.vector_load %arg10[%get3A] {strides = array<i32>} : memref<544xi32, #tpu.memory_space<vmem>>, vector<16xi32>,
            %dma_wait3A_523 = arith.constant 0 : i32
            %dma_wait3A_524 = arith.constant 0 : i32
            %dma_wait3A_525 = tpu.memref_slice %arg14[%dma_wait3A_523, %dma_wait3A_524] : memref<256x128xf32, #tpu.memory_space<vmem>> -> memref<16x128xf32, #tpu.memory_space<vmem>>
            %dma_wait3A_526 = arith.constant 0 : i32
            %dma_wait3A_527 = arith.constant 0 : i32
            %dma_wait3A_528 = tpu.memref_slice %arg16[%dma_wait3A_526, %dma_wait3A_527] : memref<8208x128xf32, #tpu.memory_space<vmem_shared>> -> memref<8208x128xf32, #tpu.memory_space<vmem_shared>>
            tpu.wait_indirect_dma semaphore(%arg19 : memref<!tpu.dma_semaphore, #tpu.memory_space<semaphore_mem>>) src(%dma_wait3A_525 : memref<16x128xf32, #tpu.memory_space<vmem>>) dst(%dma_wait3A_528 : memref<8208x128xf32, #tpu.memory_space<vmem_shared>>)
          }
          %while3A_520 = arith.constant 1 : i32
          scf.for %while3A_521 = %while3A_518 to %while3A_514 step %while3A_520  : i32 {
            %get3A = arith.constant 0 : index
            %get3A_522 = tpu.vector_load %arg10[%get3A] {strides = array<i32>} : memref<544xi32, #tpu.memory_space<vmem>>, vector<16xi32>,
            %dma_wait3A_523 = arith.constant 0 : i32
            %dma_wait3A_524 = arith.constant 0 : i32
            %dma_wait3A_525 = tpu.memref_slice %arg14[%dma_wait3A_523, %dma_wait3A_524] : memref<256x128xf32, #tpu.memory_space<vmem>> -> memref<16x128xf32, #tpu.memory_space<vmem>>
            %dma_wait3A_526 = arith.constant 0 : i32
            %dma_wait3A_527 = arith.constant 0 : i32
            %dma_wait3A_528 = tpu.memref_slice %arg16[%dma_wait3A_526, %dma_wait3A_527] : memref<8208x128xf32, #tpu.memory_space<vmem_shared>> -> memref<8208x128xf32, #tpu.memory_space<vmem_shared>>
            tpu.wait_indirect_dma semaphore(%arg19 : memref<!tpu.dma_semaphore, #tpu.memory_space<semaphore_mem>>) src(%dma_wait3A_525 : memref<16x128xf32, #tpu.memory_space<vmem>>) dst(%dma_wait3A_528 : memref<8208x128xf32, #tpu.memory_space<vmem_shared>>)
          }
        }
        %while3A_478 = arith.constant 1 : i32
        scf.for %while3A_479 = %while3A_476 to %while3A_472 step %while3A_478  : i32 {
          %mul3A_480 = arith.constant 16 : i32
          %mul3A_481 = arith.muli %while3A_479, %mul3A_480 : i32
          %sub3A_482 = arith.subi %select_n3A_165, %mul3A_481 : i32
          %min3A_483 = arith.constant 16 : i32
          %min3A_484 = arith.minsi %sub3A_482, %min3A_483 : i32
          %while3A_485 = arith.constant 0 : i32
          %while3A_486 = arith.subi %min3A_484, %while3A_485 : i32
          %while3A_487 = arith.addi %while3A_485, %while3A_486 : i32
          %while3A_488 = arith.constant 1 : i32
          %while3A_489 = arith.divsi %while3A_486, %while3A_488 : i32
          %while3A_490 = arith.muli %while3A_489, %while3A_488 : i32
          %while3A_491 = arith.addi %while3A_485, %while3A_490 : i32
          %while3A_492 = arith.constant 1 : i32
          scf.for %while3A_521 = %while3A_485 to %while3A_491 step %while3A_492  : i32 {
            %add3A_522 = arith.addi %mul3A_481, %while3A_521 : i32
            %mul3A_523 = arith.constant 16 : i32
            %mul3A_524 = arith.muli %add3A_522, %mul3A_523 : i32
            %get3A = arith.index_cast %mul3A_524 : i32 to index
            %get3A_525 = tpu.vector_load %arg11[%get3A] {strides = array<i32>} : memref<544xi32, #tpu.memory_space<vmem>>, vector<16xi32>,
            %mul3A_526 = arith.constant 16 : i32
            %mul3A_527 = arith.muli %while3A_521, %mul3A_526 : i32
            %dma_start3A_528 = arith.constant 0 : i32
            %dma_start3A_529 = tpu.memref_slice %arg14[%mul3A_527, %dma_start3A_528] : memref<256x128xf32, #tpu.memory_space<vmem>> -> memref<16x128xf32, #tpu.memory_space<vmem>>
            %dma_start3A_530 = arith.constant 0 : i32
            %dma_start3A_531 = arith.constant 0 : i32
            %dma_start3A_532 = tpu.memref_slice %arg3[%dma_start3A_530, %dma_start3A_531] : memref<8192x128xf32, #tpu.memory_space<hbm>> -> memref<8192x128xf32, #tpu.memory_space<hbm>>
            tpu.enqueue_indirect_dma source(%dma_start3A_532 : memref<8192x128xf32, #tpu.memory_space<hbm>>) target(%dma_start3A_529 : memref<16x128xf32, #tpu.memory_space<vmem>>) offsets(%get3A_525 : vector<16xi32>) semaphore(%arg19 : memref<!tpu.dma_semaphore, #tpu.memory_space<semaphore_mem>>)
          }
          %while3A_493 = arith.constant 1 : i32
          scf.for %while3A_521 = %while3A_491 to %while3A_487 step %while3A_493  : i32 {
            %add3A_522 = arith.addi %mul3A_481, %while3A_521 : i32
            %mul3A_523 = arith.constant 16 : i32
            %mul3A_524 = arith.muli %add3A_522, %mul3A_523 : i32
            %get3A = arith.index_cast %mul3A_524 : i32 to index
            %get3A_525 = tpu.vector_load %arg11[%get3A] {strides = array<i32>} : memref<544xi32, #tpu.memory_space<vmem>>, vector<16xi32>,
            %mul3A_526 = arith.constant 16 : i32
            %mul3A_527 = arith.muli %while3A_521, %mul3A_526 : i32
            %dma_start3A_528 = arith.constant 0 : i32
            %dma_start3A_529 = tpu.memref_slice %arg14[%mul3A_527, %dma_start3A_528] : memref<256x128xf32, #tpu.memory_space<vmem>> -> memref<16x128xf32, #tpu.memory_space<vmem>>
            %dma_start3A_530 = arith.constant 0 : i32
            %dma_start3A_531 = arith.constant 0 : i32
            %dma_start3A_532 = tpu.memref_slice %arg3[%dma_start3A_530, %dma_start3A_531] : memref<8192x128xf32, #tpu.memory_space<hbm>> -> memref<8192x128xf32, #tpu.memory_space<hbm>>
            tpu.enqueue_indirect_dma source(%dma_start3A_532 : memref<8192x128xf32, #tpu.memory_space<hbm>>) target(%dma_start3A_529 : memref<16x128xf32, #tpu.memory_space<vmem>>) offsets(%get3A_525 : vector<16xi32>) semaphore(%arg19 : memref<!tpu.dma_semaphore, #tpu.memory_space<semaphore_mem>>)
          }
          %while3A_494 = arith.constant 0 : i32
          %while3A_495 = arith.subi %min3A_484, %while3A_494 : i32
          %while3A_496 = arith.addi %while3A_494, %while3A_495 : i32
          %while3A_497 = arith.constant 1 : i32
          %while3A_498 = arith.divsi %while3A_495, %while3A_497 : i32
          %while3A_499 = arith.muli %while3A_498, %while3A_497 : i32
          %while3A_500 = arith.addi %while3A_494, %while3A_499 : i32
          %while3A_501 = arith.constant 1 : i32
          scf.for %while3A_521 = %while3A_494 to %while3A_500 step %while3A_501  : i32 {
            %get3A = arith.constant 0 : index
            %get3A_522 = tpu.vector_load %arg11[%get3A] {strides = array<i32>} : memref<544xi32, #tpu.memory_space<vmem>>, vector<16xi32>,
            %dma_wait3A_523 = arith.constant 0 : i32
            %dma_wait3A_524 = arith.constant 0 : i32
            %dma_wait3A_525 = tpu.memref_slice %arg14[%dma_wait3A_523, %dma_wait3A_524] : memref<256x128xf32, #tpu.memory_space<vmem>> -> memref<16x128xf32, #tpu.memory_space<vmem>>
            %dma_wait3A_526 = arith.constant 0 : i32
            %dma_wait3A_527 = arith.constant 0 : i32
            %dma_wait3A_528 = tpu.memref_slice %arg3[%dma_wait3A_526, %dma_wait3A_527] : memref<8192x128xf32, #tpu.memory_space<hbm>> -> memref<8192x128xf32, #tpu.memory_space<hbm>>
            tpu.wait_indirect_dma semaphore(%arg19 : memref<!tpu.dma_semaphore, #tpu.memory_space<semaphore_mem>>) src(%dma_wait3A_528 : memref<8192x128xf32, #tpu.memory_space<hbm>>) dst(%dma_wait3A_525 : memref<16x128xf32, #tpu.memory_space<vmem>>)
          }
          %while3A_502 = arith.constant 1 : i32
          scf.for %while3A_521 = %while3A_500 to %while3A_496 step %while3A_502  : i32 {
            %get3A = arith.constant 0 : index
            %get3A_522 = tpu.vector_load %arg11[%get3A] {strides = array<i32>} : memref<544xi32, #tpu.memory_space<vmem>>, vector<16xi32>,
            %dma_wait3A_523 = arith.constant 0 : i32
            %dma_wait3A_524 = arith.constant 0 : i32
            %dma_wait3A_525 = tpu.memref_slice %arg14[%dma_wait3A_523, %dma_wait3A_524] : memref<256x128xf32, #tpu.memory_space<vmem>> -> memref<16x128xf32, #tpu.memory_space<vmem>>
            %dma_wait3A_526 = arith.constant 0 : i32
            %dma_wait3A_527 = arith.constant 0 : i32
            %dma_wait3A_528 = tpu.memref_slice %arg3[%dma_wait3A_526, %dma_wait3A_527] : memref<8192x128xf32, #tpu.memory_space<hbm>> -> memref<8192x128xf32, #tpu.memory_space<hbm>>
            tpu.wait_indirect_dma semaphore(%arg19 : memref<!tpu.dma_semaphore, #tpu.memory_space<semaphore_mem>>) src(%dma_wait3A_528 : memref<8192x128xf32, #tpu.memory_space<hbm>>) dst(%dma_wait3A_525 : memref<16x128xf32, #tpu.memory_space<vmem>>)
          }
          %while3A_503 = arith.constant 0 : i32
          %while3A_504 = arith.subi %min3A_484, %while3A_503 : i32
          %while3A_505 = arith.addi %while3A_503, %while3A_504 : i32
          %while3A_506 = arith.constant 1 : i32
          %while3A_507 = arith.divsi %while3A_504, %while3A_506 : i32
          %while3A_508 = arith.muli %while3A_507, %while3A_506 : i32
          %while3A_509 = arith.addi %while3A_503, %while3A_508 : i32
          %while3A_510 = arith.constant 1 : i32
          scf.for %while3A_521 = %while3A_503 to %while3A_509 step %while3A_510  : i32 {
            %add3A_522 = arith.addi %mul3A_481, %while3A_521 : i32
            %mul3A_523 = arith.constant 16 : i32
            %mul3A_524 = arith.muli %add3A_522, %mul3A_523 : i32
            %get3A = arith.index_cast %mul3A_524 : i32 to index
            %get3A_525 = tpu.vector_load %arg10[%get3A] {strides = array<i32>} : memref<544xi32, #tpu.memory_space<vmem>>, vector<16xi32>,
            %mul3A_526 = arith.constant 16 : i32
            %mul3A_527 = arith.muli %while3A_521, %mul3A_526 : i32
            %dma_start3A_528 = arith.constant 0 : i32
            %dma_start3A_529 = tpu.memref_slice %arg14[%mul3A_527, %dma_start3A_528] : memref<256x128xf32, #tpu.memory_space<vmem>> -> memref<16x128xf32, #tpu.memory_space<vmem>>
            %dma_start3A_530 = arith.constant 0 : i32
            %dma_start3A_531 = arith.constant 0 : i32
            %dma_start3A_532 = tpu.memref_slice %arg16[%dma_start3A_530, %dma_start3A_531] : memref<8208x128xf32, #tpu.memory_space<vmem_shared>> -> memref<8208x128xf32, #tpu.memory_space<vmem_shared>>
            tpu.enqueue_indirect_dma source(%dma_start3A_529 : memref<16x128xf32, #tpu.memory_space<vmem>>) target(%dma_start3A_532 : memref<8208x128xf32, #tpu.memory_space<vmem_shared>>) offsets(%get3A_525 : vector<16xi32>) semaphore(%arg19 : memref<!tpu.dma_semaphore, #tpu.memory_space<semaphore_mem>>) {add = true}
          }
          %while3A_511 = arith.constant 1 : i32
          scf.for %while3A_521 = %while3A_509 to %while3A_505 step %while3A_511  : i32 {
            %add3A_522 = arith.addi %mul3A_481, %while3A_521 : i32
            %mul3A_523 = arith.constant 16 : i32
            %mul3A_524 = arith.muli %add3A_522, %mul3A_523 : i32
            %get3A = arith.index_cast %mul3A_524 : i32 to index
            %get3A_525 = tpu.vector_load %arg10[%get3A] {strides = array<i32>} : memref<544xi32, #tpu.memory_space<vmem>>, vector<16xi32>,
            %mul3A_526 = arith.constant 16 : i32
            %mul3A_527 = arith.muli %while3A_521, %mul3A_526 : i32
            %dma_start3A_528 = arith.constant 0 : i32
            %dma_start3A_529 = tpu.memref_slice %arg14[%mul3A_527, %dma_start3A_528] : memref<256x128xf32, #tpu.memory_space<vmem>> -> memref<16x128xf32, #tpu.memory_space<vmem>>
            %dma_start3A_530 = arith.constant 0 : i32
            %dma_start3A_531 = arith.constant 0 : i32
            %dma_start3A_532 = tpu.memref_slice %arg16[%dma_start3A_530, %dma_start3A_531] : memref<8208x128xf32, #tpu.memory_space<vmem_shared>> -> memref<8208x128xf32, #tpu.memory_space<vmem_shared>>
            tpu.enqueue_indirect_dma source(%dma_start3A_529 : memref<16x128xf32, #tpu.memory_space<vmem>>) target(%dma_start3A_532 : memref<8208x128xf32, #tpu.memory_space<vmem_shared>>) offsets(%get3A_525 : vector<16xi32>) semaphore(%arg19 : memref<!tpu.dma_semaphore, #tpu.memory_space<semaphore_mem>>) {add = true}
          }
          %while3A_512 = arith.constant 0 : i32
          %while3A_513 = arith.subi %min3A_484, %while3A_512 : i32
          %while3A_514 = arith.addi %while3A_512, %while3A_513 : i32
          %while3A_515 = arith.constant 1 : i32
          %while3A_516 = arith.divsi %while3A_513, %while3A_515 : i32
          %while3A_517 = arith.muli %while3A_516, %while3A_515 : i32
          %while3A_518 = arith.addi %while3A_512, %while3A_517 : i32
          %while3A_519 = arith.constant 1 : i32
          scf.for %while3A_521 = %while3A_512 to %while3A_518 step %while3A_519  : i32 {
            %get3A = arith.constant 0 : index
            %get3A_522 = tpu.vector_load %arg10[%get3A] {strides = array<i32>} : memref<544xi32, #tpu.memory_space<vmem>>, vector<16xi32>,
            %dma_wait3A_523 = arith.constant 0 : i32
            %dma_wait3A_524 = arith.constant 0 : i32
            %dma_wait3A_525 = tpu.memref_slice %arg14[%dma_wait3A_523, %dma_wait3A_524] : memref<256x128xf32, #tpu.memory_space<vmem>> -> memref<16x128xf32, #tpu.memory_space<vmem>>
            %dma_wait3A_526 = arith.constant 0 : i32
            %dma_wait3A_527 = arith.constant 0 : i32
            %dma_wait3A_528 = tpu.memref_slice %arg16[%dma_wait3A_526, %dma_wait3A_527] : memref<8208x128xf32, #tpu.memory_space<vmem_shared>> -> memref<8208x128xf32, #tpu.memory_space<vmem_shared>>
            tpu.wait_indirect_dma semaphore(%arg19 : memref<!tpu.dma_semaphore, #tpu.memory_space<semaphore_mem>>) src(%dma_wait3A_525 : memref<16x128xf32, #tpu.memory_space<vmem>>) dst(%dma_wait3A_528 : memref<8208x128xf32, #tpu.memory_space<vmem_shared>>)
          }
          %while3A_520 = arith.constant 1 : i32
          scf.for %while3A_521 = %while3A_518 to %while3A_514 step %while3A_520  : i32 {
            %get3A = arith.constant 0 : index
            %get3A_522 = tpu.vector_load %arg10[%get3A] {strides = array<i32>} : memref<544xi32, #tpu.memory_space<vmem>>, vector<16xi32>,
            %dma_wait3A_523 = arith.constant 0 : i32
            %dma_wait3A_524 = arith.constant 0 : i32
            %dma_wait3A_525 = tpu.memref_slice %arg14[%dma_wait3A_523, %dma_wait3A_524] : memref<256x128xf32, #tpu.memory_space<vmem>> -> memref<16x128xf32, #tpu.memory_space<vmem>>
            %dma_wait3A_526 = arith.constant 0 : i32
            %dma_wait3A_527 = arith.constant 0 : i32
            %dma_wait3A_528 = tpu.memref_slice %arg16[%dma_wait3A_526, %dma_wait3A_527] : memref<8208x128xf32, #tpu.memory_space<vmem_shared>> -> memref<8208x128xf32, #tpu.memory_space<vmem_shared>>
            tpu.wait_indirect_dma semaphore(%arg19 : memref<!tpu.dma_semaphore, #tpu.memory_space<semaphore_mem>>) src(%dma_wait3A_525 : memref<16x128xf32, #tpu.memory_space<vmem>>) dst(%dma_wait3A_528 : memref<8208x128xf32, #tpu.memory_space<vmem_shared>>)
          }
        }
      } else {
      }
      %dma_wait3A = arith.constant 0 : i32
      %dma_wait3A_214 = tpu.memref_slice %arg5[%mul3A_4, %dma_wait3A] : memref<262144x128xf32, #tpu.memory_space<hbm>> -> memref<128x128xf32, #tpu.memory_space<hbm>>
      %dma_wait3A_215 = arith.constant 0 : i32
      %dma_wait3A_216 = tpu.memref_slice %arg5[%mul3A_4, %dma_wait3A_215] : memref<262144x128xf32, #tpu.memory_space<hbm>> -> memref<128x128xf32, #tpu.memory_space<hbm>>
      tpu.wait_dma2 semaphore(%arg17 : memref<!tpu.dma_semaphore, #tpu.memory_space<semaphore_mem>>) src(%arg15 : memref<128x128xf32, #tpu.memory_space<vmem>>) dst(%dma_wait3A_216 : memref<128x128xf32, #tpu.memory_space<hbm>>)
      %dma_wait3A_217 = arith.constant 0 : i32
      %dma_wait3A_218 = tpu.memref_slice %arg5[%mul3A_4, %dma_wait3A_217] : memref<262144x128xf32, #tpu.memory_space<hbm>> -> memref<128x128xf32, #tpu.memory_space<hbm>>
      %dma_wait3A_219 = arith.constant 0 : i32
      %dma_wait3A_220 = tpu.memref_slice %arg5[%mul3A_4, %dma_wait3A_219] : memref<262144x128xf32, #tpu.memory_space<hbm>> -> memref<128x128xf32, #tpu.memory_space<hbm>>
      tpu.wait_dma2 semaphore(%arg17 : memref<!tpu.dma_semaphore, #tpu.memory_space<semaphore_mem>>) src(%arg15 : memref<128x128xf32, #tpu.memory_space<vmem>>) dst(%dma_wait3A_220 : memref<128x128xf32, #tpu.memory_space<hbm>>)
      %dma_wait3A_221 = arith.constant 0 : i32
      %dma_wait3A_222 = tpu.memref_slice %arg5[%mul3A_4, %dma_wait3A_221] : memref<262144x128xf32, #tpu.memory_space<hbm>> -> memref<128x128xf32, #tpu.memory_space<hbm>>
      %dma_wait3A_223 = arith.constant 0 : i32
      %dma_wait3A_224 = tpu.memref_slice %arg5[%mul3A_4, %dma_wait3A_223] : memref<262144x128xf32, #tpu.memory_space<hbm>> -> memref<128x128xf32, #tpu.memory_space<hbm>>
      tpu.wait_dma2 semaphore(%arg17 : memref<!tpu.dma_semaphore, #tpu.memory_space<semaphore_mem>>) src(%arg15 : memref<128x128xf32, #tpu.memory_space<vmem>>) dst(%dma_wait3A_224 : memref<128x128xf32, #tpu.memory_space<hbm>>)
      %dma_wait3A_225 = arith.constant 0 : i32
      %dma_wait3A_226 = tpu.memref_slice %arg5[%mul3A_4, %dma_wait3A_225] : memref<262144x128xf32, #tpu.memory_space<hbm>> -> memref<128x128xf32, #tpu.memory_space<hbm>>
      %dma_wait3A_227 = arith.constant 0 : i32
      %dma_wait3A_228 = tpu.memref_slice %arg5[%mul3A_4, %dma_wait3A_227] : memref<262144x128xf32, #tpu.memory_space<hbm>> -> memref<128x128xf32, #tpu.memory_space<hbm>>
      tpu.wait_dma2 semaphore(%arg17 : memref<!tpu.dma_semaphore, #tpu.memory_space<semaphore_mem>>) src(%arg15 : memref<128x128xf32, #tpu.memory_space<vmem>>) dst(%dma_wait3A_228 : memref<128x128xf32, #tpu.memory_space<hbm>>)
      %barrier3A_229 = arith.constant 0 : index
      tpu.barrier barrier_id(%barrier3A_229)
      %add3A_230 = arith.constant 16 : i32
      %add3A_231 = arith.addi %select_n3A_165, %add3A_230 : i32
      %sub3A_232 = arith.constant 1 : i32
      %sub3A_233 = arith.subi %add3A_231, %sub3A_232 : i32
      %jit3A_234 = arith.constant 16 : i32
      %div3A_235 = arith.divsi %sub3A_233, %jit3A_234 : i32
      %sign3A_236 = arith.constant 0 : i32
      %sign3A_237 = arith.cmpi sgt, %sub3A_233, %sign3A_236 : i32
      %sign3A_238 = arith.extui %sign3A_237 : i1 to i32
      %sign3A_239 = arith.constant 0 : i32
      %sign3A_240 = arith.cmpi slt, %sub3A_233, %sign3A_239 : i32
      %sign3A_241 = arith.extui %sign3A_240 : i1 to i32
      %sign3A_242 = arith.subi %sign3A_238, %sign3A_241 : i32
      %sign3A_243 = arith.constant 0 : i32
      %sign3A_244 = arith.cmpi sgt, %jit3A_234, %sign3A_243 : i32
      %sign3A_245 = arith.extui %sign3A_244 : i1 to i32
      %sign3A_246 = arith.constant 0 : i32
      %sign3A_247 = arith.cmpi slt, %jit3A_234, %sign3A_246 : i32
      %sign3A_248 = arith.extui %sign3A_247 : i1 to i32
      %sign3A_249 = arith.subi %sign3A_245, %sign3A_248 : i32
      %ne3A_250 = arith.cmpi ne, %sign3A_242, %sign3A_249 : i32
      %rem3A_251 = arith.remsi %sub3A_233, %jit3A_234 : i32
      %ne3A_252 = arith.constant 0 : i32
      %ne3A_253 = arith.cmpi ne, %rem3A_251, %ne3A_252 : i32
      %and3A_254 = arith.andi %ne3A_250, %ne3A_253 : i1
      %sub3A_255 = arith.constant 1 : i32
      %sub3A_256 = arith.subi %div3A_235, %sub3A_255 : i32
      %select_n3A_257 = arith.select %and3A_254, %sub3A_256, %div3A_235 : i32
      %while3A_258 = arith.constant 0 : i32
      %while3A_259 = arith.subi %select_n3A_257, %while3A_258 : i32
      %while3A_260 = arith.addi %while3A_258, %while3A_259 : i32
      %while3A_261 = arith.constant 1 : i32
      %while3A_262 = arith.divsi %while3A_259, %while3A_261 : i32
      %while3A_263 = arith.muli %while3A_262, %while3A_261 : i32
      %while3A_264 = arith.addi %while3A_258, %while3A_263 : i32
      %while3A_265 = arith.constant 1 : i32
      scf.for %while3A_442 = %while3A_258 to %while3A_264 step %while3A_265  : i32 {
        %mul3A_443 = arith.constant 16 : i32
        %mul3A_444 = arith.muli %while3A_442, %mul3A_443 : i32
        %sub3A_445 = arith.subi %select_n3A_165, %mul3A_444 : i32
        %min3A_446 = arith.constant 16 : i32
        %min3A_447 = arith.minsi %sub3A_445, %min3A_446 : i32
        %while3A_448 = arith.constant 0 : i32
        %while3A_449 = arith.subi %min3A_447, %while3A_448 : i32
        %while3A_450 = arith.addi %while3A_448, %while3A_449 : i32
        %while3A_451 = arith.constant 1 : i32
        %while3A_452 = arith.divsi %while3A_449, %while3A_451 : i32
        %while3A_453 = arith.muli %while3A_452, %while3A_451 : i32
        %while3A_454 = arith.addi %while3A_448, %while3A_453 : i32
        %while3A_455 = arith.constant 1 : i32
        scf.for %while3A_484 = %while3A_448 to %while3A_454 step %while3A_455  : i32 {
          %add3A_485 = arith.addi %mul3A_444, %while3A_484 : i32
          %mul3A_486 = arith.constant 16 : i32
          %mul3A_487 = arith.muli %add3A_485, %mul3A_486 : i32
          %get3A = arith.index_cast %mul3A_487 : i32 to index
          %get3A_488 = tpu.vector_load %arg10[%get3A] {strides = array<i32>} : memref<544xi32, #tpu.memory_space<vmem>>, vector<16xi32>,
          %ge3A_489 = arith.constant 8192 : i32
          %ge3A_490 = vector.broadcast %ge3A_489 : i32 to vector<16xi32>
          %ge3A_491 = arith.cmpi sge, %get3A_488, %ge3A_490 : vector<16xi32>
          %jit3A_492 = arith.constant 0 : i32
          %broadcast_in_dim3A_493 = vector.broadcast %jit3A_492 : i32 to vector<16xi32>
          %select_n3A_494 = arith.select %ge3A_491, %broadcast_in_dim3A_493, %get3A_488 : vector<16xi1>, vector<16xi32>
          %mul3A_495 = arith.constant 16 : i32
          %mul3A_496 = arith.muli %while3A_484, %mul3A_495 : i32
          %dma_start3A_497 = arith.constant 0 : i32
          %dma_start3A_498 = tpu.memref_slice %arg14[%mul3A_496, %dma_start3A_497] : memref<256x128xf32, #tpu.memory_space<vmem>> -> memref<16x128xf32, #tpu.memory_space<vmem>>
          %dma_start3A_499 = arith.constant 0 : i32
          %dma_start3A_500 = arith.constant 0 : i32
          %dma_start3A_501 = tpu.memref_slice %arg16[%dma_start3A_499, %dma_start3A_500] : memref<8208x128xf32, #tpu.memory_space<vmem_shared>> -> memref<8208x128xf32, #tpu.memory_space<vmem_shared>>
          tpu.enqueue_indirect_dma source(%dma_start3A_501 : memref<8208x128xf32, #tpu.memory_space<vmem_shared>>) target(%dma_start3A_498 : memref<16x128xf32, #tpu.memory_space<vmem>>) offsets(%select_n3A_494 : vector<16xi32>) semaphore(%arg19 : memref<!tpu.dma_semaphore, #tpu.memory_space<semaphore_mem>>)
        }
        %while3A_456 = arith.constant 1 : i32
        scf.for %while3A_484 = %while3A_454 to %while3A_450 step %while3A_456  : i32 {
          %add3A_485 = arith.addi %mul3A_444, %while3A_484 : i32
          %mul3A_486 = arith.constant 16 : i32
          %mul3A_487 = arith.muli %add3A_485, %mul3A_486 : i32
          %get3A = arith.index_cast %mul3A_487 : i32 to index
          %get3A_488 = tpu.vector_load %arg10[%get3A] {strides = array<i32>} : memref<544xi32, #tpu.memory_space<vmem>>, vector<16xi32>,
          %ge3A_489 = arith.constant 8192 : i32
          %ge3A_490 = vector.broadcast %ge3A_489 : i32 to vector<16xi32>
          %ge3A_491 = arith.cmpi sge, %get3A_488, %ge3A_490 : vector<16xi32>
          %jit3A_492 = arith.constant 0 : i32
          %broadcast_in_dim3A_493 = vector.broadcast %jit3A_492 : i32 to vector<16xi32>
          %select_n3A_494 = arith.select %ge3A_491, %broadcast_in_dim3A_493, %get3A_488 : vector<16xi1>, vector<16xi32>
          %mul3A_495 = arith.constant 16 : i32
          %mul3A_496 = arith.muli %while3A_484, %mul3A_495 : i32
          %dma_start3A_497 = arith.constant 0 : i32
          %dma_start3A_498 = tpu.memref_slice %arg14[%mul3A_496, %dma_start3A_497] : memref<256x128xf32, #tpu.memory_space<vmem>> -> memref<16x128xf32, #tpu.memory_space<vmem>>
          %dma_start3A_499 = arith.constant 0 : i32
          %dma_start3A_500 = arith.constant 0 : i32
          %dma_start3A_501 = tpu.memref_slice %arg16[%dma_start3A_499, %dma_start3A_500] : memref<8208x128xf32, #tpu.memory_space<vmem_shared>> -> memref<8208x128xf32, #tpu.memory_space<vmem_shared>>
          tpu.enqueue_indirect_dma source(%dma_start3A_501 : memref<8208x128xf32, #tpu.memory_space<vmem_shared>>) target(%dma_start3A_498 : memref<16x128xf32, #tpu.memory_space<vmem>>) offsets(%select_n3A_494 : vector<16xi32>) semaphore(%arg19 : memref<!tpu.dma_semaphore, #tpu.memory_space<semaphore_mem>>)
        }
        %while3A_457 = arith.constant 0 : i32
        %while3A_458 = arith.subi %min3A_447, %while3A_457 : i32
        %while3A_459 = arith.addi %while3A_457, %while3A_458 : i32
        %while3A_460 = arith.constant 1 : i32
        %while3A_461 = arith.divsi %while3A_458, %while3A_460 : i32
        %while3A_462 = arith.muli %while3A_461, %while3A_460 : i32
        %while3A_463 = arith.addi %while3A_457, %while3A_462 : i32
        %while3A_464 = arith.constant 1 : i32
        scf.for %while3A_484 = %while3A_457 to %while3A_463 step %while3A_464  : i32 {
          %get3A = arith.constant 0 : index
          %get3A_485 = tpu.vector_load %arg10[%get3A] {strides = array<i32>} : memref<544xi32, #tpu.memory_space<vmem>>, vector<16xi32>,
          %dma_wait3A_486 = arith.constant 0 : i32
          %dma_wait3A_487 = arith.constant 0 : i32
          %dma_wait3A_488 = tpu.memref_slice %arg14[%dma_wait3A_486, %dma_wait3A_487] : memref<256x128xf32, #tpu.memory_space<vmem>> -> memref<16x128xf32, #tpu.memory_space<vmem>>
          %dma_wait3A_489 = arith.constant 0 : i32
          %dma_wait3A_490 = arith.constant 0 : i32
          %dma_wait3A_491 = tpu.memref_slice %arg16[%dma_wait3A_489, %dma_wait3A_490] : memref<8208x128xf32, #tpu.memory_space<vmem_shared>> -> memref<8208x128xf32, #tpu.memory_space<vmem_shared>>
          tpu.wait_indirect_dma semaphore(%arg19 : memref<!tpu.dma_semaphore, #tpu.memory_space<semaphore_mem>>) src(%dma_wait3A_491 : memref<8208x128xf32, #tpu.memory_space<vmem_shared>>) dst(%dma_wait3A_488 : memref<16x128xf32, #tpu.memory_space<vmem>>)
        }
        %while3A_465 = arith.constant 1 : i32
        scf.for %while3A_484 = %while3A_463 to %while3A_459 step %while3A_465  : i32 {
          %get3A = arith.constant 0 : index
          %get3A_485 = tpu.vector_load %arg10[%get3A] {strides = array<i32>} : memref<544xi32, #tpu.memory_space<vmem>>, vector<16xi32>,
          %dma_wait3A_486 = arith.constant 0 : i32
          %dma_wait3A_487 = arith.constant 0 : i32
          %dma_wait3A_488 = tpu.memref_slice %arg14[%dma_wait3A_486, %dma_wait3A_487] : memref<256x128xf32, #tpu.memory_space<vmem>> -> memref<16x128xf32, #tpu.memory_space<vmem>>
          %dma_wait3A_489 = arith.constant 0 : i32
          %dma_wait3A_490 = arith.constant 0 : i32
          %dma_wait3A_491 = tpu.memref_slice %arg16[%dma_wait3A_489, %dma_wait3A_490] : memref<8208x128xf32, #tpu.memory_space<vmem_shared>> -> memref<8208x128xf32, #tpu.memory_space<vmem_shared>>
          tpu.wait_indirect_dma semaphore(%arg19 : memref<!tpu.dma_semaphore, #tpu.memory_space<semaphore_mem>>) src(%dma_wait3A_491 : memref<8208x128xf32, #tpu.memory_space<vmem_shared>>) dst(%dma_wait3A_488 : memref<16x128xf32, #tpu.memory_space<vmem>>)
        }
        %while3A_466 = arith.constant 0 : i32
        %while3A_467 = arith.subi %min3A_447, %while3A_466 : i32
        %while3A_468 = arith.addi %while3A_466, %while3A_467 : i32
        %while3A_469 = arith.constant 1 : i32
        %while3A_470 = arith.divsi %while3A_467, %while3A_469 : i32
        %while3A_471 = arith.muli %while3A_470, %while3A_469 : i32
        %while3A_472 = arith.addi %while3A_466, %while3A_471 : i32
        %while3A_473 = arith.constant 1 : i32
        scf.for %while3A_484 = %while3A_466 to %while3A_472 step %while3A_473  : i32 {
          %add3A_485 = arith.addi %mul3A_444, %while3A_484 : i32
          %mul3A_486 = arith.constant 16 : i32
          %mul3A_487 = arith.muli %add3A_485, %mul3A_486 : i32
          %get3A = arith.index_cast %mul3A_487 : i32 to index
          %get3A_488 = tpu.vector_load %arg10[%get3A] {strides = array<i32>} : memref<544xi32, #tpu.memory_space<vmem>>, vector<16xi32>,
          %ge3A_489 = arith.constant 8192 : i32
          %ge3A_490 = vector.broadcast %ge3A_489 : i32 to vector<16xi32>
          %ge3A_491 = arith.cmpi sge, %get3A_488, %ge3A_490 : vector<16xi32>
          %jit3A_492 = arith.constant 0 : i32
          %broadcast_in_dim3A_493 = vector.broadcast %jit3A_492 : i32 to vector<16xi32>
          %select_n3A_494 = arith.select %ge3A_491, %broadcast_in_dim3A_493, %get3A_488 : vector<16xi1>, vector<16xi32>
          %add3A_495 = vector.broadcast %add3A_118 : i32 to vector<16xi32>
          %add3A_496 = arith.addi %add3A_495, %select_n3A_494 : vector<16xi32>
          %mul3A_497 = arith.constant 16 : i32
          %mul3A_498 = arith.muli %while3A_484, %mul3A_497 : i32
          %dma_start3A_499 = arith.constant 0 : i32
          %dma_start3A_500 = tpu.memref_slice %arg14[%mul3A_498, %dma_start3A_499] : memref<256x128xf32, #tpu.memory_space<vmem>> -> memref<16x128xf32, #tpu.memory_space<vmem>>
          %dma_start3A_501 = arith.constant 0 : i32
          %dma_start3A_502 = arith.constant 0 : i32
          %dma_start3A_503 = tpu.memref_slice %arg5[%dma_start3A_501, %dma_start3A_502] : memref<262144x128xf32, #tpu.memory_space<hbm>> -> memref<262144x128xf32, #tpu.memory_space<hbm>>
          tpu.enqueue_indirect_dma source(%dma_start3A_500 : memref<16x128xf32, #tpu.memory_space<vmem>>) target(%dma_start3A_503 : memref<262144x128xf32, #tpu.memory_space<hbm>>) offsets(%add3A_496 : vector<16xi32>) semaphore(%arg19 : memref<!tpu.dma_semaphore, #tpu.memory_space<semaphore_mem>>)
        }
        %while3A_474 = arith.constant 1 : i32
        scf.for %while3A_484 = %while3A_472 to %while3A_468 step %while3A_474  : i32 {
          %add3A_485 = arith.addi %mul3A_444, %while3A_484 : i32
          %mul3A_486 = arith.constant 16 : i32
          %mul3A_487 = arith.muli %add3A_485, %mul3A_486 : i32
          %get3A = arith.index_cast %mul3A_487 : i32 to index
          %get3A_488 = tpu.vector_load %arg10[%get3A] {strides = array<i32>} : memref<544xi32, #tpu.memory_space<vmem>>, vector<16xi32>,
          %ge3A_489 = arith.constant 8192 : i32
          %ge3A_490 = vector.broadcast %ge3A_489 : i32 to vector<16xi32>
          %ge3A_491 = arith.cmpi sge, %get3A_488, %ge3A_490 : vector<16xi32>
          %jit3A_492 = arith.constant 0 : i32
          %broadcast_in_dim3A_493 = vector.broadcast %jit3A_492 : i32 to vector<16xi32>
          %select_n3A_494 = arith.select %ge3A_491, %broadcast_in_dim3A_493, %get3A_488 : vector<16xi1>, vector<16xi32>
          %add3A_495 = vector.broadcast %add3A_118 : i32 to vector<16xi32>
          %add3A_496 = arith.addi %add3A_495, %select_n3A_494 : vector<16xi32>
          %mul3A_497 = arith.constant 16 : i32
          %mul3A_498 = arith.muli %while3A_484, %mul3A_497 : i32
          %dma_start3A_499 = arith.constant 0 : i32
          %dma_start3A_500 = tpu.memref_slice %arg14[%mul3A_498, %dma_start3A_499] : memref<256x128xf32, #tpu.memory_space<vmem>> -> memref<16x128xf32, #tpu.memory_space<vmem>>
          %dma_start3A_501 = arith.constant 0 : i32
          %dma_start3A_502 = arith.constant 0 : i32
          %dma_start3A_503 = tpu.memref_slice %arg5[%dma_start3A_501, %dma_start3A_502] : memref<262144x128xf32, #tpu.memory_space<hbm>> -> memref<262144x128xf32, #tpu.memory_space<hbm>>
          tpu.enqueue_indirect_dma source(%dma_start3A_500 : memref<16x128xf32, #tpu.memory_space<vmem>>) target(%dma_start3A_503 : memref<262144x128xf32, #tpu.memory_space<hbm>>) offsets(%add3A_496 : vector<16xi32>) semaphore(%arg19 : memref<!tpu.dma_semaphore, #tpu.memory_space<semaphore_mem>>)
        }
        %while3A_475 = arith.constant 0 : i32
        %while3A_476 = arith.subi %min3A_447, %while3A_475 : i32
        %while3A_477 = arith.addi %while3A_475, %while3A_476 : i32
        %while3A_478 = arith.constant 1 : i32
        %while3A_479 = arith.divsi %while3A_476, %while3A_478 : i32
        %while3A_480 = arith.muli %while3A_479, %while3A_478 : i32
        %while3A_481 = arith.addi %while3A_475, %while3A_480 : i32
        %while3A_482 = arith.constant 1 : i32
        scf.for %while3A_484 = %while3A_475 to %while3A_481 step %while3A_482  : i32 {
          %get3A = arith.constant 0 : index
          %get3A_485 = tpu.vector_load %arg10[%get3A] {strides = array<i32>} : memref<544xi32, #tpu.memory_space<vmem>>, vector<16xi32>,
          %dma_wait3A_486 = arith.constant 0 : i32
          %dma_wait3A_487 = arith.constant 0 : i32
          %dma_wait3A_488 = tpu.memref_slice %arg14[%dma_wait3A_486, %dma_wait3A_487] : memref<256x128xf32, #tpu.memory_space<vmem>> -> memref<16x128xf32, #tpu.memory_space<vmem>>
          %dma_wait3A_489 = arith.constant 0 : i32
          %dma_wait3A_490 = arith.constant 0 : i32
          %dma_wait3A_491 = tpu.memref_slice %arg5[%dma_wait3A_489, %dma_wait3A_490] : memref<262144x128xf32, #tpu.memory_space<hbm>> -> memref<262144x128xf32, #tpu.memory_space<hbm>>
          tpu.wait_indirect_dma semaphore(%arg19 : memref<!tpu.dma_semaphore, #tpu.memory_space<semaphore_mem>>) src(%dma_wait3A_488 : memref<16x128xf32, #tpu.memory_space<vmem>>) dst(%dma_wait3A_491 : memref<262144x128xf32, #tpu.memory_space<hbm>>)
        }
        %while3A_483 = arith.constant 1 : i32
        scf.for %while3A_484 = %while3A_481 to %while3A_477 step %while3A_483  : i32 {
          %get3A = arith.constant 0 : index
          %get3A_485 = tpu.vector_load %arg10[%get3A] {strides = array<i32>} : memref<544xi32, #tpu.memory_space<vmem>>, vector<16xi32>,
          %dma_wait3A_486 = arith.constant 0 : i32
          %dma_wait3A_487 = arith.constant 0 : i32
          %dma_wait3A_488 = tpu.memref_slice %arg14[%dma_wait3A_486, %dma_wait3A_487] : memref<256x128xf32, #tpu.memory_space<vmem>> -> memref<16x128xf32, #tpu.memory_space<vmem>>
          %dma_wait3A_489 = arith.constant 0 : i32
          %dma_wait3A_490 = arith.constant 0 : i32
          %dma_wait3A_491 = tpu.memref_slice %arg5[%dma_wait3A_489, %dma_wait3A_490] : memref<262144x128xf32, #tpu.memory_space<hbm>> -> memref<262144x128xf32, #tpu.memory_space<hbm>>
          tpu.wait_indirect_dma semaphore(%arg19 : memref<!tpu.dma_semaphore, #tpu.memory_space<semaphore_mem>>) src(%dma_wait3A_488 : memref<16x128xf32, #tpu.memory_space<vmem>>) dst(%dma_wait3A_491 : memref<262144x128xf32, #tpu.memory_space<hbm>>)
        }
      }
      %while3A_266 = arith.constant 1 : i32
      scf.for %while3A_442 = %while3A_264 to %while3A_260 step %while3A_266  : i32 {
        %mul3A_443 = arith.constant 16 : i32
        %mul3A_444 = arith.muli %while3A_442, %mul3A_443 : i32
        %sub3A_445 = arith.subi %select_n3A_165, %mul3A_444 : i32
        %min3A_446 = arith.constant 16 : i32
        %min3A_447 = arith.minsi %sub3A_445, %min3A_446 : i32
        %while3A_448 = arith.constant 0 : i32
        %while3A_449 = arith.subi %min3A_447, %while3A_448 : i32
        %while3A_450 = arith.addi %while3A_448, %while3A_449 : i32
        %while3A_451 = arith.constant 1 : i32
        %while3A_452 = arith.divsi %while3A_449, %while3A_451 : i32
        %while3A_453 = arith.muli %while3A_452, %while3A_451 : i32
        %while3A_454 = arith.addi %while3A_448, %while3A_453 : i32
        %while3A_455 = arith.constant 1 : i32
        scf.for %while3A_484 = %while3A_448 to %while3A_454 step %while3A_455  : i32 {
          %add3A_485 = arith.addi %mul3A_444, %while3A_484 : i32
          %mul3A_486 = arith.constant 16 : i32
          %mul3A_487 = arith.muli %add3A_485, %mul3A_486 : i32
          %get3A = arith.index_cast %mul3A_487 : i32 to index
          %get3A_488 = tpu.vector_load %arg10[%get3A] {strides = array<i32>} : memref<544xi32, #tpu.memory_space<vmem>>, vector<16xi32>,
          %ge3A_489 = arith.constant 8192 : i32
          %ge3A_490 = vector.broadcast %ge3A_489 : i32 to vector<16xi32>
          %ge3A_491 = arith.cmpi sge, %get3A_488, %ge3A_490 : vector<16xi32>
          %jit3A_492 = arith.constant 0 : i32
          %broadcast_in_dim3A_493 = vector.broadcast %jit3A_492 : i32 to vector<16xi32>
          %select_n3A_494 = arith.select %ge3A_491, %broadcast_in_dim3A_493, %get3A_488 : vector<16xi1>, vector<16xi32>
          %mul3A_495 = arith.constant 16 : i32
          %mul3A_496 = arith.muli %while3A_484, %mul3A_495 : i32
          %dma_start3A_497 = arith.constant 0 : i32
          %dma_start3A_498 = tpu.memref_slice %arg14[%mul3A_496, %dma_start3A_497] : memref<256x128xf32, #tpu.memory_space<vmem>> -> memref<16x128xf32, #tpu.memory_space<vmem>>
          %dma_start3A_499 = arith.constant 0 : i32
          %dma_start3A_500 = arith.constant 0 : i32
          %dma_start3A_501 = tpu.memref_slice %arg16[%dma_start3A_499, %dma_start3A_500] : memref<8208x128xf32, #tpu.memory_space<vmem_shared>> -> memref<8208x128xf32, #tpu.memory_space<vmem_shared>>
          tpu.enqueue_indirect_dma source(%dma_start3A_501 : memref<8208x128xf32, #tpu.memory_space<vmem_shared>>) target(%dma_start3A_498 : memref<16x128xf32, #tpu.memory_space<vmem>>) offsets(%select_n3A_494 : vector<16xi32>) semaphore(%arg19 : memref<!tpu.dma_semaphore, #tpu.memory_space<semaphore_mem>>)
        }
        %while3A_456 = arith.constant 1 : i32
        scf.for %while3A_484 = %while3A_454 to %while3A_450 step %while3A_456  : i32 {
          %add3A_485 = arith.addi %mul3A_444, %while3A_484 : i32
          %mul3A_486 = arith.constant 16 : i32
          %mul3A_487 = arith.muli %add3A_485, %mul3A_486 : i32
          %get3A = arith.index_cast %mul3A_487 : i32 to index
          %get3A_488 = tpu.vector_load %arg10[%get3A] {strides = array<i32>} : memref<544xi32, #tpu.memory_space<vmem>>, vector<16xi32>,
          %ge3A_489 = arith.constant 8192 : i32
          %ge3A_490 = vector.broadcast %ge3A_489 : i32 to vector<16xi32>
          %ge3A_491 = arith.cmpi sge, %get3A_488, %ge3A_490 : vector<16xi32>
          %jit3A_492 = arith.constant 0 : i32
          %broadcast_in_dim3A_493 = vector.broadcast %jit3A_492 : i32 to vector<16xi32>
          %select_n3A_494 = arith.select %ge3A_491, %broadcast_in_dim3A_493, %get3A_488 : vector<16xi1>, vector<16xi32>
          %mul3A_495 = arith.constant 16 : i32
          %mul3A_496 = arith.muli %while3A_484, %mul3A_495 : i32
          %dma_start3A_497 = arith.constant 0 : i32
          %dma_start3A_498 = tpu.memref_slice %arg14[%mul3A_496, %dma_start3A_497] : memref<256x128xf32, #tpu.memory_space<vmem>> -> memref<16x128xf32, #tpu.memory_space<vmem>>
          %dma_start3A_499 = arith.constant 0 : i32
          %dma_start3A_500 = arith.constant 0 : i32
          %dma_start3A_501 = tpu.memref_slice %arg16[%dma_start3A_499, %dma_start3A_500] : memref<8208x128xf32, #tpu.memory_space<vmem_shared>> -> memref<8208x128xf32, #tpu.memory_space<vmem_shared>>
          tpu.enqueue_indirect_dma source(%dma_start3A_501 : memref<8208x128xf32, #tpu.memory_space<vmem_shared>>) target(%dma_start3A_498 : memref<16x128xf32, #tpu.memory_space<vmem>>) offsets(%select_n3A_494 : vector<16xi32>) semaphore(%arg19 : memref<!tpu.dma_semaphore, #tpu.memory_space<semaphore_mem>>)
        }
        %while3A_457 = arith.constant 0 : i32
        %while3A_458 = arith.subi %min3A_447, %while3A_457 : i32
        %while3A_459 = arith.addi %while3A_457, %while3A_458 : i32
        %while3A_460 = arith.constant 1 : i32
        %while3A_461 = arith.divsi %while3A_458, %while3A_460 : i32
        %while3A_462 = arith.muli %while3A_461, %while3A_460 : i32
        %while3A_463 = arith.addi %while3A_457, %while3A_462 : i32
        %while3A_464 = arith.constant 1 : i32
        scf.for %while3A_484 = %while3A_457 to %while3A_463 step %while3A_464  : i32 {
          %get3A = arith.constant 0 : index
          %get3A_485 = tpu.vector_load %arg10[%get3A] {strides = array<i32>} : memref<544xi32, #tpu.memory_space<vmem>>, vector<16xi32>,
          %dma_wait3A_486 = arith.constant 0 : i32
          %dma_wait3A_487 = arith.constant 0 : i32
          %dma_wait3A_488 = tpu.memref_slice %arg14[%dma_wait3A_486, %dma_wait3A_487] : memref<256x128xf32, #tpu.memory_space<vmem>> -> memref<16x128xf32, #tpu.memory_space<vmem>>
          %dma_wait3A_489 = arith.constant 0 : i32
          %dma_wait3A_490 = arith.constant 0 : i32
          %dma_wait3A_491 = tpu.memref_slice %arg16[%dma_wait3A_489, %dma_wait3A_490] : memref<8208x128xf32, #tpu.memory_space<vmem_shared>> -> memref<8208x128xf32, #tpu.memory_space<vmem_shared>>
          tpu.wait_indirect_dma semaphore(%arg19 : memref<!tpu.dma_semaphore, #tpu.memory_space<semaphore_mem>>) src(%dma_wait3A_491 : memref<8208x128xf32, #tpu.memory_space<vmem_shared>>) dst(%dma_wait3A_488 : memref<16x128xf32, #tpu.memory_space<vmem>>)
        }
        %while3A_465 = arith.constant 1 : i32
        scf.for %while3A_484 = %while3A_463 to %while3A_459 step %while3A_465  : i32 {
          %get3A = arith.constant 0 : index
          %get3A_485 = tpu.vector_load %arg10[%get3A] {strides = array<i32>} : memref<544xi32, #tpu.memory_space<vmem>>, vector<16xi32>,
          %dma_wait3A_486 = arith.constant 0 : i32
          %dma_wait3A_487 = arith.constant 0 : i32
          %dma_wait3A_488 = tpu.memref_slice %arg14[%dma_wait3A_486, %dma_wait3A_487] : memref<256x128xf32, #tpu.memory_space<vmem>> -> memref<16x128xf32, #tpu.memory_space<vmem>>
          %dma_wait3A_489 = arith.constant 0 : i32
          %dma_wait3A_490 = arith.constant 0 : i32
          %dma_wait3A_491 = tpu.memref_slice %arg16[%dma_wait3A_489, %dma_wait3A_490] : memref<8208x128xf32, #tpu.memory_space<vmem_shared>> -> memref<8208x128xf32, #tpu.memory_space<vmem_shared>>
          tpu.wait_indirect_dma semaphore(%arg19 : memref<!tpu.dma_semaphore, #tpu.memory_space<semaphore_mem>>) src(%dma_wait3A_491 : memref<8208x128xf32, #tpu.memory_space<vmem_shared>>) dst(%dma_wait3A_488 : memref<16x128xf32, #tpu.memory_space<vmem>>)
        }
        %while3A_466 = arith.constant 0 : i32
        %while3A_467 = arith.subi %min3A_447, %while3A_466 : i32
        %while3A_468 = arith.addi %while3A_466, %while3A_467 : i32
        %while3A_469 = arith.constant 1 : i32
        %while3A_470 = arith.divsi %while3A_467, %while3A_469 : i32
        %while3A_471 = arith.muli %while3A_470, %while3A_469 : i32
        %while3A_472 = arith.addi %while3A_466, %while3A_471 : i32
        %while3A_473 = arith.constant 1 : i32
        scf.for %while3A_484 = %while3A_466 to %while3A_472 step %while3A_473  : i32 {
          %add3A_485 = arith.addi %mul3A_444, %while3A_484 : i32
          %mul3A_486 = arith.constant 16 : i32
          %mul3A_487 = arith.muli %add3A_485, %mul3A_486 : i32
          %get3A = arith.index_cast %mul3A_487 : i32 to index
          %get3A_488 = tpu.vector_load %arg10[%get3A] {strides = array<i32>} : memref<544xi32, #tpu.memory_space<vmem>>, vector<16xi32>,
          %ge3A_489 = arith.constant 8192 : i32
          %ge3A_490 = vector.broadcast %ge3A_489 : i32 to vector<16xi32>
          %ge3A_491 = arith.cmpi sge, %get3A_488, %ge3A_490 : vector<16xi32>
          %jit3A_492 = arith.constant 0 : i32
          %broadcast_in_dim3A_493 = vector.broadcast %jit3A_492 : i32 to vector<16xi32>
          %select_n3A_494 = arith.select %ge3A_491, %broadcast_in_dim3A_493, %get3A_488 : vector<16xi1>, vector<16xi32>
          %add3A_495 = vector.broadcast %add3A_118 : i32 to vector<16xi32>
          %add3A_496 = arith.addi %add3A_495, %select_n3A_494 : vector<16xi32>
          %mul3A_497 = arith.constant 16 : i32
          %mul3A_498 = arith.muli %while3A_484, %mul3A_497 : i32
          %dma_start3A_499 = arith.constant 0 : i32
          %dma_start3A_500 = tpu.memref_slice %arg14[%mul3A_498, %dma_start3A_499] : memref<256x128xf32, #tpu.memory_space<vmem>> -> memref<16x128xf32, #tpu.memory_space<vmem>>
          %dma_start3A_501 = arith.constant 0 : i32
          %dma_start3A_502 = arith.constant 0 : i32
          %dma_start3A_503 = tpu.memref_slice %arg5[%dma_start3A_501, %dma_start3A_502] : memref<262144x128xf32, #tpu.memory_space<hbm>> -> memref<262144x128xf32, #tpu.memory_space<hbm>>
          tpu.enqueue_indirect_dma source(%dma_start3A_500 : memref<16x128xf32, #tpu.memory_space<vmem>>) target(%dma_start3A_503 : memref<262144x128xf32, #tpu.memory_space<hbm>>) offsets(%add3A_496 : vector<16xi32>) semaphore(%arg19 : memref<!tpu.dma_semaphore, #tpu.memory_space<semaphore_mem>>)
        }
        %while3A_474 = arith.constant 1 : i32
        scf.for %while3A_484 = %while3A_472 to %while3A_468 step %while3A_474  : i32 {
          %add3A_485 = arith.addi %mul3A_444, %while3A_484 : i32
          %mul3A_486 = arith.constant 16 : i32
          %mul3A_487 = arith.muli %add3A_485, %mul3A_486 : i32
          %get3A = arith.index_cast %mul3A_487 : i32 to index
          %get3A_488 = tpu.vector_load %arg10[%get3A] {strides = array<i32>} : memref<544xi32, #tpu.memory_space<vmem>>, vector<16xi32>,
          %ge3A_489 = arith.constant 8192 : i32
          %ge3A_490 = vector.broadcast %ge3A_489 : i32 to vector<16xi32>
          %ge3A_491 = arith.cmpi sge, %get3A_488, %ge3A_490 : vector<16xi32>
          %jit3A_492 = arith.constant 0 : i32
          %broadcast_in_dim3A_493 = vector.broadcast %jit3A_492 : i32 to vector<16xi32>
          %select_n3A_494 = arith.select %ge3A_491, %broadcast_in_dim3A_493, %get3A_488 : vector<16xi1>, vector<16xi32>
          %add3A_495 = vector.broadcast %add3A_118 : i32 to vector<16xi32>
          %add3A_496 = arith.addi %add3A_495, %select_n3A_494 : vector<16xi32>
          %mul3A_497 = arith.constant 16 : i32
          %mul3A_498 = arith.muli %while3A_484, %mul3A_497 : i32
          %dma_start3A_499 = arith.constant 0 : i32
          %dma_start3A_500 = tpu.memref_slice %arg14[%mul3A_498, %dma_start3A_499] : memref<256x128xf32, #tpu.memory_space<vmem>> -> memref<16x128xf32, #tpu.memory_space<vmem>>
          %dma_start3A_501 = arith.constant 0 : i32
          %dma_start3A_502 = arith.constant 0 : i32
          %dma_start3A_503 = tpu.memref_slice %arg5[%dma_start3A_501, %dma_start3A_502] : memref<262144x128xf32, #tpu.memory_space<hbm>> -> memref<262144x128xf32, #tpu.memory_space<hbm>>
          tpu.enqueue_indirect_dma source(%dma_start3A_500 : memref<16x128xf32, #tpu.memory_space<vmem>>) target(%dma_start3A_503 : memref<262144x128xf32, #tpu.memory_space<hbm>>) offsets(%add3A_496 : vector<16xi32>) semaphore(%arg19 : memref<!tpu.dma_semaphore, #tpu.memory_space<semaphore_mem>>)
        }
        %while3A_475 = arith.constant 0 : i32
        %while3A_476 = arith.subi %min3A_447, %while3A_475 : i32
        %while3A_477 = arith.addi %while3A_475, %while3A_476 : i32
        %while3A_478 = arith.constant 1 : i32
        %while3A_479 = arith.divsi %while3A_476, %while3A_478 : i32
        %while3A_480 = arith.muli %while3A_479, %while3A_478 : i32
        %while3A_481 = arith.addi %while3A_475, %while3A_480 : i32
        %while3A_482 = arith.constant 1 : i32
        scf.for %while3A_484 = %while3A_475 to %while3A_481 step %while3A_482  : i32 {
          %get3A = arith.constant 0 : index
          %get3A_485 = tpu.vector_load %arg10[%get3A] {strides = array<i32>} : memref<544xi32, #tpu.memory_space<vmem>>, vector<16xi32>,
          %dma_wait3A_486 = arith.constant 0 : i32
          %dma_wait3A_487 = arith.constant 0 : i32
          %dma_wait3A_488 = tpu.memref_slice %arg14[%dma_wait3A_486, %dma_wait3A_487] : memref<256x128xf32, #tpu.memory_space<vmem>> -> memref<16x128xf32, #tpu.memory_space<vmem>>
          %dma_wait3A_489 = arith.constant 0 : i32
          %dma_wait3A_490 = arith.constant 0 : i32
          %dma_wait3A_491 = tpu.memref_slice %arg5[%dma_wait3A_489, %dma_wait3A_490] : memref<262144x128xf32, #tpu.memory_space<hbm>> -> memref<262144x128xf32, #tpu.memory_space<hbm>>
          tpu.wait_indirect_dma semaphore(%arg19 : memref<!tpu.dma_semaphore, #tpu.memory_space<semaphore_mem>>) src(%dma_wait3A_488 : memref<16x128xf32, #tpu.memory_space<vmem>>) dst(%dma_wait3A_491 : memref<262144x128xf32, #tpu.memory_space<hbm>>)
        }
        %while3A_483 = arith.constant 1 : i32
        scf.for %while3A_484 = %while3A_481 to %while3A_477 step %while3A_483  : i32 {
          %get3A = arith.constant 0 : index
          %get3A_485 = tpu.vector_load %arg10[%get3A] {strides = array<i32>} : memref<544xi32, #tpu.memory_space<vmem>>, vector<16xi32>,
          %dma_wait3A_486 = arith.constant 0 : i32
          %dma_wait3A_487 = arith.constant 0 : i32
          %dma_wait3A_488 = tpu.memref_slice %arg14[%dma_wait3A_486, %dma_wait3A_487] : memref<256x128xf32, #tpu.memory_space<vmem>> -> memref<16x128xf32, #tpu.memory_space<vmem>>
          %dma_wait3A_489 = arith.constant 0 : i32
          %dma_wait3A_490 = arith.constant 0 : i32
          %dma_wait3A_491 = tpu.memref_slice %arg5[%dma_wait3A_489, %dma_wait3A_490] : memref<262144x128xf32, #tpu.memory_space<hbm>> -> memref<262144x128xf32, #tpu.memory_space<hbm>>
          tpu.wait_indirect_dma semaphore(%arg19 : memref<!tpu.dma_semaphore, #tpu.memory_space<semaphore_mem>>) src(%dma_wait3A_488 : memref<16x128xf32, #tpu.memory_space<vmem>>) dst(%dma_wait3A_491 : memref<262144x128xf32, #tpu.memory_space<hbm>>)
        }
      }
      %add3A_267 = arith.constant 2 : i32
      %add3A_268 = arith.addi %mul3A_115, %add3A_267 : i32
      %lt3A = arith.constant 16 : i32
      %lt3A_269 = arith.cmpi slt, %add3A_268, %lt3A : i32
      %convert_element_type3A_270 = arith.extui %lt3A_269 : i1 to i32
      %cond3A_271 = arith.constant 0 : i32
      %cond3A_272 = arith.cmpi ne, %convert_element_type3A_270, %cond3A_271 : i32
      scf.if %cond3A_272 {
        %add3A_442 = arith.constant 2 : i32
        %add3A_443 = arith.addi %mul3A_115, %add3A_442 : i32
        %mul3A_444 = arith.constant 8192 : i32
        %mul3A_445 = arith.muli %add3A_443, %mul3A_444 : i32
        %add3A_446 = arith.addi %mul3A_2, %mul3A_445 : i32
        %add3A_447 = arith.addi %add3A_446, %mul3A_4 : i32
        %add3A_448 = arith.constant 0 : i32
        %add3A_449 = arith.addi %add3A_447, %add3A_448 : i32
        %dma_start3A_450 = arith.constant 0 : i32
        %dma_start3A_451 = tpu.memref_slice %arg5[%add3A_449, %dma_start3A_450] : memref<262144x128xf32, #tpu.memory_space<hbm>> -> memref<128x128xf32, #tpu.memory_space<hbm>>
        %dma_start3A_452 = arith.constant 0 : i32
        %dma_start3A_453 = tpu.memref_slice %arg5[%add3A_449, %dma_start3A_452] : memref<262144x128xf32, #tpu.memory_space<hbm>> -> memref<128x128xf32, #tpu.memory_space<hbm>>
        tpu.enqueue_dma source(%arg15 : memref<128x128xf32, #tpu.memory_space<vmem>>) target(%dma_start3A_453 : memref<128x128xf32, #tpu.memory_space<hbm>>) target_semaphore(%arg17 : memref<!tpu.dma_semaphore, #tpu.memory_space<semaphore_mem>>)
        %add3A_454 = arith.constant 128 : i32
        %add3A_455 = arith.addi %add3A_447, %add3A_454 : i32
        %dma_start3A_456 = arith.constant 0 : i32
        %dma_start3A_457 = tpu.memref_slice %arg5[%add3A_455, %dma_start3A_456] : memref<262144x128xf32, #tpu.memory_space<hbm>> -> memref<128x128xf32, #tpu.memory_space<hbm>>
        %dma_start3A_458 = arith.constant 0 : i32
        %dma_start3A_459 = tpu.memref_slice %arg5[%add3A_455, %dma_start3A_458] : memref<262144x128xf32, #tpu.memory_space<hbm>> -> memref<128x128xf32, #tpu.memory_space<hbm>>
        tpu.enqueue_dma source(%arg15 : memref<128x128xf32, #tpu.memory_space<vmem>>) target(%dma_start3A_459 : memref<128x128xf32, #tpu.memory_space<hbm>>) target_semaphore(%arg17 : memref<!tpu.dma_semaphore, #tpu.memory_space<semaphore_mem>>)
        %add3A_460 = arith.constant 256 : i32
        %add3A_461 = arith.addi %add3A_447, %add3A_460 : i32
        %dma_start3A_462 = arith.constant 0 : i32
        %dma_start3A_463 = tpu.memref_slice %arg5[%add3A_461, %dma_start3A_462] : memref<262144x128xf32, #tpu.memory_space<hbm>> -> memref<128x128xf32, #tpu.memory_space<hbm>>
        %dma_start3A_464 = arith.constant 0 : i32
        %dma_start3A_465 = tpu.memref_slice %arg5[%add3A_461, %dma_start3A_464] : memref<262144x128xf32, #tpu.memory_space<hbm>> -> memref<128x128xf32, #tpu.memory_space<hbm>>
        tpu.enqueue_dma source(%arg15 : memref<128x128xf32, #tpu.memory_space<vmem>>) target(%dma_start3A_465 : memref<128x128xf32, #tpu.memory_space<hbm>>) target_semaphore(%arg17 : memref<!tpu.dma_semaphore, #tpu.memory_space<semaphore_mem>>)
        %add3A_466 = arith.constant 384 : i32
        %add3A_467 = arith.addi %add3A_447, %add3A_466 : i32
        %dma_start3A_468 = arith.constant 0 : i32
        %dma_start3A_469 = tpu.memref_slice %arg5[%add3A_467, %dma_start3A_468] : memref<262144x128xf32, #tpu.memory_space<hbm>> -> memref<128x128xf32, #tpu.memory_space<hbm>>
        %dma_start3A_470 = arith.constant 0 : i32
        %dma_start3A_471 = tpu.memref_slice %arg5[%add3A_467, %dma_start3A_470] : memref<262144x128xf32, #tpu.memory_space<hbm>> -> memref<128x128xf32, #tpu.memory_space<hbm>>
        tpu.enqueue_dma source(%arg15 : memref<128x128xf32, #tpu.memory_space<vmem>>) target(%dma_start3A_471 : memref<128x128xf32, #tpu.memory_space<hbm>>) target_semaphore(%arg17 : memref<!tpu.dma_semaphore, #tpu.memory_space<semaphore_mem>>)
      } else {
      }
      %barrier3A_273 = arith.constant 0 : index
      tpu.barrier barrier_id(%barrier3A_273)
      %mul3A_274 = arith.constant 2 : i32
      %mul3A_275 = arith.muli %mul3A_274, %scan3A_111 : i32
      %add3A_276 = arith.constant 1 : i32
      %add3A_277 = arith.addi %mul3A_275, %add3A_276 : i32
      %mul3A_278 = arith.constant 8192 : i32
      %mul3A_279 = arith.muli %add3A_277, %mul3A_278 : i32
      %add3A_280 = arith.addi %mul3A_2, %mul3A_279 : i32
      %sub3A_281 = arith.subi %add3A_280, %mul3A_2 : i32
      %while3A_282 = arith.constant 0 : i32
      %while3A_283 = arith.constant 0 : i32
      %while3A_284 = arith.subi %select_n3A, %while3A_282 : i32
      %while3A_285 = arith.addi %while3A_282, %while3A_284 : i32
      %while3A_286 = arith.constant 1 : i32
      %while3A_287 = arith.divsi %while3A_284, %while3A_286 : i32
      %while3A_288 = arith.muli %while3A_287, %while3A_286 : i32
      %while3A_289 = arith.addi %while3A_282, %while3A_288 : i32
      %while3A_290 = arith.constant 1 : i32
      %while3A_291 = scf.for %while3A_442 = %while3A_282 to %while3A_289 step %while3A_290 iter_args(%while3A_443 = %while3A_283) -> (i32)  : i32 {
        %mul3A_444 = arith.constant 16 : i32
        %mul3A_445 = arith.muli %while3A_442, %mul3A_444 : i32
        %get3A = arith.index_cast %mul3A_445 : i32 to index
        %get3A_446 = tpu.vector_load %arg8[%get3A] {strides = array<i32>} : memref<544xi32, #tpu.memory_space<vmem>>, vector<16xi32>,
        %sub3A_447 = vector.broadcast %sub3A_281 : i32 to vector<16xi32>
        %sub3A_448 = arith.subi %get3A_446, %sub3A_447 : vector<16xi32>
        %ge3A_449 = arith.constant 0 : i32
        %ge3A_450 = vector.broadcast %ge3A_449 : i32 to vector<16xi32>
        %ge3A_451 = arith.cmpi sge, %sub3A_448, %ge3A_450 : vector<16xi32>
        %lt3A_452 = arith.constant 8192 : i32
        %lt3A_453 = vector.broadcast %lt3A_452 : i32 to vector<16xi32>
        %lt3A_454 = arith.cmpi slt, %sub3A_448, %lt3A_453 : vector<16xi32>
        %and3A_455 = arith.andi %ge3A_451, %lt3A_454 : vector<16xi1>
        %convert_element_type3A_456 = arith.extui %and3A_455 : vector<16xi1> to vector<16xi32>
        %broadcast_in_dim3A_457 = arith.constant true
        %broadcast_in_dim3A_458 = vector.broadcast %broadcast_in_dim3A_457 : i1 to vector<16xi1>
        %masked_cumsum3A = tpu.scan <sum>, %convert_element_type3A_456 masked %broadcast_in_dim3A_458 : vector<16xi32>, vector<16xi1> -> vector<16xi32>
        %add3A_459 = vector.broadcast %while3A_443 : i32 to vector<16xi32>
        %add3A_460 = arith.addi %add3A_459, %masked_cumsum3A : vector<16xi32>
        %sub3A_461 = arith.constant 1 : i32
        %sub3A_462 = vector.broadcast %sub3A_461 : i32 to vector<16xi32>
        %sub3A_463 = arith.subi %add3A_460, %sub3A_462 : vector<16xi32>
        tpu.vector_store_idx %arg12[%sub3A_463], %sub3A_448 masked %and3A_455 : memref<544xi32, #tpu.memory_space<vmem>>[vector<16xi32>], vector<16xi32>, vector<16xi1>
        %mul3A_464 = arith.constant 16 : i32
        %mul3A_465 = arith.muli %while3A_442, %mul3A_464 : i32
        %get3A_466 = arith.index_cast %mul3A_465 : i32 to index
        %get3A_467 = tpu.vector_load %arg9[%get3A_466] {strides = array<i32>} : memref<544xi32, #tpu.memory_space<vmem>>, vector<16xi32>,
        tpu.vector_store_idx %arg13[%sub3A_463], %get3A_467 masked %and3A_455 : memref<544xi32, #tpu.memory_space<vmem>>[vector<16xi32>], vector<16xi32>, vector<16xi1>
        %slice3A = vector.extract_strided_slice %masked_cumsum3A {offsets = [15], sizes = [1], strides = [1]} : vector<16xi32> to vector<1xi32>
        %squeeze3A = vector.extract %slice3A[0] : i32 from vector<1xi32>
        %add3A_468 = arith.addi %while3A_443, %squeeze3A : i32
        scf.yield %add3A_468 : i32
      }
      %while3A_292 = arith.constant 1 : i32
      %while3A_293 = scf.for %while3A_442 = %while3A_289 to %while3A_285 step %while3A_292 iter_args(%while3A_443 = %while3A_291) -> (i32)  : i32 {
        %mul3A_444 = arith.constant 16 : i32
        %mul3A_445 = arith.muli %while3A_442, %mul3A_444 : i32
        %get3A = arith.index_cast %mul3A_445 : i32 to index
        %get3A_446 = tpu.vector_load %arg8[%get3A] {strides = array<i32>} : memref<544xi32, #tpu.memory_space<vmem>>, vector<16xi32>,
        %sub3A_447 = vector.broadcast %sub3A_281 : i32 to vector<16xi32>
        %sub3A_448 = arith.subi %get3A_446, %sub3A_447 : vector<16xi32>
        %ge3A_449 = arith.constant 0 : i32
        %ge3A_450 = vector.broadcast %ge3A_449 : i32 to vector<16xi32>
        %ge3A_451 = arith.cmpi sge, %sub3A_448, %ge3A_450 : vector<16xi32>
        %lt3A_452 = arith.constant 8192 : i32
        %lt3A_453 = vector.broadcast %lt3A_452 : i32 to vector<16xi32>
        %lt3A_454 = arith.cmpi slt, %sub3A_448, %lt3A_453 : vector<16xi32>
        %and3A_455 = arith.andi %ge3A_451, %lt3A_454 : vector<16xi1>
        %convert_element_type3A_456 = arith.extui %and3A_455 : vector<16xi1> to vector<16xi32>
        %broadcast_in_dim3A_457 = arith.constant true
        %broadcast_in_dim3A_458 = vector.broadcast %broadcast_in_dim3A_457 : i1 to vector<16xi1>
        %masked_cumsum3A = tpu.scan <sum>, %convert_element_type3A_456 masked %broadcast_in_dim3A_458 : vector<16xi32>, vector<16xi1> -> vector<16xi32>
        %add3A_459 = vector.broadcast %while3A_443 : i32 to vector<16xi32>
        %add3A_460 = arith.addi %add3A_459, %masked_cumsum3A : vector<16xi32>
        %sub3A_461 = arith.constant 1 : i32
        %sub3A_462 = vector.broadcast %sub3A_461 : i32 to vector<16xi32>
        %sub3A_463 = arith.subi %add3A_460, %sub3A_462 : vector<16xi32>
        tpu.vector_store_idx %arg12[%sub3A_463], %sub3A_448 masked %and3A_455 : memref<544xi32, #tpu.memory_space<vmem>>[vector<16xi32>], vector<16xi32>, vector<16xi1>
        %mul3A_464 = arith.constant 16 : i32
        %mul3A_465 = arith.muli %while3A_442, %mul3A_464 : i32
        %get3A_466 = arith.index_cast %mul3A_465 : i32 to index
        %get3A_467 = tpu.vector_load %arg9[%get3A_466] {strides = array<i32>} : memref<544xi32, #tpu.memory_space<vmem>>, vector<16xi32>,
        tpu.vector_store_idx %arg13[%sub3A_463], %get3A_467 masked %and3A_455 : memref<544xi32, #tpu.memory_space<vmem>>[vector<16xi32>], vector<16xi32>, vector<16xi1>
        %slice3A = vector.extract_strided_slice %masked_cumsum3A {offsets = [15], sizes = [1], strides = [1]} : vector<16xi32> to vector<1xi32>
        %squeeze3A = vector.extract %slice3A[0] : i32 from vector<1xi32>
        %add3A_468 = arith.addi %while3A_443, %squeeze3A : i32
        scf.yield %add3A_468 : i32
      }
      %broadcast_in_dim3A_294 = arith.constant 8192 : i32
      %broadcast_in_dim3A_295 = vector.broadcast %broadcast_in_dim3A_294 : i32 to vector<16xi32>
      %swap3A_296 = arith.index_cast %while3A_293 : i32 to index
      %swap3A_297 = tpu.vector_load %arg12[%swap3A_296] {strides = array<i32>} : memref<544xi32, #tpu.memory_space<vmem>>, vector<16xi32>,
      tpu.vector_store %arg12[%swap3A_296], %broadcast_in_dim3A_295 {strides = array<i32>} : memref<544xi32, #tpu.memory_space<vmem>>, vector<16xi32>,
      %broadcast_in_dim3A_298 = vector.broadcast %mul3A_0 : i32 to vector<16xi32>
      %swap3A_299 = arith.index_cast %while3A_293 : i32 to index
      %swap3A_300 = tpu.vector_load %arg13[%swap3A_299] {strides = array<i32>} : memref<544xi32, #tpu.memory_space<vmem>>, vector<16xi32>,
      tpu.vector_store %arg13[%swap3A_299], %broadcast_in_dim3A_298 {strides = array<i32>} : memref<544xi32, #tpu.memory_space<vmem>>, vector<16xi32>,
      %add3A_301 = arith.constant 16 : i32
      %add3A_302 = arith.addi %while3A_293, %add3A_301 : i32
      %sub3A_303 = arith.constant 1 : i32
      %sub3A_304 = arith.subi %add3A_302, %sub3A_303 : i32
      %jit3A_305 = arith.constant 16 : i32
      %div3A_306 = arith.divsi %sub3A_304, %jit3A_305 : i32
      %sign3A_307 = arith.constant 0 : i32
      %sign3A_308 = arith.cmpi sgt, %sub3A_304, %sign3A_307 : i32
      %sign3A_309 = arith.extui %sign3A_308 : i1 to i32
      %sign3A_310 = arith.constant 0 : i32
      %sign3A_311 = arith.cmpi slt, %sub3A_304, %sign3A_310 : i32
      %sign3A_312 = arith.extui %sign3A_311 : i1 to i32
      %sign3A_313 = arith.subi %sign3A_309, %sign3A_312 : i32
      %sign3A_314 = arith.constant 0 : i32
      %sign3A_315 = arith.cmpi sgt, %jit3A_305, %sign3A_314 : i32
      %sign3A_316 = arith.extui %sign3A_315 : i1 to i32
      %sign3A_317 = arith.constant 0 : i32
      %sign3A_318 = arith.cmpi slt, %jit3A_305, %sign3A_317 : i32
      %sign3A_319 = arith.extui %sign3A_318 : i1 to i32
      %sign3A_320 = arith.subi %sign3A_316, %sign3A_319 : i32
      %ne3A_321 = arith.cmpi ne, %sign3A_313, %sign3A_320 : i32
      %rem3A_322 = arith.remsi %sub3A_304, %jit3A_305 : i32
      %ne3A_323 = arith.constant 0 : i32
      %ne3A_324 = arith.cmpi ne, %rem3A_322, %ne3A_323 : i32
      %and3A_325 = arith.andi %ne3A_321, %ne3A_324 : i1
      %sub3A_326 = arith.constant 1 : i32
      %sub3A_327 = arith.subi %div3A_306, %sub3A_326 : i32
      %select_n3A_328 = arith.select %and3A_325, %sub3A_327, %div3A_306 : i32
      %min3A_329 = arith.constant 16 : i32
      %min3A_330 = arith.minsi %select_n3A_328, %min3A_329 : i32
      %while3A_331 = arith.constant 0 : i32
      %while3A_332 = arith.subi %min3A_330, %while3A_331 : i32
      %while3A_333 = arith.addi %while3A_331, %while3A_332 : i32
      %while3A_334 = arith.constant 1 : i32
      %while3A_335 = arith.divsi %while3A_332, %while3A_334 : i32
      %while3A_336 = arith.muli %while3A_335, %while3A_334 : i32
      %while3A_337 = arith.addi %while3A_331, %while3A_336 : i32
      %while3A_338 = arith.constant 1 : i32
      scf.for %while3A_442 = %while3A_331 to %while3A_337 step %while3A_338  : i32 {
        %add3A_443 = arith.constant 0 : i32
        %add3A_444 = arith.addi %add3A_443, %while3A_442 : i32
        %mul3A_445 = arith.constant 16 : i32
        %mul3A_446 = arith.muli %add3A_444, %mul3A_445 : i32
        %get3A = arith.index_cast %mul3A_446 : i32 to index
        %get3A_447 = tpu.vector_load %arg13[%get3A] {strides = array<i32>} : memref<544xi32, #tpu.memory_space<vmem>>, vector<16xi32>,
        %mul3A_448 = arith.constant 16 : i32
        %mul3A_449 = arith.muli %while3A_442, %mul3A_448 : i32
        %dma_start3A_450 = arith.constant 0 : i32
        %dma_start3A_451 = tpu.memref_slice %arg14[%mul3A_449, %dma_start3A_450] : memref<256x128xf32, #tpu.memory_space<vmem>> -> memref<16x128xf32, #tpu.memory_space<vmem>>
        %dma_start3A_452 = arith.constant 0 : i32
        %dma_start3A_453 = arith.constant 0 : i32
        %dma_start3A_454 = tpu.memref_slice %arg3[%dma_start3A_452, %dma_start3A_453] : memref<8192x128xf32, #tpu.memory_space<hbm>> -> memref<8192x128xf32, #tpu.memory_space<hbm>>
        tpu.enqueue_indirect_dma source(%dma_start3A_454 : memref<8192x128xf32, #tpu.memory_space<hbm>>) target(%dma_start3A_451 : memref<16x128xf32, #tpu.memory_space<vmem>>) offsets(%get3A_447 : vector<16xi32>) semaphore(%arg19 : memref<!tpu.dma_semaphore, #tpu.memory_space<semaphore_mem>>)
      }
      %while3A_339 = arith.constant 1 : i32
      scf.for %while3A_442 = %while3A_337 to %while3A_333 step %while3A_339  : i32 {
        %add3A_443 = arith.constant 0 : i32
        %add3A_444 = arith.addi %add3A_443, %while3A_442 : i32
        %mul3A_445 = arith.constant 16 : i32
        %mul3A_446 = arith.muli %add3A_444, %mul3A_445 : i32
        %get3A = arith.index_cast %mul3A_446 : i32 to index
        %get3A_447 = tpu.vector_load %arg13[%get3A] {strides = array<i32>} : memref<544xi32, #tpu.memory_space<vmem>>, vector<16xi32>,
        %mul3A_448 = arith.constant 16 : i32
        %mul3A_449 = arith.muli %while3A_442, %mul3A_448 : i32
        %dma_start3A_450 = arith.constant 0 : i32
        %dma_start3A_451 = tpu.memref_slice %arg14[%mul3A_449, %dma_start3A_450] : memref<256x128xf32, #tpu.memory_space<vmem>> -> memref<16x128xf32, #tpu.memory_space<vmem>>
        %dma_start3A_452 = arith.constant 0 : i32
        %dma_start3A_453 = arith.constant 0 : i32
        %dma_start3A_454 = tpu.memref_slice %arg3[%dma_start3A_452, %dma_start3A_453] : memref<8192x128xf32, #tpu.memory_space<hbm>> -> memref<8192x128xf32, #tpu.memory_space<hbm>>
        tpu.enqueue_indirect_dma source(%dma_start3A_454 : memref<8192x128xf32, #tpu.memory_space<hbm>>) target(%dma_start3A_451 : memref<16x128xf32, #tpu.memory_space<vmem>>) offsets(%get3A_447 : vector<16xi32>) semaphore(%arg19 : memref<!tpu.dma_semaphore, #tpu.memory_space<semaphore_mem>>)
      }
      %ge3A_340 = arith.constant 1 : i32
      %ge3A_341 = arith.cmpi sge, %add3A_277, %ge3A_340 : i32
      %convert_element_type3A_342 = arith.extui %ge3A_341 : i1 to i32
      %cond3A_343 = arith.constant 0 : i32
      %cond3A_344 = arith.cmpi ne, %convert_element_type3A_342, %cond3A_343 : i32
      scf.if %cond3A_344 {
        %add3A_442 = arith.constant 16 : i32
        %add3A_443 = arith.addi %while3A_130, %add3A_442 : i32
        %sub3A_444 = arith.constant 1 : i32
        %sub3A_445 = arith.subi %add3A_443, %sub3A_444 : i32
        %jit3A_446 = arith.constant 16 : i32
        %div3A_447 = arith.divsi %sub3A_445, %jit3A_446 : i32
        %sign3A_448 = arith.constant 0 : i32
        %sign3A_449 = arith.cmpi sgt, %sub3A_445, %sign3A_448 : i32
        %sign3A_450 = arith.extui %sign3A_449 : i1 to i32
        %sign3A_451 = arith.constant 0 : i32
        %sign3A_452 = arith.cmpi slt, %sub3A_445, %sign3A_451 : i32
        %sign3A_453 = arith.extui %sign3A_452 : i1 to i32
        %sign3A_454 = arith.subi %sign3A_450, %sign3A_453 : i32
        %sign3A_455 = arith.constant 0 : i32
        %sign3A_456 = arith.cmpi sgt, %jit3A_446, %sign3A_455 : i32
        %sign3A_457 = arith.extui %sign3A_456 : i1 to i32
        %sign3A_458 = arith.constant 0 : i32
        %sign3A_459 = arith.cmpi slt, %jit3A_446, %sign3A_458 : i32
        %sign3A_460 = arith.extui %sign3A_459 : i1 to i32
        %sign3A_461 = arith.subi %sign3A_457, %sign3A_460 : i32
        %ne3A_462 = arith.cmpi ne, %sign3A_454, %sign3A_461 : i32
        %rem3A_463 = arith.remsi %sub3A_445, %jit3A_446 : i32
        %ne3A_464 = arith.constant 0 : i32
        %ne3A_465 = arith.cmpi ne, %rem3A_463, %ne3A_464 : i32
        %and3A_466 = arith.andi %ne3A_462, %ne3A_465 : i1
        %sub3A_467 = arith.constant 1 : i32
        %sub3A_468 = arith.subi %div3A_447, %sub3A_467 : i32
        %select_n3A_469 = arith.select %and3A_466, %sub3A_468, %div3A_447 : i32
        %while3A_470 = arith.constant 0 : i32
        %while3A_471 = arith.subi %select_n3A_469, %while3A_470 : i32
        %while3A_472 = arith.addi %while3A_470, %while3A_471 : i32
        %while3A_473 = arith.constant 1 : i32
        %while3A_474 = arith.divsi %while3A_471, %while3A_473 : i32
        %while3A_475 = arith.muli %while3A_474, %while3A_473 : i32
        %while3A_476 = arith.addi %while3A_470, %while3A_475 : i32
        %while3A_477 = arith.constant 1 : i32
        scf.for %while3A_488 = %while3A_470 to %while3A_476 step %while3A_477  : i32 {
          %mul3A_489 = arith.constant 16 : i32
          %mul3A_490 = arith.muli %while3A_488, %mul3A_489 : i32
          %get3A = arith.index_cast %mul3A_490 : i32 to index
          %get3A_491 = tpu.vector_load %arg10[%get3A] {strides = array<i32>} : memref<544xi32, #tpu.memory_space<vmem>>, vector<16xi32>,
          %dma_start3A_492 = arith.constant 0 : i32
          %dma_start3A_493 = arith.constant 0 : i32
          %dma_start3A_494 = tpu.memref_slice %arg15[%dma_start3A_492, %dma_start3A_493] : memref<128x128xf32, #tpu.memory_space<vmem>> -> memref<16x128xf32, #tpu.memory_space<vmem>>
          %dma_start3A_495 = arith.constant 0 : i32
          %dma_start3A_496 = arith.constant 0 : i32
          %dma_start3A_497 = tpu.memref_slice %arg16[%dma_start3A_495, %dma_start3A_496] : memref<8208x128xf32, #tpu.memory_space<vmem_shared>> -> memref<8208x128xf32, #tpu.memory_space<vmem_shared>>
          tpu.enqueue_indirect_dma source(%dma_start3A_494 : memref<16x128xf32, #tpu.memory_space<vmem>>) target(%dma_start3A_497 : memref<8208x128xf32, #tpu.memory_space<vmem_shared>>) offsets(%get3A_491 : vector<16xi32>) semaphore(%arg20 : memref<!tpu.dma_semaphore, #tpu.memory_space<semaphore_mem>>)
        }
        %while3A_478 = arith.constant 1 : i32
        scf.for %while3A_488 = %while3A_476 to %while3A_472 step %while3A_478  : i32 {
          %mul3A_489 = arith.constant 16 : i32
          %mul3A_490 = arith.muli %while3A_488, %mul3A_489 : i32
          %get3A = arith.index_cast %mul3A_490 : i32 to index
          %get3A_491 = tpu.vector_load %arg10[%get3A] {strides = array<i32>} : memref<544xi32, #tpu.memory_space<vmem>>, vector<16xi32>,
          %dma_start3A_492 = arith.constant 0 : i32
          %dma_start3A_493 = arith.constant 0 : i32
          %dma_start3A_494 = tpu.memref_slice %arg15[%dma_start3A_492, %dma_start3A_493] : memref<128x128xf32, #tpu.memory_space<vmem>> -> memref<16x128xf32, #tpu.memory_space<vmem>>
          %dma_start3A_495 = arith.constant 0 : i32
          %dma_start3A_496 = arith.constant 0 : i32
          %dma_start3A_497 = tpu.memref_slice %arg16[%dma_start3A_495, %dma_start3A_496] : memref<8208x128xf32, #tpu.memory_space<vmem_shared>> -> memref<8208x128xf32, #tpu.memory_space<vmem_shared>>
          tpu.enqueue_indirect_dma source(%dma_start3A_494 : memref<16x128xf32, #tpu.memory_space<vmem>>) target(%dma_start3A_497 : memref<8208x128xf32, #tpu.memory_space<vmem_shared>>) offsets(%get3A_491 : vector<16xi32>) semaphore(%arg20 : memref<!tpu.dma_semaphore, #tpu.memory_space<semaphore_mem>>)
        }
        %while3A_479 = arith.constant 0 : i32
        %while3A_480 = arith.subi %select_n3A_469, %while3A_479 : i32
        %while3A_481 = arith.addi %while3A_479, %while3A_480 : i32
        %while3A_482 = arith.constant 1 : i32
        %while3A_483 = arith.divsi %while3A_480, %while3A_482 : i32
        %while3A_484 = arith.muli %while3A_483, %while3A_482 : i32
        %while3A_485 = arith.addi %while3A_479, %while3A_484 : i32
        %while3A_486 = arith.constant 1 : i32
        scf.for %while3A_488 = %while3A_479 to %while3A_485 step %while3A_486  : i32 {
          %get3A = arith.constant 0 : index
          %get3A_489 = tpu.vector_load %arg10[%get3A] {strides = array<i32>} : memref<544xi32, #tpu.memory_space<vmem>>, vector<16xi32>,
          %dma_wait3A_490 = arith.constant 0 : i32
          %dma_wait3A_491 = arith.constant 0 : i32
          %dma_wait3A_492 = tpu.memref_slice %arg15[%dma_wait3A_490, %dma_wait3A_491] : memref<128x128xf32, #tpu.memory_space<vmem>> -> memref<16x128xf32, #tpu.memory_space<vmem>>
          %dma_wait3A_493 = arith.constant 0 : i32
          %dma_wait3A_494 = arith.constant 0 : i32
          %dma_wait3A_495 = tpu.memref_slice %arg16[%dma_wait3A_493, %dma_wait3A_494] : memref<8208x128xf32, #tpu.memory_space<vmem_shared>> -> memref<8208x128xf32, #tpu.memory_space<vmem_shared>>
          tpu.wait_indirect_dma semaphore(%arg20 : memref<!tpu.dma_semaphore, #tpu.memory_space<semaphore_mem>>) src(%dma_wait3A_492 : memref<16x128xf32, #tpu.memory_space<vmem>>) dst(%dma_wait3A_495 : memref<8208x128xf32, #tpu.memory_space<vmem_shared>>)
        }
        %while3A_487 = arith.constant 1 : i32
        scf.for %while3A_488 = %while3A_485 to %while3A_481 step %while3A_487  : i32 {
          %get3A = arith.constant 0 : index
          %get3A_489 = tpu.vector_load %arg10[%get3A] {strides = array<i32>} : memref<544xi32, #tpu.memory_space<vmem>>, vector<16xi32>,
          %dma_wait3A_490 = arith.constant 0 : i32
          %dma_wait3A_491 = arith.constant 0 : i32
          %dma_wait3A_492 = tpu.memref_slice %arg15[%dma_wait3A_490, %dma_wait3A_491] : memref<128x128xf32, #tpu.memory_space<vmem>> -> memref<16x128xf32, #tpu.memory_space<vmem>>
          %dma_wait3A_493 = arith.constant 0 : i32
          %dma_wait3A_494 = arith.constant 0 : i32
          %dma_wait3A_495 = tpu.memref_slice %arg16[%dma_wait3A_493, %dma_wait3A_494] : memref<8208x128xf32, #tpu.memory_space<vmem_shared>> -> memref<8208x128xf32, #tpu.memory_space<vmem_shared>>
          tpu.wait_indirect_dma semaphore(%arg20 : memref<!tpu.dma_semaphore, #tpu.memory_space<semaphore_mem>>) src(%dma_wait3A_492 : memref<16x128xf32, #tpu.memory_space<vmem>>) dst(%dma_wait3A_495 : memref<8208x128xf32, #tpu.memory_space<vmem_shared>>)
        }
      } else {
      }
      %barrier3A_345 = arith.constant 0 : index
      tpu.barrier barrier_id(%barrier3A_345)
      %min3A_346 = arith.constant 16 : i32
      %min3A_347 = arith.minsi %select_n3A_328, %min3A_346 : i32
      %while3A_348 = arith.constant 0 : i32
      %while3A_349 = arith.subi %min3A_347, %while3A_348 : i32
      %while3A_350 = arith.addi %while3A_348, %while3A_349 : i32
      %while3A_351 = arith.constant 1 : i32
      %while3A_352 = arith.divsi %while3A_349, %while3A_351 : i32
      %while3A_353 = arith.muli %while3A_352, %while3A_351 : i32
      %while3A_354 = arith.addi %while3A_348, %while3A_353 : i32
      %while3A_355 = arith.constant 1 : i32
      scf.for %while3A_442 = %while3A_348 to %while3A_354 step %while3A_355  : i32 {
        %get3A = arith.constant 0 : index
        %get3A_443 = tpu.vector_load %arg11[%get3A] {strides = array<i32>} : memref<544xi32, #tpu.memory_space<vmem>>, vector<16xi32>,
        %dma_wait3A_444 = arith.constant 0 : i32
        %dma_wait3A_445 = arith.constant 0 : i32
        %dma_wait3A_446 = tpu.memref_slice %arg14[%dma_wait3A_444, %dma_wait3A_445] : memref<256x128xf32, #tpu.memory_space<vmem>> -> memref<16x128xf32, #tpu.memory_space<vmem>>
        %dma_wait3A_447 = arith.constant 0 : i32
        %dma_wait3A_448 = arith.constant 0 : i32
        %dma_wait3A_449 = tpu.memref_slice %arg3[%dma_wait3A_447, %dma_wait3A_448] : memref<8192x128xf32, #tpu.memory_space<hbm>> -> memref<8192x128xf32, #tpu.memory_space<hbm>>
        tpu.wait_indirect_dma semaphore(%arg19 : memref<!tpu.dma_semaphore, #tpu.memory_space<semaphore_mem>>) src(%dma_wait3A_449 : memref<8192x128xf32, #tpu.memory_space<hbm>>) dst(%dma_wait3A_446 : memref<16x128xf32, #tpu.memory_space<vmem>>)
      }
      %while3A_356 = arith.constant 1 : i32
      scf.for %while3A_442 = %while3A_354 to %while3A_350 step %while3A_356  : i32 {
        %get3A = arith.constant 0 : index
        %get3A_443 = tpu.vector_load %arg11[%get3A] {strides = array<i32>} : memref<544xi32, #tpu.memory_space<vmem>>, vector<16xi32>,
        %dma_wait3A_444 = arith.constant 0 : i32
        %dma_wait3A_445 = arith.constant 0 : i32
        %dma_wait3A_446 = tpu.memref_slice %arg14[%dma_wait3A_444, %dma_wait3A_445] : memref<256x128xf32, #tpu.memory_space<vmem>> -> memref<16x128xf32, #tpu.memory_space<vmem>>
        %dma_wait3A_447 = arith.constant 0 : i32
        %dma_wait3A_448 = arith.constant 0 : i32
        %dma_wait3A_449 = tpu.memref_slice %arg3[%dma_wait3A_447, %dma_wait3A_448] : memref<8192x128xf32, #tpu.memory_space<hbm>> -> memref<8192x128xf32, #tpu.memory_space<hbm>>
        tpu.wait_indirect_dma semaphore(%arg19 : memref<!tpu.dma_semaphore, #tpu.memory_space<semaphore_mem>>) src(%dma_wait3A_449 : memref<8192x128xf32, #tpu.memory_space<hbm>>) dst(%dma_wait3A_446 : memref<16x128xf32, #tpu.memory_space<vmem>>)
      }
      %while3A_357 = arith.constant 0 : i32
      %while3A_358 = arith.subi %min3A_347, %while3A_357 : i32
      %while3A_359 = arith.addi %while3A_357, %while3A_358 : i32
      %while3A_360 = arith.constant 1 : i32
      %while3A_361 = arith.divsi %while3A_358, %while3A_360 : i32
      %while3A_362 = arith.muli %while3A_361, %while3A_360 : i32
      %while3A_363 = arith.addi %while3A_357, %while3A_362 : i32
      %while3A_364 = arith.constant 1 : i32
      scf.for %while3A_442 = %while3A_357 to %while3A_363 step %while3A_364  : i32 {
        %add3A_443 = arith.constant 0 : i32
        %add3A_444 = arith.addi %add3A_443, %while3A_442 : i32
        %mul3A_445 = arith.constant 16 : i32
        %mul3A_446 = arith.muli %add3A_444, %mul3A_445 : i32
        %get3A = arith.index_cast %mul3A_446 : i32 to index
        %get3A_447 = tpu.vector_load %arg12[%get3A] {strides = array<i32>} : memref<544xi32, #tpu.memory_space<vmem>>, vector<16xi32>,
        %mul3A_448 = arith.constant 16 : i32
        %mul3A_449 = arith.muli %while3A_442, %mul3A_448 : i32
        %dma_start3A_450 = arith.constant 0 : i32
        %dma_start3A_451 = tpu.memref_slice %arg14[%mul3A_449, %dma_start3A_450] : memref<256x128xf32, #tpu.memory_space<vmem>> -> memref<16x128xf32, #tpu.memory_space<vmem>>
        %dma_start3A_452 = arith.constant 0 : i32
        %dma_start3A_453 = arith.constant 0 : i32
        %dma_start3A_454 = tpu.memref_slice %arg16[%dma_start3A_452, %dma_start3A_453] : memref<8208x128xf32, #tpu.memory_space<vmem_shared>> -> memref<8208x128xf32, #tpu.memory_space<vmem_shared>>
        tpu.enqueue_indirect_dma source(%dma_start3A_451 : memref<16x128xf32, #tpu.memory_space<vmem>>) target(%dma_start3A_454 : memref<8208x128xf32, #tpu.memory_space<vmem_shared>>) offsets(%get3A_447 : vector<16xi32>) semaphore(%arg19 : memref<!tpu.dma_semaphore, #tpu.memory_space<semaphore_mem>>) {add = true}
      }
      %while3A_365 = arith.constant 1 : i32
      scf.for %while3A_442 = %while3A_363 to %while3A_359 step %while3A_365  : i32 {
        %add3A_443 = arith.constant 0 : i32
        %add3A_444 = arith.addi %add3A_443, %while3A_442 : i32
        %mul3A_445 = arith.constant 16 : i32
        %mul3A_446 = arith.muli %add3A_444, %mul3A_445 : i32
        %get3A = arith.index_cast %mul3A_446 : i32 to index
        %get3A_447 = tpu.vector_load %arg12[%get3A] {strides = array<i32>} : memref<544xi32, #tpu.memory_space<vmem>>, vector<16xi32>,
        %mul3A_448 = arith.constant 16 : i32
        %mul3A_449 = arith.muli %while3A_442, %mul3A_448 : i32
        %dma_start3A_450 = arith.constant 0 : i32
        %dma_start3A_451 = tpu.memref_slice %arg14[%mul3A_449, %dma_start3A_450] : memref<256x128xf32, #tpu.memory_space<vmem>> -> memref<16x128xf32, #tpu.memory_space<vmem>>
        %dma_start3A_452 = arith.constant 0 : i32
        %dma_start3A_453 = arith.constant 0 : i32
        %dma_start3A_454 = tpu.memref_slice %arg16[%dma_start3A_452, %dma_start3A_453] : memref<8208x128xf32, #tpu.memory_space<vmem_shared>> -> memref<8208x128xf32, #tpu.memory_space<vmem_shared>>
        tpu.enqueue_indirect_dma source(%dma_start3A_451 : memref<16x128xf32, #tpu.memory_space<vmem>>) target(%dma_start3A_454 : memref<8208x128xf32, #tpu.memory_space<vmem_shared>>) offsets(%get3A_447 : vector<16xi32>) semaphore(%arg19 : memref<!tpu.dma_semaphore, #tpu.memory_space<semaphore_mem>>) {add = true}
      }
      %while3A_366 = arith.constant 0 : i32
      %while3A_367 = arith.subi %min3A_347, %while3A_366 : i32
      %while3A_368 = arith.addi %while3A_366, %while3A_367 : i32
      %while3A_369 = arith.constant 1 : i32
      %while3A_370 = arith.divsi %while3A_367, %while3A_369 : i32
      %while3A_371 = arith.muli %while3A_370, %while3A_369 : i32
      %while3A_372 = arith.addi %while3A_366, %while3A_371 : i32
      %while3A_373 = arith.constant 1 : i32
      scf.for %while3A_442 = %while3A_366 to %while3A_372 step %while3A_373  : i32 {
        %get3A = arith.constant 0 : index
        %get3A_443 = tpu.vector_load %arg10[%get3A] {strides = array<i32>} : memref<544xi32, #tpu.memory_space<vmem>>, vector<16xi32>,
        %dma_wait3A_444 = arith.constant 0 : i32
        %dma_wait3A_445 = arith.constant 0 : i32
        %dma_wait3A_446 = tpu.memref_slice %arg14[%dma_wait3A_444, %dma_wait3A_445] : memref<256x128xf32, #tpu.memory_space<vmem>> -> memref<16x128xf32, #tpu.memory_space<vmem>>
        %dma_wait3A_447 = arith.constant 0 : i32
        %dma_wait3A_448 = arith.constant 0 : i32
        %dma_wait3A_449 = tpu.memref_slice %arg16[%dma_wait3A_447, %dma_wait3A_448] : memref<8208x128xf32, #tpu.memory_space<vmem_shared>> -> memref<8208x128xf32, #tpu.memory_space<vmem_shared>>
        tpu.wait_indirect_dma semaphore(%arg19 : memref<!tpu.dma_semaphore, #tpu.memory_space<semaphore_mem>>) src(%dma_wait3A_446 : memref<16x128xf32, #tpu.memory_space<vmem>>) dst(%dma_wait3A_449 : memref<8208x128xf32, #tpu.memory_space<vmem_shared>>)
      }
      %while3A_374 = arith.constant 1 : i32
      scf.for %while3A_442 = %while3A_372 to %while3A_368 step %while3A_374  : i32 {
        %get3A = arith.constant 0 : index
        %get3A_443 = tpu.vector_load %arg10[%get3A] {strides = array<i32>} : memref<544xi32, #tpu.memory_space<vmem>>, vector<16xi32>,
        %dma_wait3A_444 = arith.constant 0 : i32
        %dma_wait3A_445 = arith.constant 0 : i32
        %dma_wait3A_446 = tpu.memref_slice %arg14[%dma_wait3A_444, %dma_wait3A_445] : memref<256x128xf32, #tpu.memory_space<vmem>> -> memref<16x128xf32, #tpu.memory_space<vmem>>
        %dma_wait3A_447 = arith.constant 0 : i32
        %dma_wait3A_448 = arith.constant 0 : i32
        %dma_wait3A_449 = tpu.memref_slice %arg16[%dma_wait3A_447, %dma_wait3A_448] : memref<8208x128xf32, #tpu.memory_space<vmem_shared>> -> memref<8208x128xf32, #tpu.memory_space<vmem_shared>>
        tpu.wait_indirect_dma semaphore(%arg19 : memref<!tpu.dma_semaphore, #tpu.memory_space<semaphore_mem>>) src(%dma_wait3A_446 : memref<16x128xf32, #tpu.memory_space<vmem>>) dst(%dma_wait3A_449 : memref<8208x128xf32, #tpu.memory_space<vmem_shared>>)
      }
      %gt3A_375 = arith.constant 16 : i32
      %gt3A_376 = arith.cmpi sgt, %select_n3A_328, %gt3A_375 : i32
      %convert_element_type3A_377 = arith.extui %gt3A_376 : i1 to i32
      %cond3A_378 = arith.constant 0 : i32
      %cond3A_379 = arith.cmpi ne, %convert_element_type3A_377, %cond3A_378 : i32
      scf.if %cond3A_379 {
        %add3A_442 = arith.constant 16 : i32
        %add3A_443 = arith.addi %select_n3A_328, %add3A_442 : i32
        %sub3A_444 = arith.constant 1 : i32
        %sub3A_445 = arith.subi %add3A_443, %sub3A_444 : i32
        %jit3A_446 = arith.constant 16 : i32
        %div3A_447 = arith.divsi %sub3A_445, %jit3A_446 : i32
        %sign3A_448 = arith.constant 0 : i32
        %sign3A_449 = arith.cmpi sgt, %sub3A_445, %sign3A_448 : i32
        %sign3A_450 = arith.extui %sign3A_449 : i1 to i32
        %sign3A_451 = arith.constant 0 : i32
        %sign3A_452 = arith.cmpi slt, %sub3A_445, %sign3A_451 : i32
        %sign3A_453 = arith.extui %sign3A_452 : i1 to i32
        %sign3A_454 = arith.subi %sign3A_450, %sign3A_453 : i32
        %sign3A_455 = arith.constant 0 : i32
        %sign3A_456 = arith.cmpi sgt, %jit3A_446, %sign3A_455 : i32
        %sign3A_457 = arith.extui %sign3A_456 : i1 to i32
        %sign3A_458 = arith.constant 0 : i32
        %sign3A_459 = arith.cmpi slt, %jit3A_446, %sign3A_458 : i32
        %sign3A_460 = arith.extui %sign3A_459 : i1 to i32
        %sign3A_461 = arith.subi %sign3A_457, %sign3A_460 : i32
        %ne3A_462 = arith.cmpi ne, %sign3A_454, %sign3A_461 : i32
        %rem3A_463 = arith.remsi %sub3A_445, %jit3A_446 : i32
        %ne3A_464 = arith.constant 0 : i32
        %ne3A_465 = arith.cmpi ne, %rem3A_463, %ne3A_464 : i32
        %and3A_466 = arith.andi %ne3A_462, %ne3A_465 : i1
        %sub3A_467 = arith.constant 1 : i32
        %sub3A_468 = arith.subi %div3A_447, %sub3A_467 : i32
        %select_n3A_469 = arith.select %and3A_466, %sub3A_468, %div3A_447 : i32
        %while3A_470 = arith.constant 1 : i32
        %while3A_471 = arith.subi %select_n3A_469, %while3A_470 : i32
        %while3A_472 = arith.addi %while3A_470, %while3A_471 : i32
        %while3A_473 = arith.constant 1 : i32
        %while3A_474 = arith.divsi %while3A_471, %while3A_473 : i32
        %while3A_475 = arith.muli %while3A_474, %while3A_473 : i32
        %while3A_476 = arith.addi %while3A_470, %while3A_475 : i32
        %while3A_477 = arith.constant 1 : i32
        scf.for %while3A_479 = %while3A_470 to %while3A_476 step %while3A_477  : i32 {
          %mul3A_480 = arith.constant 16 : i32
          %mul3A_481 = arith.muli %while3A_479, %mul3A_480 : i32
          %sub3A_482 = arith.subi %select_n3A_328, %mul3A_481 : i32
          %min3A_483 = arith.constant 16 : i32
          %min3A_484 = arith.minsi %sub3A_482, %min3A_483 : i32
          %while3A_485 = arith.constant 0 : i32
          %while3A_486 = arith.subi %min3A_484, %while3A_485 : i32
          %while3A_487 = arith.addi %while3A_485, %while3A_486 : i32
          %while3A_488 = arith.constant 1 : i32
          %while3A_489 = arith.divsi %while3A_486, %while3A_488 : i32
          %while3A_490 = arith.muli %while3A_489, %while3A_488 : i32
          %while3A_491 = arith.addi %while3A_485, %while3A_490 : i32
          %while3A_492 = arith.constant 1 : i32
          scf.for %while3A_521 = %while3A_485 to %while3A_491 step %while3A_492  : i32 {
            %add3A_522 = arith.addi %mul3A_481, %while3A_521 : i32
            %mul3A_523 = arith.constant 16 : i32
            %mul3A_524 = arith.muli %add3A_522, %mul3A_523 : i32
            %get3A = arith.index_cast %mul3A_524 : i32 to index
            %get3A_525 = tpu.vector_load %arg13[%get3A] {strides = array<i32>} : memref<544xi32, #tpu.memory_space<vmem>>, vector<16xi32>,
            %mul3A_526 = arith.constant 16 : i32
            %mul3A_527 = arith.muli %while3A_521, %mul3A_526 : i32
            %dma_start3A_528 = arith.constant 0 : i32
            %dma_start3A_529 = tpu.memref_slice %arg14[%mul3A_527, %dma_start3A_528] : memref<256x128xf32, #tpu.memory_space<vmem>> -> memref<16x128xf32, #tpu.memory_space<vmem>>
            %dma_start3A_530 = arith.constant 0 : i32
            %dma_start3A_531 = arith.constant 0 : i32
            %dma_start3A_532 = tpu.memref_slice %arg3[%dma_start3A_530, %dma_start3A_531] : memref<8192x128xf32, #tpu.memory_space<hbm>> -> memref<8192x128xf32, #tpu.memory_space<hbm>>
            tpu.enqueue_indirect_dma source(%dma_start3A_532 : memref<8192x128xf32, #tpu.memory_space<hbm>>) target(%dma_start3A_529 : memref<16x128xf32, #tpu.memory_space<vmem>>) offsets(%get3A_525 : vector<16xi32>) semaphore(%arg19 : memref<!tpu.dma_semaphore, #tpu.memory_space<semaphore_mem>>)
          }
          %while3A_493 = arith.constant 1 : i32
          scf.for %while3A_521 = %while3A_491 to %while3A_487 step %while3A_493  : i32 {
            %add3A_522 = arith.addi %mul3A_481, %while3A_521 : i32
            %mul3A_523 = arith.constant 16 : i32
            %mul3A_524 = arith.muli %add3A_522, %mul3A_523 : i32
            %get3A = arith.index_cast %mul3A_524 : i32 to index
            %get3A_525 = tpu.vector_load %arg13[%get3A] {strides = array<i32>} : memref<544xi32, #tpu.memory_space<vmem>>, vector<16xi32>,
            %mul3A_526 = arith.constant 16 : i32
            %mul3A_527 = arith.muli %while3A_521, %mul3A_526 : i32
            %dma_start3A_528 = arith.constant 0 : i32
            %dma_start3A_529 = tpu.memref_slice %arg14[%mul3A_527, %dma_start3A_528] : memref<256x128xf32, #tpu.memory_space<vmem>> -> memref<16x128xf32, #tpu.memory_space<vmem>>
            %dma_start3A_530 = arith.constant 0 : i32
            %dma_start3A_531 = arith.constant 0 : i32
            %dma_start3A_532 = tpu.memref_slice %arg3[%dma_start3A_530, %dma_start3A_531] : memref<8192x128xf32, #tpu.memory_space<hbm>> -> memref<8192x128xf32, #tpu.memory_space<hbm>>
            tpu.enqueue_indirect_dma source(%dma_start3A_532 : memref<8192x128xf32, #tpu.memory_space<hbm>>) target(%dma_start3A_529 : memref<16x128xf32, #tpu.memory_space<vmem>>) offsets(%get3A_525 : vector<16xi32>) semaphore(%arg19 : memref<!tpu.dma_semaphore, #tpu.memory_space<semaphore_mem>>)
          }
          %while3A_494 = arith.constant 0 : i32
          %while3A_495 = arith.subi %min3A_484, %while3A_494 : i32
          %while3A_496 = arith.addi %while3A_494, %while3A_495 : i32
          %while3A_497 = arith.constant 1 : i32
          %while3A_498 = arith.divsi %while3A_495, %while3A_497 : i32
          %while3A_499 = arith.muli %while3A_498, %while3A_497 : i32
          %while3A_500 = arith.addi %while3A_494, %while3A_499 : i32
          %while3A_501 = arith.constant 1 : i32
          scf.for %while3A_521 = %while3A_494 to %while3A_500 step %while3A_501  : i32 {
            %get3A = arith.constant 0 : index
            %get3A_522 = tpu.vector_load %arg11[%get3A] {strides = array<i32>} : memref<544xi32, #tpu.memory_space<vmem>>, vector<16xi32>,
            %dma_wait3A_523 = arith.constant 0 : i32
            %dma_wait3A_524 = arith.constant 0 : i32
            %dma_wait3A_525 = tpu.memref_slice %arg14[%dma_wait3A_523, %dma_wait3A_524] : memref<256x128xf32, #tpu.memory_space<vmem>> -> memref<16x128xf32, #tpu.memory_space<vmem>>
            %dma_wait3A_526 = arith.constant 0 : i32
            %dma_wait3A_527 = arith.constant 0 : i32
            %dma_wait3A_528 = tpu.memref_slice %arg3[%dma_wait3A_526, %dma_wait3A_527] : memref<8192x128xf32, #tpu.memory_space<hbm>> -> memref<8192x128xf32, #tpu.memory_space<hbm>>
            tpu.wait_indirect_dma semaphore(%arg19 : memref<!tpu.dma_semaphore, #tpu.memory_space<semaphore_mem>>) src(%dma_wait3A_528 : memref<8192x128xf32, #tpu.memory_space<hbm>>) dst(%dma_wait3A_525 : memref<16x128xf32, #tpu.memory_space<vmem>>)
          }
          %while3A_502 = arith.constant 1 : i32
          scf.for %while3A_521 = %while3A_500 to %while3A_496 step %while3A_502  : i32 {
            %get3A = arith.constant 0 : index
            %get3A_522 = tpu.vector_load %arg11[%get3A] {strides = array<i32>} : memref<544xi32, #tpu.memory_space<vmem>>, vector<16xi32>,
            %dma_wait3A_523 = arith.constant 0 : i32
            %dma_wait3A_524 = arith.constant 0 : i32
            %dma_wait3A_525 = tpu.memref_slice %arg14[%dma_wait3A_523, %dma_wait3A_524] : memref<256x128xf32, #tpu.memory_space<vmem>> -> memref<16x128xf32, #tpu.memory_space<vmem>>
            %dma_wait3A_526 = arith.constant 0 : i32
            %dma_wait3A_527 = arith.constant 0 : i32
            %dma_wait3A_528 = tpu.memref_slice %arg3[%dma_wait3A_526, %dma_wait3A_527] : memref<8192x128xf32, #tpu.memory_space<hbm>> -> memref<8192x128xf32, #tpu.memory_space<hbm>>
            tpu.wait_indirect_dma semaphore(%arg19 : memref<!tpu.dma_semaphore, #tpu.memory_space<semaphore_mem>>) src(%dma_wait3A_528 : memref<8192x128xf32, #tpu.memory_space<hbm>>) dst(%dma_wait3A_525 : memref<16x128xf32, #tpu.memory_space<vmem>>)
          }
          %while3A_503 = arith.constant 0 : i32
          %while3A_504 = arith.subi %min3A_484, %while3A_503 : i32
          %while3A_505 = arith.addi %while3A_503, %while3A_504 : i32
          %while3A_506 = arith.constant 1 : i32
          %while3A_507 = arith.divsi %while3A_504, %while3A_506 : i32
          %while3A_508 = arith.muli %while3A_507, %while3A_506 : i32
          %while3A_509 = arith.addi %while3A_503, %while3A_508 : i32
          %while3A_510 = arith.constant 1 : i32
          scf.for %while3A_521 = %while3A_503 to %while3A_509 step %while3A_510  : i32 {
            %add3A_522 = arith.addi %mul3A_481, %while3A_521 : i32
            %mul3A_523 = arith.constant 16 : i32
            %mul3A_524 = arith.muli %add3A_522, %mul3A_523 : i32
            %get3A = arith.index_cast %mul3A_524 : i32 to index
            %get3A_525 = tpu.vector_load %arg12[%get3A] {strides = array<i32>} : memref<544xi32, #tpu.memory_space<vmem>>, vector<16xi32>,
            %mul3A_526 = arith.constant 16 : i32
            %mul3A_527 = arith.muli %while3A_521, %mul3A_526 : i32
            %dma_start3A_528 = arith.constant 0 : i32
            %dma_start3A_529 = tpu.memref_slice %arg14[%mul3A_527, %dma_start3A_528] : memref<256x128xf32, #tpu.memory_space<vmem>> -> memref<16x128xf32, #tpu.memory_space<vmem>>
            %dma_start3A_530 = arith.constant 0 : i32
            %dma_start3A_531 = arith.constant 0 : i32
            %dma_start3A_532 = tpu.memref_slice %arg16[%dma_start3A_530, %dma_start3A_531] : memref<8208x128xf32, #tpu.memory_space<vmem_shared>> -> memref<8208x128xf32, #tpu.memory_space<vmem_shared>>
            tpu.enqueue_indirect_dma source(%dma_start3A_529 : memref<16x128xf32, #tpu.memory_space<vmem>>) target(%dma_start3A_532 : memref<8208x128xf32, #tpu.memory_space<vmem_shared>>) offsets(%get3A_525 : vector<16xi32>) semaphore(%arg19 : memref<!tpu.dma_semaphore, #tpu.memory_space<semaphore_mem>>) {add = true}
          }
          %while3A_511 = arith.constant 1 : i32
          scf.for %while3A_521 = %while3A_509 to %while3A_505 step %while3A_511  : i32 {
            %add3A_522 = arith.addi %mul3A_481, %while3A_521 : i32
            %mul3A_523 = arith.constant 16 : i32
            %mul3A_524 = arith.muli %add3A_522, %mul3A_523 : i32
            %get3A = arith.index_cast %mul3A_524 : i32 to index
            %get3A_525 = tpu.vector_load %arg12[%get3A] {strides = array<i32>} : memref<544xi32, #tpu.memory_space<vmem>>, vector<16xi32>,
            %mul3A_526 = arith.constant 16 : i32
            %mul3A_527 = arith.muli %while3A_521, %mul3A_526 : i32
            %dma_start3A_528 = arith.constant 0 : i32
            %dma_start3A_529 = tpu.memref_slice %arg14[%mul3A_527, %dma_start3A_528] : memref<256x128xf32, #tpu.memory_space<vmem>> -> memref<16x128xf32, #tpu.memory_space<vmem>>
            %dma_start3A_530 = arith.constant 0 : i32
            %dma_start3A_531 = arith.constant 0 : i32
            %dma_start3A_532 = tpu.memref_slice %arg16[%dma_start3A_530, %dma_start3A_531] : memref<8208x128xf32, #tpu.memory_space<vmem_shared>> -> memref<8208x128xf32, #tpu.memory_space<vmem_shared>>
            tpu.enqueue_indirect_dma source(%dma_start3A_529 : memref<16x128xf32, #tpu.memory_space<vmem>>) target(%dma_start3A_532 : memref<8208x128xf32, #tpu.memory_space<vmem_shared>>) offsets(%get3A_525 : vector<16xi32>) semaphore(%arg19 : memref<!tpu.dma_semaphore, #tpu.memory_space<semaphore_mem>>) {add = true}
          }
          %while3A_512 = arith.constant 0 : i32
          %while3A_513 = arith.subi %min3A_484, %while3A_512 : i32
          %while3A_514 = arith.addi %while3A_512, %while3A_513 : i32
          %while3A_515 = arith.constant 1 : i32
          %while3A_516 = arith.divsi %while3A_513, %while3A_515 : i32
          %while3A_517 = arith.muli %while3A_516, %while3A_515 : i32
          %while3A_518 = arith.addi %while3A_512, %while3A_517 : i32
          %while3A_519 = arith.constant 1 : i32
          scf.for %while3A_521 = %while3A_512 to %while3A_518 step %while3A_519  : i32 {
            %get3A = arith.constant 0 : index
            %get3A_522 = tpu.vector_load %arg10[%get3A] {strides = array<i32>} : memref<544xi32, #tpu.memory_space<vmem>>, vector<16xi32>,
            %dma_wait3A_523 = arith.constant 0 : i32
            %dma_wait3A_524 = arith.constant 0 : i32
            %dma_wait3A_525 = tpu.memref_slice %arg14[%dma_wait3A_523, %dma_wait3A_524] : memref<256x128xf32, #tpu.memory_space<vmem>> -> memref<16x128xf32, #tpu.memory_space<vmem>>
            %dma_wait3A_526 = arith.constant 0 : i32
            %dma_wait3A_527 = arith.constant 0 : i32
            %dma_wait3A_528 = tpu.memref_slice %arg16[%dma_wait3A_526, %dma_wait3A_527] : memref<8208x128xf32, #tpu.memory_space<vmem_shared>> -> memref<8208x128xf32, #tpu.memory_space<vmem_shared>>
            tpu.wait_indirect_dma semaphore(%arg19 : memref<!tpu.dma_semaphore, #tpu.memory_space<semaphore_mem>>) src(%dma_wait3A_525 : memref<16x128xf32, #tpu.memory_space<vmem>>) dst(%dma_wait3A_528 : memref<8208x128xf32, #tpu.memory_space<vmem_shared>>)
          }
          %while3A_520 = arith.constant 1 : i32
          scf.for %while3A_521 = %while3A_518 to %while3A_514 step %while3A_520  : i32 {
            %get3A = arith.constant 0 : index
            %get3A_522 = tpu.vector_load %arg10[%get3A] {strides = array<i32>} : memref<544xi32, #tpu.memory_space<vmem>>, vector<16xi32>,
            %dma_wait3A_523 = arith.constant 0 : i32
            %dma_wait3A_524 = arith.constant 0 : i32
            %dma_wait3A_525 = tpu.memref_slice %arg14[%dma_wait3A_523, %dma_wait3A_524] : memref<256x128xf32, #tpu.memory_space<vmem>> -> memref<16x128xf32, #tpu.memory_space<vmem>>
            %dma_wait3A_526 = arith.constant 0 : i32
            %dma_wait3A_527 = arith.constant 0 : i32
            %dma_wait3A_528 = tpu.memref_slice %arg16[%dma_wait3A_526, %dma_wait3A_527] : memref<8208x128xf32, #tpu.memory_space<vmem_shared>> -> memref<8208x128xf32, #tpu.memory_space<vmem_shared>>
            tpu.wait_indirect_dma semaphore(%arg19 : memref<!tpu.dma_semaphore, #tpu.memory_space<semaphore_mem>>) src(%dma_wait3A_525 : memref<16x128xf32, #tpu.memory_space<vmem>>) dst(%dma_wait3A_528 : memref<8208x128xf32, #tpu.memory_space<vmem_shared>>)
          }
        }
        %while3A_478 = arith.constant 1 : i32
        scf.for %while3A_479 = %while3A_476 to %while3A_472 step %while3A_478  : i32 {
          %mul3A_480 = arith.constant 16 : i32
          %mul3A_481 = arith.muli %while3A_479, %mul3A_480 : i32
          %sub3A_482 = arith.subi %select_n3A_328, %mul3A_481 : i32
          %min3A_483 = arith.constant 16 : i32
          %min3A_484 = arith.minsi %sub3A_482, %min3A_483 : i32
          %while3A_485 = arith.constant 0 : i32
          %while3A_486 = arith.subi %min3A_484, %while3A_485 : i32
          %while3A_487 = arith.addi %while3A_485, %while3A_486 : i32
          %while3A_488 = arith.constant 1 : i32
          %while3A_489 = arith.divsi %while3A_486, %while3A_488 : i32
          %while3A_490 = arith.muli %while3A_489, %while3A_488 : i32
          %while3A_491 = arith.addi %while3A_485, %while3A_490 : i32
          %while3A_492 = arith.constant 1 : i32
          scf.for %while3A_521 = %while3A_485 to %while3A_491 step %while3A_492  : i32 {
            %add3A_522 = arith.addi %mul3A_481, %while3A_521 : i32
            %mul3A_523 = arith.constant 16 : i32
            %mul3A_524 = arith.muli %add3A_522, %mul3A_523 : i32
            %get3A = arith.index_cast %mul3A_524 : i32 to index
            %get3A_525 = tpu.vector_load %arg13[%get3A] {strides = array<i32>} : memref<544xi32, #tpu.memory_space<vmem>>, vector<16xi32>,
            %mul3A_526 = arith.constant 16 : i32
            %mul3A_527 = arith.muli %while3A_521, %mul3A_526 : i32
            %dma_start3A_528 = arith.constant 0 : i32
            %dma_start3A_529 = tpu.memref_slice %arg14[%mul3A_527, %dma_start3A_528] : memref<256x128xf32, #tpu.memory_space<vmem>> -> memref<16x128xf32, #tpu.memory_space<vmem>>
            %dma_start3A_530 = arith.constant 0 : i32
            %dma_start3A_531 = arith.constant 0 : i32
            %dma_start3A_532 = tpu.memref_slice %arg3[%dma_start3A_530, %dma_start3A_531] : memref<8192x128xf32, #tpu.memory_space<hbm>> -> memref<8192x128xf32, #tpu.memory_space<hbm>>
            tpu.enqueue_indirect_dma source(%dma_start3A_532 : memref<8192x128xf32, #tpu.memory_space<hbm>>) target(%dma_start3A_529 : memref<16x128xf32, #tpu.memory_space<vmem>>) offsets(%get3A_525 : vector<16xi32>) semaphore(%arg19 : memref<!tpu.dma_semaphore, #tpu.memory_space<semaphore_mem>>)
          }
          %while3A_493 = arith.constant 1 : i32
          scf.for %while3A_521 = %while3A_491 to %while3A_487 step %while3A_493  : i32 {
            %add3A_522 = arith.addi %mul3A_481, %while3A_521 : i32
            %mul3A_523 = arith.constant 16 : i32
            %mul3A_524 = arith.muli %add3A_522, %mul3A_523 : i32
            %get3A = arith.index_cast %mul3A_524 : i32 to index
            %get3A_525 = tpu.vector_load %arg13[%get3A] {strides = array<i32>} : memref<544xi32, #tpu.memory_space<vmem>>, vector<16xi32>,
            %mul3A_526 = arith.constant 16 : i32
            %mul3A_527 = arith.muli %while3A_521, %mul3A_526 : i32
            %dma_start3A_528 = arith.constant 0 : i32
            %dma_start3A_529 = tpu.memref_slice %arg14[%mul3A_527, %dma_start3A_528] : memref<256x128xf32, #tpu.memory_space<vmem>> -> memref<16x128xf32, #tpu.memory_space<vmem>>
            %dma_start3A_530 = arith.constant 0 : i32
            %dma_start3A_531 = arith.constant 0 : i32
            %dma_start3A_532 = tpu.memref_slice %arg3[%dma_start3A_530, %dma_start3A_531] : memref<8192x128xf32, #tpu.memory_space<hbm>> -> memref<8192x128xf32, #tpu.memory_space<hbm>>
            tpu.enqueue_indirect_dma source(%dma_start3A_532 : memref<8192x128xf32, #tpu.memory_space<hbm>>) target(%dma_start3A_529 : memref<16x128xf32, #tpu.memory_space<vmem>>) offsets(%get3A_525 : vector<16xi32>) semaphore(%arg19 : memref<!tpu.dma_semaphore, #tpu.memory_space<semaphore_mem>>)
          }
          %while3A_494 = arith.constant 0 : i32
          %while3A_495 = arith.subi %min3A_484, %while3A_494 : i32
          %while3A_496 = arith.addi %while3A_494, %while3A_495 : i32
          %while3A_497 = arith.constant 1 : i32
          %while3A_498 = arith.divsi %while3A_495, %while3A_497 : i32
          %while3A_499 = arith.muli %while3A_498, %while3A_497 : i32
          %while3A_500 = arith.addi %while3A_494, %while3A_499 : i32
          %while3A_501 = arith.constant 1 : i32
          scf.for %while3A_521 = %while3A_494 to %while3A_500 step %while3A_501  : i32 {
            %get3A = arith.constant 0 : index
            %get3A_522 = tpu.vector_load %arg11[%get3A] {strides = array<i32>} : memref<544xi32, #tpu.memory_space<vmem>>, vector<16xi32>,
            %dma_wait3A_523 = arith.constant 0 : i32
            %dma_wait3A_524 = arith.constant 0 : i32
            %dma_wait3A_525 = tpu.memref_slice %arg14[%dma_wait3A_523, %dma_wait3A_524] : memref<256x128xf32, #tpu.memory_space<vmem>> -> memref<16x128xf32, #tpu.memory_space<vmem>>
            %dma_wait3A_526 = arith.constant 0 : i32
            %dma_wait3A_527 = arith.constant 0 : i32
            %dma_wait3A_528 = tpu.memref_slice %arg3[%dma_wait3A_526, %dma_wait3A_527] : memref<8192x128xf32, #tpu.memory_space<hbm>> -> memref<8192x128xf32, #tpu.memory_space<hbm>>
            tpu.wait_indirect_dma semaphore(%arg19 : memref<!tpu.dma_semaphore, #tpu.memory_space<semaphore_mem>>) src(%dma_wait3A_528 : memref<8192x128xf32, #tpu.memory_space<hbm>>) dst(%dma_wait3A_525 : memref<16x128xf32, #tpu.memory_space<vmem>>)
          }
          %while3A_502 = arith.constant 1 : i32
          scf.for %while3A_521 = %while3A_500 to %while3A_496 step %while3A_502  : i32 {
            %get3A = arith.constant 0 : index
            %get3A_522 = tpu.vector_load %arg11[%get3A] {strides = array<i32>} : memref<544xi32, #tpu.memory_space<vmem>>, vector<16xi32>,
            %dma_wait3A_523 = arith.constant 0 : i32
            %dma_wait3A_524 = arith.constant 0 : i32
            %dma_wait3A_525 = tpu.memref_slice %arg14[%dma_wait3A_523, %dma_wait3A_524] : memref<256x128xf32, #tpu.memory_space<vmem>> -> memref<16x128xf32, #tpu.memory_space<vmem>>
            %dma_wait3A_526 = arith.constant 0 : i32
            %dma_wait3A_527 = arith.constant 0 : i32
            %dma_wait3A_528 = tpu.memref_slice %arg3[%dma_wait3A_526, %dma_wait3A_527] : memref<8192x128xf32, #tpu.memory_space<hbm>> -> memref<8192x128xf32, #tpu.memory_space<hbm>>
            tpu.wait_indirect_dma semaphore(%arg19 : memref<!tpu.dma_semaphore, #tpu.memory_space<semaphore_mem>>) src(%dma_wait3A_528 : memref<8192x128xf32, #tpu.memory_space<hbm>>) dst(%dma_wait3A_525 : memref<16x128xf32, #tpu.memory_space<vmem>>)
          }
          %while3A_503 = arith.constant 0 : i32
          %while3A_504 = arith.subi %min3A_484, %while3A_503 : i32
          %while3A_505 = arith.addi %while3A_503, %while3A_504 : i32
          %while3A_506 = arith.constant 1 : i32
          %while3A_507 = arith.divsi %while3A_504, %while3A_506 : i32
          %while3A_508 = arith.muli %while3A_507, %while3A_506 : i32
          %while3A_509 = arith.addi %while3A_503, %while3A_508 : i32
          %while3A_510 = arith.constant 1 : i32
          scf.for %while3A_521 = %while3A_503 to %while3A_509 step %while3A_510  : i32 {
            %add3A_522 = arith.addi %mul3A_481, %while3A_521 : i32
            %mul3A_523 = arith.constant 16 : i32
            %mul3A_524 = arith.muli %add3A_522, %mul3A_523 : i32
            %get3A = arith.index_cast %mul3A_524 : i32 to index
            %get3A_525 = tpu.vector_load %arg12[%get3A] {strides = array<i32>} : memref<544xi32, #tpu.memory_space<vmem>>, vector<16xi32>,
            %mul3A_526 = arith.constant 16 : i32
            %mul3A_527 = arith.muli %while3A_521, %mul3A_526 : i32
            %dma_start3A_528 = arith.constant 0 : i32
            %dma_start3A_529 = tpu.memref_slice %arg14[%mul3A_527, %dma_start3A_528] : memref<256x128xf32, #tpu.memory_space<vmem>> -> memref<16x128xf32, #tpu.memory_space<vmem>>
            %dma_start3A_530 = arith.constant 0 : i32
            %dma_start3A_531 = arith.constant 0 : i32
            %dma_start3A_532 = tpu.memref_slice %arg16[%dma_start3A_530, %dma_start3A_531] : memref<8208x128xf32, #tpu.memory_space<vmem_shared>> -> memref<8208x128xf32, #tpu.memory_space<vmem_shared>>
            tpu.enqueue_indirect_dma source(%dma_start3A_529 : memref<16x128xf32, #tpu.memory_space<vmem>>) target(%dma_start3A_532 : memref<8208x128xf32, #tpu.memory_space<vmem_shared>>) offsets(%get3A_525 : vector<16xi32>) semaphore(%arg19 : memref<!tpu.dma_semaphore, #tpu.memory_space<semaphore_mem>>) {add = true}
          }
          %while3A_511 = arith.constant 1 : i32
          scf.for %while3A_521 = %while3A_509 to %while3A_505 step %while3A_511  : i32 {
            %add3A_522 = arith.addi %mul3A_481, %while3A_521 : i32
            %mul3A_523 = arith.constant 16 : i32
            %mul3A_524 = arith.muli %add3A_522, %mul3A_523 : i32
            %get3A = arith.index_cast %mul3A_524 : i32 to index
            %get3A_525 = tpu.vector_load %arg12[%get3A] {strides = array<i32>} : memref<544xi32, #tpu.memory_space<vmem>>, vector<16xi32>,
            %mul3A_526 = arith.constant 16 : i32
            %mul3A_527 = arith.muli %while3A_521, %mul3A_526 : i32
            %dma_start3A_528 = arith.constant 0 : i32
            %dma_start3A_529 = tpu.memref_slice %arg14[%mul3A_527, %dma_start3A_528] : memref<256x128xf32, #tpu.memory_space<vmem>> -> memref<16x128xf32, #tpu.memory_space<vmem>>
            %dma_start3A_530 = arith.constant 0 : i32
            %dma_start3A_531 = arith.constant 0 : i32
            %dma_start3A_532 = tpu.memref_slice %arg16[%dma_start3A_530, %dma_start3A_531] : memref<8208x128xf32, #tpu.memory_space<vmem_shared>> -> memref<8208x128xf32, #tpu.memory_space<vmem_shared>>
            tpu.enqueue_indirect_dma source(%dma_start3A_529 : memref<16x128xf32, #tpu.memory_space<vmem>>) target(%dma_start3A_532 : memref<8208x128xf32, #tpu.memory_space<vmem_shared>>) offsets(%get3A_525 : vector<16xi32>) semaphore(%arg19 : memref<!tpu.dma_semaphore, #tpu.memory_space<semaphore_mem>>) {add = true}
          }
          %while3A_512 = arith.constant 0 : i32
          %while3A_513 = arith.subi %min3A_484, %while3A_512 : i32
          %while3A_514 = arith.addi %while3A_512, %while3A_513 : i32
          %while3A_515 = arith.constant 1 : i32
          %while3A_516 = arith.divsi %while3A_513, %while3A_515 : i32
          %while3A_517 = arith.muli %while3A_516, %while3A_515 : i32
          %while3A_518 = arith.addi %while3A_512, %while3A_517 : i32
          %while3A_519 = arith.constant 1 : i32
          scf.for %while3A_521 = %while3A_512 to %while3A_518 step %while3A_519  : i32 {
            %get3A = arith.constant 0 : index
            %get3A_522 = tpu.vector_load %arg10[%get3A] {strides = array<i32>} : memref<544xi32, #tpu.memory_space<vmem>>, vector<16xi32>,
            %dma_wait3A_523 = arith.constant 0 : i32
            %dma_wait3A_524 = arith.constant 0 : i32
            %dma_wait3A_525 = tpu.memref_slice %arg14[%dma_wait3A_523, %dma_wait3A_524] : memref<256x128xf32, #tpu.memory_space<vmem>> -> memref<16x128xf32, #tpu.memory_space<vmem>>
            %dma_wait3A_526 = arith.constant 0 : i32
            %dma_wait3A_527 = arith.constant 0 : i32
            %dma_wait3A_528 = tpu.memref_slice %arg16[%dma_wait3A_526, %dma_wait3A_527] : memref<8208x128xf32, #tpu.memory_space<vmem_shared>> -> memref<8208x128xf32, #tpu.memory_space<vmem_shared>>
            tpu.wait_indirect_dma semaphore(%arg19 : memref<!tpu.dma_semaphore, #tpu.memory_space<semaphore_mem>>) src(%dma_wait3A_525 : memref<16x128xf32, #tpu.memory_space<vmem>>) dst(%dma_wait3A_528 : memref<8208x128xf32, #tpu.memory_space<vmem_shared>>)
          }
          %while3A_520 = arith.constant 1 : i32
          scf.for %while3A_521 = %while3A_518 to %while3A_514 step %while3A_520  : i32 {
            %get3A = arith.constant 0 : index
            %get3A_522 = tpu.vector_load %arg10[%get3A] {strides = array<i32>} : memref<544xi32, #tpu.memory_space<vmem>>, vector<16xi32>,
            %dma_wait3A_523 = arith.constant 0 : i32
            %dma_wait3A_524 = arith.constant 0 : i32
            %dma_wait3A_525 = tpu.memref_slice %arg14[%dma_wait3A_523, %dma_wait3A_524] : memref<256x128xf32, #tpu.memory_space<vmem>> -> memref<16x128xf32, #tpu.memory_space<vmem>>
            %dma_wait3A_526 = arith.constant 0 : i32
            %dma_wait3A_527 = arith.constant 0 : i32
            %dma_wait3A_528 = tpu.memref_slice %arg16[%dma_wait3A_526, %dma_wait3A_527] : memref<8208x128xf32, #tpu.memory_space<vmem_shared>> -> memref<8208x128xf32, #tpu.memory_space<vmem_shared>>
            tpu.wait_indirect_dma semaphore(%arg19 : memref<!tpu.dma_semaphore, #tpu.memory_space<semaphore_mem>>) src(%dma_wait3A_525 : memref<16x128xf32, #tpu.memory_space<vmem>>) dst(%dma_wait3A_528 : memref<8208x128xf32, #tpu.memory_space<vmem_shared>>)
          }
        }
      } else {
      }
      %dma_wait3A_380 = arith.constant 0 : i32
      %dma_wait3A_381 = tpu.memref_slice %arg5[%mul3A_4, %dma_wait3A_380] : memref<262144x128xf32, #tpu.memory_space<hbm>> -> memref<128x128xf32, #tpu.memory_space<hbm>>
      %dma_wait3A_382 = arith.constant 0 : i32
      %dma_wait3A_383 = tpu.memref_slice %arg5[%mul3A_4, %dma_wait3A_382] : memref<262144x128xf32, #tpu.memory_space<hbm>> -> memref<128x128xf32, #tpu.memory_space<hbm>>
      tpu.wait_dma2 semaphore(%arg18 : memref<!tpu.dma_semaphore, #tpu.memory_space<semaphore_mem>>) src(%arg15 : memref<128x128xf32, #tpu.memory_space<vmem>>) dst(%dma_wait3A_383 : memref<128x128xf32, #tpu.memory_space<hbm>>)
      %dma_wait3A_384 = arith.constant 0 : i32
      %dma_wait3A_385 = tpu.memref_slice %arg5[%mul3A_4, %dma_wait3A_384] : memref<262144x128xf32, #tpu.memory_space<hbm>> -> memref<128x128xf32, #tpu.memory_space<hbm>>
      %dma_wait3A_386 = arith.constant 0 : i32
      %dma_wait3A_387 = tpu.memref_slice %arg5[%mul3A_4, %dma_wait3A_386] : memref<262144x128xf32, #tpu.memory_space<hbm>> -> memref<128x128xf32, #tpu.memory_space<hbm>>
      tpu.wait_dma2 semaphore(%arg18 : memref<!tpu.dma_semaphore, #tpu.memory_space<semaphore_mem>>) src(%arg15 : memref<128x128xf32, #tpu.memory_space<vmem>>) dst(%dma_wait3A_387 : memref<128x128xf32, #tpu.memory_space<hbm>>)
      %dma_wait3A_388 = arith.constant 0 : i32
      %dma_wait3A_389 = tpu.memref_slice %arg5[%mul3A_4, %dma_wait3A_388] : memref<262144x128xf32, #tpu.memory_space<hbm>> -> memref<128x128xf32, #tpu.memory_space<hbm>>
      %dma_wait3A_390 = arith.constant 0 : i32
      %dma_wait3A_391 = tpu.memref_slice %arg5[%mul3A_4, %dma_wait3A_390] : memref<262144x128xf32, #tpu.memory_space<hbm>> -> memref<128x128xf32, #tpu.memory_space<hbm>>
      tpu.wait_dma2 semaphore(%arg18 : memref<!tpu.dma_semaphore, #tpu.memory_space<semaphore_mem>>) src(%arg15 : memref<128x128xf32, #tpu.memory_space<vmem>>) dst(%dma_wait3A_391 : memref<128x128xf32, #tpu.memory_space<hbm>>)
      %dma_wait3A_392 = arith.constant 0 : i32
      %dma_wait3A_393 = tpu.memref_slice %arg5[%mul3A_4, %dma_wait3A_392] : memref<262144x128xf32, #tpu.memory_space<hbm>> -> memref<128x128xf32, #tpu.memory_space<hbm>>
      %dma_wait3A_394 = arith.constant 0 : i32
      %dma_wait3A_395 = tpu.memref_slice %arg5[%mul3A_4, %dma_wait3A_394] : memref<262144x128xf32, #tpu.memory_space<hbm>> -> memref<128x128xf32, #tpu.memory_space<hbm>>
      tpu.wait_dma2 semaphore(%arg18 : memref<!tpu.dma_semaphore, #tpu.memory_space<semaphore_mem>>) src(%arg15 : memref<128x128xf32, #tpu.memory_space<vmem>>) dst(%dma_wait3A_395 : memref<128x128xf32, #tpu.memory_space<hbm>>)
      %barrier3A_396 = arith.constant 0 : index
      tpu.barrier barrier_id(%barrier3A_396)
      %add3A_397 = arith.constant 16 : i32
      %add3A_398 = arith.addi %select_n3A_328, %add3A_397 : i32
      %sub3A_399 = arith.constant 1 : i32
      %sub3A_400 = arith.subi %add3A_398, %sub3A_399 : i32
      %jit3A_401 = arith.constant 16 : i32
      %div3A_402 = arith.divsi %sub3A_400, %jit3A_401 : i32
      %sign3A_403 = arith.constant 0 : i32
      %sign3A_404 = arith.cmpi sgt, %sub3A_400, %sign3A_403 : i32
      %sign3A_405 = arith.extui %sign3A_404 : i1 to i32
      %sign3A_406 = arith.constant 0 : i32
      %sign3A_407 = arith.cmpi slt, %sub3A_400, %sign3A_406 : i32
      %sign3A_408 = arith.extui %sign3A_407 : i1 to i32
      %sign3A_409 = arith.subi %sign3A_405, %sign3A_408 : i32
      %sign3A_410 = arith.constant 0 : i32
      %sign3A_411 = arith.cmpi sgt, %jit3A_401, %sign3A_410 : i32
      %sign3A_412 = arith.extui %sign3A_411 : i1 to i32
      %sign3A_413 = arith.constant 0 : i32
      %sign3A_414 = arith.cmpi slt, %jit3A_401, %sign3A_413 : i32
      %sign3A_415 = arith.extui %sign3A_414 : i1 to i32
      %sign3A_416 = arith.subi %sign3A_412, %sign3A_415 : i32
      %ne3A_417 = arith.cmpi ne, %sign3A_409, %sign3A_416 : i32
      %rem3A_418 = arith.remsi %sub3A_400, %jit3A_401 : i32
      %ne3A_419 = arith.constant 0 : i32
      %ne3A_420 = arith.cmpi ne, %rem3A_418, %ne3A_419 : i32
      %and3A_421 = arith.andi %ne3A_417, %ne3A_420 : i1
      %sub3A_422 = arith.constant 1 : i32
      %sub3A_423 = arith.subi %div3A_402, %sub3A_422 : i32
      %select_n3A_424 = arith.select %and3A_421, %sub3A_423, %div3A_402 : i32
      %while3A_425 = arith.constant 0 : i32
      %while3A_426 = arith.subi %select_n3A_424, %while3A_425 : i32
      %while3A_427 = arith.addi %while3A_425, %while3A_426 : i32
      %while3A_428 = arith.constant 1 : i32
      %while3A_429 = arith.divsi %while3A_426, %while3A_428 : i32
      %while3A_430 = arith.muli %while3A_429, %while3A_428 : i32
      %while3A_431 = arith.addi %while3A_425, %while3A_430 : i32
      %while3A_432 = arith.constant 1 : i32
      scf.for %while3A_442 = %while3A_425 to %while3A_431 step %while3A_432  : i32 {
        %mul3A_443 = arith.constant 16 : i32
        %mul3A_444 = arith.muli %while3A_442, %mul3A_443 : i32
        %sub3A_445 = arith.subi %select_n3A_328, %mul3A_444 : i32
        %min3A_446 = arith.constant 16 : i32
        %min3A_447 = arith.minsi %sub3A_445, %min3A_446 : i32
        %while3A_448 = arith.constant 0 : i32
        %while3A_449 = arith.subi %min3A_447, %while3A_448 : i32
        %while3A_450 = arith.addi %while3A_448, %while3A_449 : i32
        %while3A_451 = arith.constant 1 : i32
        %while3A_452 = arith.divsi %while3A_449, %while3A_451 : i32
        %while3A_453 = arith.muli %while3A_452, %while3A_451 : i32
        %while3A_454 = arith.addi %while3A_448, %while3A_453 : i32
        %while3A_455 = arith.constant 1 : i32
        scf.for %while3A_484 = %while3A_448 to %while3A_454 step %while3A_455  : i32 {
          %add3A_485 = arith.addi %mul3A_444, %while3A_484 : i32
          %mul3A_486 = arith.constant 16 : i32
          %mul3A_487 = arith.muli %add3A_485, %mul3A_486 : i32
          %get3A = arith.index_cast %mul3A_487 : i32 to index
          %get3A_488 = tpu.vector_load %arg12[%get3A] {strides = array<i32>} : memref<544xi32, #tpu.memory_space<vmem>>, vector<16xi32>,
          %ge3A_489 = arith.constant 8192 : i32
          %ge3A_490 = vector.broadcast %ge3A_489 : i32 to vector<16xi32>
          %ge3A_491 = arith.cmpi sge, %get3A_488, %ge3A_490 : vector<16xi32>
          %jit3A_492 = arith.constant 0 : i32
          %broadcast_in_dim3A_493 = vector.broadcast %jit3A_492 : i32 to vector<16xi32>
          %select_n3A_494 = arith.select %ge3A_491, %broadcast_in_dim3A_493, %get3A_488 : vector<16xi1>, vector<16xi32>
          %mul3A_495 = arith.constant 16 : i32
          %mul3A_496 = arith.muli %while3A_484, %mul3A_495 : i32
          %dma_start3A_497 = arith.constant 0 : i32
          %dma_start3A_498 = tpu.memref_slice %arg14[%mul3A_496, %dma_start3A_497] : memref<256x128xf32, #tpu.memory_space<vmem>> -> memref<16x128xf32, #tpu.memory_space<vmem>>
          %dma_start3A_499 = arith.constant 0 : i32
          %dma_start3A_500 = arith.constant 0 : i32
          %dma_start3A_501 = tpu.memref_slice %arg16[%dma_start3A_499, %dma_start3A_500] : memref<8208x128xf32, #tpu.memory_space<vmem_shared>> -> memref<8208x128xf32, #tpu.memory_space<vmem_shared>>
          tpu.enqueue_indirect_dma source(%dma_start3A_501 : memref<8208x128xf32, #tpu.memory_space<vmem_shared>>) target(%dma_start3A_498 : memref<16x128xf32, #tpu.memory_space<vmem>>) offsets(%select_n3A_494 : vector<16xi32>) semaphore(%arg19 : memref<!tpu.dma_semaphore, #tpu.memory_space<semaphore_mem>>)
        }
        %while3A_456 = arith.constant 1 : i32
        scf.for %while3A_484 = %while3A_454 to %while3A_450 step %while3A_456  : i32 {
          %add3A_485 = arith.addi %mul3A_444, %while3A_484 : i32
          %mul3A_486 = arith.constant 16 : i32
          %mul3A_487 = arith.muli %add3A_485, %mul3A_486 : i32
          %get3A = arith.index_cast %mul3A_487 : i32 to index
          %get3A_488 = tpu.vector_load %arg12[%get3A] {strides = array<i32>} : memref<544xi32, #tpu.memory_space<vmem>>, vector<16xi32>,
          %ge3A_489 = arith.constant 8192 : i32
          %ge3A_490 = vector.broadcast %ge3A_489 : i32 to vector<16xi32>
          %ge3A_491 = arith.cmpi sge, %get3A_488, %ge3A_490 : vector<16xi32>
          %jit3A_492 = arith.constant 0 : i32
          %broadcast_in_dim3A_493 = vector.broadcast %jit3A_492 : i32 to vector<16xi32>
          %select_n3A_494 = arith.select %ge3A_491, %broadcast_in_dim3A_493, %get3A_488 : vector<16xi1>, vector<16xi32>
          %mul3A_495 = arith.constant 16 : i32
          %mul3A_496 = arith.muli %while3A_484, %mul3A_495 : i32
          %dma_start3A_497 = arith.constant 0 : i32
          %dma_start3A_498 = tpu.memref_slice %arg14[%mul3A_496, %dma_start3A_497] : memref<256x128xf32, #tpu.memory_space<vmem>> -> memref<16x128xf32, #tpu.memory_space<vmem>>
          %dma_start3A_499 = arith.constant 0 : i32
          %dma_start3A_500 = arith.constant 0 : i32
          %dma_start3A_501 = tpu.memref_slice %arg16[%dma_start3A_499, %dma_start3A_500] : memref<8208x128xf32, #tpu.memory_space<vmem_shared>> -> memref<8208x128xf32, #tpu.memory_space<vmem_shared>>
          tpu.enqueue_indirect_dma source(%dma_start3A_501 : memref<8208x128xf32, #tpu.memory_space<vmem_shared>>) target(%dma_start3A_498 : memref<16x128xf32, #tpu.memory_space<vmem>>) offsets(%select_n3A_494 : vector<16xi32>) semaphore(%arg19 : memref<!tpu.dma_semaphore, #tpu.memory_space<semaphore_mem>>)
        }
        %while3A_457 = arith.constant 0 : i32
        %while3A_458 = arith.subi %min3A_447, %while3A_457 : i32
        %while3A_459 = arith.addi %while3A_457, %while3A_458 : i32
        %while3A_460 = arith.constant 1 : i32
        %while3A_461 = arith.divsi %while3A_458, %while3A_460 : i32
        %while3A_462 = arith.muli %while3A_461, %while3A_460 : i32
        %while3A_463 = arith.addi %while3A_457, %while3A_462 : i32
        %while3A_464 = arith.constant 1 : i32
        scf.for %while3A_484 = %while3A_457 to %while3A_463 step %while3A_464  : i32 {
          %get3A = arith.constant 0 : index
          %get3A_485 = tpu.vector_load %arg10[%get3A] {strides = array<i32>} : memref<544xi32, #tpu.memory_space<vmem>>, vector<16xi32>,
          %dma_wait3A_486 = arith.constant 0 : i32
          %dma_wait3A_487 = arith.constant 0 : i32
          %dma_wait3A_488 = tpu.memref_slice %arg14[%dma_wait3A_486, %dma_wait3A_487] : memref<256x128xf32, #tpu.memory_space<vmem>> -> memref<16x128xf32, #tpu.memory_space<vmem>>
          %dma_wait3A_489 = arith.constant 0 : i32
          %dma_wait3A_490 = arith.constant 0 : i32
          %dma_wait3A_491 = tpu.memref_slice %arg16[%dma_wait3A_489, %dma_wait3A_490] : memref<8208x128xf32, #tpu.memory_space<vmem_shared>> -> memref<8208x128xf32, #tpu.memory_space<vmem_shared>>
          tpu.wait_indirect_dma semaphore(%arg19 : memref<!tpu.dma_semaphore, #tpu.memory_space<semaphore_mem>>) src(%dma_wait3A_491 : memref<8208x128xf32, #tpu.memory_space<vmem_shared>>) dst(%dma_wait3A_488 : memref<16x128xf32, #tpu.memory_space<vmem>>)
        }
        %while3A_465 = arith.constant 1 : i32
        scf.for %while3A_484 = %while3A_463 to %while3A_459 step %while3A_465  : i32 {
          %get3A = arith.constant 0 : index
          %get3A_485 = tpu.vector_load %arg10[%get3A] {strides = array<i32>} : memref<544xi32, #tpu.memory_space<vmem>>, vector<16xi32>,
          %dma_wait3A_486 = arith.constant 0 : i32
          %dma_wait3A_487 = arith.constant 0 : i32
          %dma_wait3A_488 = tpu.memref_slice %arg14[%dma_wait3A_486, %dma_wait3A_487] : memref<256x128xf32, #tpu.memory_space<vmem>> -> memref<16x128xf32, #tpu.memory_space<vmem>>
          %dma_wait3A_489 = arith.constant 0 : i32
          %dma_wait3A_490 = arith.constant 0 : i32
          %dma_wait3A_491 = tpu.memref_slice %arg16[%dma_wait3A_489, %dma_wait3A_490] : memref<8208x128xf32, #tpu.memory_space<vmem_shared>> -> memref<8208x128xf32, #tpu.memory_space<vmem_shared>>
          tpu.wait_indirect_dma semaphore(%arg19 : memref<!tpu.dma_semaphore, #tpu.memory_space<semaphore_mem>>) src(%dma_wait3A_491 : memref<8208x128xf32, #tpu.memory_space<vmem_shared>>) dst(%dma_wait3A_488 : memref<16x128xf32, #tpu.memory_space<vmem>>)
        }
        %while3A_466 = arith.constant 0 : i32
        %while3A_467 = arith.subi %min3A_447, %while3A_466 : i32
        %while3A_468 = arith.addi %while3A_466, %while3A_467 : i32
        %while3A_469 = arith.constant 1 : i32
        %while3A_470 = arith.divsi %while3A_467, %while3A_469 : i32
        %while3A_471 = arith.muli %while3A_470, %while3A_469 : i32
        %while3A_472 = arith.addi %while3A_466, %while3A_471 : i32
        %while3A_473 = arith.constant 1 : i32
        scf.for %while3A_484 = %while3A_466 to %while3A_472 step %while3A_473  : i32 {
          %add3A_485 = arith.addi %mul3A_444, %while3A_484 : i32
          %mul3A_486 = arith.constant 16 : i32
          %mul3A_487 = arith.muli %add3A_485, %mul3A_486 : i32
          %get3A = arith.index_cast %mul3A_487 : i32 to index
          %get3A_488 = tpu.vector_load %arg12[%get3A] {strides = array<i32>} : memref<544xi32, #tpu.memory_space<vmem>>, vector<16xi32>,
          %ge3A_489 = arith.constant 8192 : i32
          %ge3A_490 = vector.broadcast %ge3A_489 : i32 to vector<16xi32>
          %ge3A_491 = arith.cmpi sge, %get3A_488, %ge3A_490 : vector<16xi32>
          %jit3A_492 = arith.constant 0 : i32
          %broadcast_in_dim3A_493 = vector.broadcast %jit3A_492 : i32 to vector<16xi32>
          %select_n3A_494 = arith.select %ge3A_491, %broadcast_in_dim3A_493, %get3A_488 : vector<16xi1>, vector<16xi32>
          %add3A_495 = vector.broadcast %add3A_280 : i32 to vector<16xi32>
          %add3A_496 = arith.addi %add3A_495, %select_n3A_494 : vector<16xi32>
          %mul3A_497 = arith.constant 16 : i32
          %mul3A_498 = arith.muli %while3A_484, %mul3A_497 : i32
          %dma_start3A_499 = arith.constant 0 : i32
          %dma_start3A_500 = tpu.memref_slice %arg14[%mul3A_498, %dma_start3A_499] : memref<256x128xf32, #tpu.memory_space<vmem>> -> memref<16x128xf32, #tpu.memory_space<vmem>>
          %dma_start3A_501 = arith.constant 0 : i32
          %dma_start3A_502 = arith.constant 0 : i32
          %dma_start3A_503 = tpu.memref_slice %arg5[%dma_start3A_501, %dma_start3A_502] : memref<262144x128xf32, #tpu.memory_space<hbm>> -> memref<262144x128xf32, #tpu.memory_space<hbm>>
          tpu.enqueue_indirect_dma source(%dma_start3A_500 : memref<16x128xf32, #tpu.memory_space<vmem>>) target(%dma_start3A_503 : memref<262144x128xf32, #tpu.memory_space<hbm>>) offsets(%add3A_496 : vector<16xi32>) semaphore(%arg19 : memref<!tpu.dma_semaphore, #tpu.memory_space<semaphore_mem>>)
        }
        %while3A_474 = arith.constant 1 : i32
        scf.for %while3A_484 = %while3A_472 to %while3A_468 step %while3A_474  : i32 {
          %add3A_485 = arith.addi %mul3A_444, %while3A_484 : i32
          %mul3A_486 = arith.constant 16 : i32
          %mul3A_487 = arith.muli %add3A_485, %mul3A_486 : i32
          %get3A = arith.index_cast %mul3A_487 : i32 to index
          %get3A_488 = tpu.vector_load %arg12[%get3A] {strides = array<i32>} : memref<544xi32, #tpu.memory_space<vmem>>, vector<16xi32>,
          %ge3A_489 = arith.constant 8192 : i32
          %ge3A_490 = vector.broadcast %ge3A_489 : i32 to vector<16xi32>
          %ge3A_491 = arith.cmpi sge, %get3A_488, %ge3A_490 : vector<16xi32>
          %jit3A_492 = arith.constant 0 : i32
          %broadcast_in_dim3A_493 = vector.broadcast %jit3A_492 : i32 to vector<16xi32>
          %select_n3A_494 = arith.select %ge3A_491, %broadcast_in_dim3A_493, %get3A_488 : vector<16xi1>, vector<16xi32>
          %add3A_495 = vector.broadcast %add3A_280 : i32 to vector<16xi32>
          %add3A_496 = arith.addi %add3A_495, %select_n3A_494 : vector<16xi32>
          %mul3A_497 = arith.constant 16 : i32
          %mul3A_498 = arith.muli %while3A_484, %mul3A_497 : i32
          %dma_start3A_499 = arith.constant 0 : i32
          %dma_start3A_500 = tpu.memref_slice %arg14[%mul3A_498, %dma_start3A_499] : memref<256x128xf32, #tpu.memory_space<vmem>> -> memref<16x128xf32, #tpu.memory_space<vmem>>
          %dma_start3A_501 = arith.constant 0 : i32
          %dma_start3A_502 = arith.constant 0 : i32
          %dma_start3A_503 = tpu.memref_slice %arg5[%dma_start3A_501, %dma_start3A_502] : memref<262144x128xf32, #tpu.memory_space<hbm>> -> memref<262144x128xf32, #tpu.memory_space<hbm>>
          tpu.enqueue_indirect_dma source(%dma_start3A_500 : memref<16x128xf32, #tpu.memory_space<vmem>>) target(%dma_start3A_503 : memref<262144x128xf32, #tpu.memory_space<hbm>>) offsets(%add3A_496 : vector<16xi32>) semaphore(%arg19 : memref<!tpu.dma_semaphore, #tpu.memory_space<semaphore_mem>>)
        }
        %while3A_475 = arith.constant 0 : i32
        %while3A_476 = arith.subi %min3A_447, %while3A_475 : i32
        %while3A_477 = arith.addi %while3A_475, %while3A_476 : i32
        %while3A_478 = arith.constant 1 : i32
        %while3A_479 = arith.divsi %while3A_476, %while3A_478 : i32
        %while3A_480 = arith.muli %while3A_479, %while3A_478 : i32
        %while3A_481 = arith.addi %while3A_475, %while3A_480 : i32
        %while3A_482 = arith.constant 1 : i32
        scf.for %while3A_484 = %while3A_475 to %while3A_481 step %while3A_482  : i32 {
          %get3A = arith.constant 0 : index
          %get3A_485 = tpu.vector_load %arg10[%get3A] {strides = array<i32>} : memref<544xi32, #tpu.memory_space<vmem>>, vector<16xi32>,
          %dma_wait3A_486 = arith.constant 0 : i32
          %dma_wait3A_487 = arith.constant 0 : i32
          %dma_wait3A_488 = tpu.memref_slice %arg14[%dma_wait3A_486, %dma_wait3A_487] : memref<256x128xf32, #tpu.memory_space<vmem>> -> memref<16x128xf32, #tpu.memory_space<vmem>>
          %dma_wait3A_489 = arith.constant 0 : i32
          %dma_wait3A_490 = arith.constant 0 : i32
          %dma_wait3A_491 = tpu.memref_slice %arg5[%dma_wait3A_489, %dma_wait3A_490] : memref<262144x128xf32, #tpu.memory_space<hbm>> -> memref<262144x128xf32, #tpu.memory_space<hbm>>
          tpu.wait_indirect_dma semaphore(%arg19 : memref<!tpu.dma_semaphore, #tpu.memory_space<semaphore_mem>>) src(%dma_wait3A_488 : memref<16x128xf32, #tpu.memory_space<vmem>>) dst(%dma_wait3A_491 : memref<262144x128xf32, #tpu.memory_space<hbm>>)
        }
        %while3A_483 = arith.constant 1 : i32
        scf.for %while3A_484 = %while3A_481 to %while3A_477 step %while3A_483  : i32 {
          %get3A = arith.constant 0 : index
          %get3A_485 = tpu.vector_load %arg10[%get3A] {strides = array<i32>} : memref<544xi32, #tpu.memory_space<vmem>>, vector<16xi32>,
          %dma_wait3A_486 = arith.constant 0 : i32
          %dma_wait3A_487 = arith.constant 0 : i32
          %dma_wait3A_488 = tpu.memref_slice %arg14[%dma_wait3A_486, %dma_wait3A_487] : memref<256x128xf32, #tpu.memory_space<vmem>> -> memref<16x128xf32, #tpu.memory_space<vmem>>
          %dma_wait3A_489 = arith.constant 0 : i32
          %dma_wait3A_490 = arith.constant 0 : i32
          %dma_wait3A_491 = tpu.memref_slice %arg5[%dma_wait3A_489, %dma_wait3A_490] : memref<262144x128xf32, #tpu.memory_space<hbm>> -> memref<262144x128xf32, #tpu.memory_space<hbm>>
          tpu.wait_indirect_dma semaphore(%arg19 : memref<!tpu.dma_semaphore, #tpu.memory_space<semaphore_mem>>) src(%dma_wait3A_488 : memref<16x128xf32, #tpu.memory_space<vmem>>) dst(%dma_wait3A_491 : memref<262144x128xf32, #tpu.memory_space<hbm>>)
        }
      }
      %while3A_433 = arith.constant 1 : i32
      scf.for %while3A_442 = %while3A_431 to %while3A_427 step %while3A_433  : i32 {
        %mul3A_443 = arith.constant 16 : i32
        %mul3A_444 = arith.muli %while3A_442, %mul3A_443 : i32
        %sub3A_445 = arith.subi %select_n3A_328, %mul3A_444 : i32
        %min3A_446 = arith.constant 16 : i32
        %min3A_447 = arith.minsi %sub3A_445, %min3A_446 : i32
        %while3A_448 = arith.constant 0 : i32
        %while3A_449 = arith.subi %min3A_447, %while3A_448 : i32
        %while3A_450 = arith.addi %while3A_448, %while3A_449 : i32
        %while3A_451 = arith.constant 1 : i32
        %while3A_452 = arith.divsi %while3A_449, %while3A_451 : i32
        %while3A_453 = arith.muli %while3A_452, %while3A_451 : i32
        %while3A_454 = arith.addi %while3A_448, %while3A_453 : i32
        %while3A_455 = arith.constant 1 : i32
        scf.for %while3A_484 = %while3A_448 to %while3A_454 step %while3A_455  : i32 {
          %add3A_485 = arith.addi %mul3A_444, %while3A_484 : i32
          %mul3A_486 = arith.constant 16 : i32
          %mul3A_487 = arith.muli %add3A_485, %mul3A_486 : i32
          %get3A = arith.index_cast %mul3A_487 : i32 to index
          %get3A_488 = tpu.vector_load %arg12[%get3A] {strides = array<i32>} : memref<544xi32, #tpu.memory_space<vmem>>, vector<16xi32>,
          %ge3A_489 = arith.constant 8192 : i32
          %ge3A_490 = vector.broadcast %ge3A_489 : i32 to vector<16xi32>
          %ge3A_491 = arith.cmpi sge, %get3A_488, %ge3A_490 : vector<16xi32>
          %jit3A_492 = arith.constant 0 : i32
          %broadcast_in_dim3A_493 = vector.broadcast %jit3A_492 : i32 to vector<16xi32>
          %select_n3A_494 = arith.select %ge3A_491, %broadcast_in_dim3A_493, %get3A_488 : vector<16xi1>, vector<16xi32>
          %mul3A_495 = arith.constant 16 : i32
          %mul3A_496 = arith.muli %while3A_484, %mul3A_495 : i32
          %dma_start3A_497 = arith.constant 0 : i32
          %dma_start3A_498 = tpu.memref_slice %arg14[%mul3A_496, %dma_start3A_497] : memref<256x128xf32, #tpu.memory_space<vmem>> -> memref<16x128xf32, #tpu.memory_space<vmem>>
          %dma_start3A_499 = arith.constant 0 : i32
          %dma_start3A_500 = arith.constant 0 : i32
          %dma_start3A_501 = tpu.memref_slice %arg16[%dma_start3A_499, %dma_start3A_500] : memref<8208x128xf32, #tpu.memory_space<vmem_shared>> -> memref<8208x128xf32, #tpu.memory_space<vmem_shared>>
          tpu.enqueue_indirect_dma source(%dma_start3A_501 : memref<8208x128xf32, #tpu.memory_space<vmem_shared>>) target(%dma_start3A_498 : memref<16x128xf32, #tpu.memory_space<vmem>>) offsets(%select_n3A_494 : vector<16xi32>) semaphore(%arg19 : memref<!tpu.dma_semaphore, #tpu.memory_space<semaphore_mem>>)
        }
        %while3A_456 = arith.constant 1 : i32
        scf.for %while3A_484 = %while3A_454 to %while3A_450 step %while3A_456  : i32 {
          %add3A_485 = arith.addi %mul3A_444, %while3A_484 : i32
          %mul3A_486 = arith.constant 16 : i32
          %mul3A_487 = arith.muli %add3A_485, %mul3A_486 : i32
          %get3A = arith.index_cast %mul3A_487 : i32 to index
          %get3A_488 = tpu.vector_load %arg12[%get3A] {strides = array<i32>} : memref<544xi32, #tpu.memory_space<vmem>>, vector<16xi32>,
          %ge3A_489 = arith.constant 8192 : i32
          %ge3A_490 = vector.broadcast %ge3A_489 : i32 to vector<16xi32>
          %ge3A_491 = arith.cmpi sge, %get3A_488, %ge3A_490 : vector<16xi32>
          %jit3A_492 = arith.constant 0 : i32
          %broadcast_in_dim3A_493 = vector.broadcast %jit3A_492 : i32 to vector<16xi32>
          %select_n3A_494 = arith.select %ge3A_491, %broadcast_in_dim3A_493, %get3A_488 : vector<16xi1>, vector<16xi32>
          %mul3A_495 = arith.constant 16 : i32
          %mul3A_496 = arith.muli %while3A_484, %mul3A_495 : i32
          %dma_start3A_497 = arith.constant 0 : i32
          %dma_start3A_498 = tpu.memref_slice %arg14[%mul3A_496, %dma_start3A_497] : memref<256x128xf32, #tpu.memory_space<vmem>> -> memref<16x128xf32, #tpu.memory_space<vmem>>
          %dma_start3A_499 = arith.constant 0 : i32
          %dma_start3A_500 = arith.constant 0 : i32
          %dma_start3A_501 = tpu.memref_slice %arg16[%dma_start3A_499, %dma_start3A_500] : memref<8208x128xf32, #tpu.memory_space<vmem_shared>> -> memref<8208x128xf32, #tpu.memory_space<vmem_shared>>
          tpu.enqueue_indirect_dma source(%dma_start3A_501 : memref<8208x128xf32, #tpu.memory_space<vmem_shared>>) target(%dma_start3A_498 : memref<16x128xf32, #tpu.memory_space<vmem>>) offsets(%select_n3A_494 : vector<16xi32>) semaphore(%arg19 : memref<!tpu.dma_semaphore, #tpu.memory_space<semaphore_mem>>)
        }
        %while3A_457 = arith.constant 0 : i32
        %while3A_458 = arith.subi %min3A_447, %while3A_457 : i32
        %while3A_459 = arith.addi %while3A_457, %while3A_458 : i32
        %while3A_460 = arith.constant 1 : i32
        %while3A_461 = arith.divsi %while3A_458, %while3A_460 : i32
        %while3A_462 = arith.muli %while3A_461, %while3A_460 : i32
        %while3A_463 = arith.addi %while3A_457, %while3A_462 : i32
        %while3A_464 = arith.constant 1 : i32
        scf.for %while3A_484 = %while3A_457 to %while3A_463 step %while3A_464  : i32 {
          %get3A = arith.constant 0 : index
          %get3A_485 = tpu.vector_load %arg10[%get3A] {strides = array<i32>} : memref<544xi32, #tpu.memory_space<vmem>>, vector<16xi32>,
          %dma_wait3A_486 = arith.constant 0 : i32
          %dma_wait3A_487 = arith.constant 0 : i32
          %dma_wait3A_488 = tpu.memref_slice %arg14[%dma_wait3A_486, %dma_wait3A_487] : memref<256x128xf32, #tpu.memory_space<vmem>> -> memref<16x128xf32, #tpu.memory_space<vmem>>
          %dma_wait3A_489 = arith.constant 0 : i32
          %dma_wait3A_490 = arith.constant 0 : i32
          %dma_wait3A_491 = tpu.memref_slice %arg16[%dma_wait3A_489, %dma_wait3A_490] : memref<8208x128xf32, #tpu.memory_space<vmem_shared>> -> memref<8208x128xf32, #tpu.memory_space<vmem_shared>>
          tpu.wait_indirect_dma semaphore(%arg19 : memref<!tpu.dma_semaphore, #tpu.memory_space<semaphore_mem>>) src(%dma_wait3A_491 : memref<8208x128xf32, #tpu.memory_space<vmem_shared>>) dst(%dma_wait3A_488 : memref<16x128xf32, #tpu.memory_space<vmem>>)
        }
        %while3A_465 = arith.constant 1 : i32
        scf.for %while3A_484 = %while3A_463 to %while3A_459 step %while3A_465  : i32 {
          %get3A = arith.constant 0 : index
          %get3A_485 = tpu.vector_load %arg10[%get3A] {strides = array<i32>} : memref<544xi32, #tpu.memory_space<vmem>>, vector<16xi32>,
          %dma_wait3A_486 = arith.constant 0 : i32
          %dma_wait3A_487 = arith.constant 0 : i32
          %dma_wait3A_488 = tpu.memref_slice %arg14[%dma_wait3A_486, %dma_wait3A_487] : memref<256x128xf32, #tpu.memory_space<vmem>> -> memref<16x128xf32, #tpu.memory_space<vmem>>
          %dma_wait3A_489 = arith.constant 0 : i32
          %dma_wait3A_490 = arith.constant 0 : i32
          %dma_wait3A_491 = tpu.memref_slice %arg16[%dma_wait3A_489, %dma_wait3A_490] : memref<8208x128xf32, #tpu.memory_space<vmem_shared>> -> memref<8208x128xf32, #tpu.memory_space<vmem_shared>>
          tpu.wait_indirect_dma semaphore(%arg19 : memref<!tpu.dma_semaphore, #tpu.memory_space<semaphore_mem>>) src(%dma_wait3A_491 : memref<8208x128xf32, #tpu.memory_space<vmem_shared>>) dst(%dma_wait3A_488 : memref<16x128xf32, #tpu.memory_space<vmem>>)
        }
        %while3A_466 = arith.constant 0 : i32
        %while3A_467 = arith.subi %min3A_447, %while3A_466 : i32
        %while3A_468 = arith.addi %while3A_466, %while3A_467 : i32
        %while3A_469 = arith.constant 1 : i32
        %while3A_470 = arith.divsi %while3A_467, %while3A_469 : i32
        %while3A_471 = arith.muli %while3A_470, %while3A_469 : i32
        %while3A_472 = arith.addi %while3A_466, %while3A_471 : i32
        %while3A_473 = arith.constant 1 : i32
        scf.for %while3A_484 = %while3A_466 to %while3A_472 step %while3A_473  : i32 {
          %add3A_485 = arith.addi %mul3A_444, %while3A_484 : i32
          %mul3A_486 = arith.constant 16 : i32
          %mul3A_487 = arith.muli %add3A_485, %mul3A_486 : i32
          %get3A = arith.index_cast %mul3A_487 : i32 to index
          %get3A_488 = tpu.vector_load %arg12[%get3A] {strides = array<i32>} : memref<544xi32, #tpu.memory_space<vmem>>, vector<16xi32>,
          %ge3A_489 = arith.constant 8192 : i32
          %ge3A_490 = vector.broadcast %ge3A_489 : i32 to vector<16xi32>
          %ge3A_491 = arith.cmpi sge, %get3A_488, %ge3A_490 : vector<16xi32>
          %jit3A_492 = arith.constant 0 : i32
          %broadcast_in_dim3A_493 = vector.broadcast %jit3A_492 : i32 to vector<16xi32>
          %select_n3A_494 = arith.select %ge3A_491, %broadcast_in_dim3A_493, %get3A_488 : vector<16xi1>, vector<16xi32>
          %add3A_495 = vector.broadcast %add3A_280 : i32 to vector<16xi32>
          %add3A_496 = arith.addi %add3A_495, %select_n3A_494 : vector<16xi32>
          %mul3A_497 = arith.constant 16 : i32
          %mul3A_498 = arith.muli %while3A_484, %mul3A_497 : i32
          %dma_start3A_499 = arith.constant 0 : i32
          %dma_start3A_500 = tpu.memref_slice %arg14[%mul3A_498, %dma_start3A_499] : memref<256x128xf32, #tpu.memory_space<vmem>> -> memref<16x128xf32, #tpu.memory_space<vmem>>
          %dma_start3A_501 = arith.constant 0 : i32
          %dma_start3A_502 = arith.constant 0 : i32
          %dma_start3A_503 = tpu.memref_slice %arg5[%dma_start3A_501, %dma_start3A_502] : memref<262144x128xf32, #tpu.memory_space<hbm>> -> memref<262144x128xf32, #tpu.memory_space<hbm>>
          tpu.enqueue_indirect_dma source(%dma_start3A_500 : memref<16x128xf32, #tpu.memory_space<vmem>>) target(%dma_start3A_503 : memref<262144x128xf32, #tpu.memory_space<hbm>>) offsets(%add3A_496 : vector<16xi32>) semaphore(%arg19 : memref<!tpu.dma_semaphore, #tpu.memory_space<semaphore_mem>>)
        }
        %while3A_474 = arith.constant 1 : i32
        scf.for %while3A_484 = %while3A_472 to %while3A_468 step %while3A_474  : i32 {
          %add3A_485 = arith.addi %mul3A_444, %while3A_484 : i32
          %mul3A_486 = arith.constant 16 : i32
          %mul3A_487 = arith.muli %add3A_485, %mul3A_486 : i32
          %get3A = arith.index_cast %mul3A_487 : i32 to index
          %get3A_488 = tpu.vector_load %arg12[%get3A] {strides = array<i32>} : memref<544xi32, #tpu.memory_space<vmem>>, vector<16xi32>,
          %ge3A_489 = arith.constant 8192 : i32
          %ge3A_490 = vector.broadcast %ge3A_489 : i32 to vector<16xi32>
          %ge3A_491 = arith.cmpi sge, %get3A_488, %ge3A_490 : vector<16xi32>
          %jit3A_492 = arith.constant 0 : i32
          %broadcast_in_dim3A_493 = vector.broadcast %jit3A_492 : i32 to vector<16xi32>
          %select_n3A_494 = arith.select %ge3A_491, %broadcast_in_dim3A_493, %get3A_488 : vector<16xi1>, vector<16xi32>
          %add3A_495 = vector.broadcast %add3A_280 : i32 to vector<16xi32>
          %add3A_496 = arith.addi %add3A_495, %select_n3A_494 : vector<16xi32>
          %mul3A_497 = arith.constant 16 : i32
          %mul3A_498 = arith.muli %while3A_484, %mul3A_497 : i32
          %dma_start3A_499 = arith.constant 0 : i32
          %dma_start3A_500 = tpu.memref_slice %arg14[%mul3A_498, %dma_start3A_499] : memref<256x128xf32, #tpu.memory_space<vmem>> -> memref<16x128xf32, #tpu.memory_space<vmem>>
          %dma_start3A_501 = arith.constant 0 : i32
          %dma_start3A_502 = arith.constant 0 : i32
          %dma_start3A_503 = tpu.memref_slice %arg5[%dma_start3A_501, %dma_start3A_502] : memref<262144x128xf32, #tpu.memory_space<hbm>> -> memref<262144x128xf32, #tpu.memory_space<hbm>>
          tpu.enqueue_indirect_dma source(%dma_start3A_500 : memref<16x128xf32, #tpu.memory_space<vmem>>) target(%dma_start3A_503 : memref<262144x128xf32, #tpu.memory_space<hbm>>) offsets(%add3A_496 : vector<16xi32>) semaphore(%arg19 : memref<!tpu.dma_semaphore, #tpu.memory_space<semaphore_mem>>)
        }
        %while3A_475 = arith.constant 0 : i32
        %while3A_476 = arith.subi %min3A_447, %while3A_475 : i32
        %while3A_477 = arith.addi %while3A_475, %while3A_476 : i32
        %while3A_478 = arith.constant 1 : i32
        %while3A_479 = arith.divsi %while3A_476, %while3A_478 : i32
        %while3A_480 = arith.muli %while3A_479, %while3A_478 : i32
        %while3A_481 = arith.addi %while3A_475, %while3A_480 : i32
        %while3A_482 = arith.constant 1 : i32
        scf.for %while3A_484 = %while3A_475 to %while3A_481 step %while3A_482  : i32 {
          %get3A = arith.constant 0 : index
          %get3A_485 = tpu.vector_load %arg10[%get3A] {strides = array<i32>} : memref<544xi32, #tpu.memory_space<vmem>>, vector<16xi32>,
          %dma_wait3A_486 = arith.constant 0 : i32
          %dma_wait3A_487 = arith.constant 0 : i32
          %dma_wait3A_488 = tpu.memref_slice %arg14[%dma_wait3A_486, %dma_wait3A_487] : memref<256x128xf32, #tpu.memory_space<vmem>> -> memref<16x128xf32, #tpu.memory_space<vmem>>
          %dma_wait3A_489 = arith.constant 0 : i32
          %dma_wait3A_490 = arith.constant 0 : i32
          %dma_wait3A_491 = tpu.memref_slice %arg5[%dma_wait3A_489, %dma_wait3A_490] : memref<262144x128xf32, #tpu.memory_space<hbm>> -> memref<262144x128xf32, #tpu.memory_space<hbm>>
          tpu.wait_indirect_dma semaphore(%arg19 : memref<!tpu.dma_semaphore, #tpu.memory_space<semaphore_mem>>) src(%dma_wait3A_488 : memref<16x128xf32, #tpu.memory_space<vmem>>) dst(%dma_wait3A_491 : memref<262144x128xf32, #tpu.memory_space<hbm>>)
        }
        %while3A_483 = arith.constant 1 : i32
        scf.for %while3A_484 = %while3A_481 to %while3A_477 step %while3A_483  : i32 {
          %get3A = arith.constant 0 : index
          %get3A_485 = tpu.vector_load %arg10[%get3A] {strides = array<i32>} : memref<544xi32, #tpu.memory_space<vmem>>, vector<16xi32>,
          %dma_wait3A_486 = arith.constant 0 : i32
          %dma_wait3A_487 = arith.constant 0 : i32
          %dma_wait3A_488 = tpu.memref_slice %arg14[%dma_wait3A_486, %dma_wait3A_487] : memref<256x128xf32, #tpu.memory_space<vmem>> -> memref<16x128xf32, #tpu.memory_space<vmem>>
          %dma_wait3A_489 = arith.constant 0 : i32
          %dma_wait3A_490 = arith.constant 0 : i32
          %dma_wait3A_491 = tpu.memref_slice %arg5[%dma_wait3A_489, %dma_wait3A_490] : memref<262144x128xf32, #tpu.memory_space<hbm>> -> memref<262144x128xf32, #tpu.memory_space<hbm>>
          tpu.wait_indirect_dma semaphore(%arg19 : memref<!tpu.dma_semaphore, #tpu.memory_space<semaphore_mem>>) src(%dma_wait3A_488 : memref<16x128xf32, #tpu.memory_space<vmem>>) dst(%dma_wait3A_491 : memref<262144x128xf32, #tpu.memory_space<hbm>>)
        }
      }
      %add3A_434 = arith.constant 2 : i32
      %add3A_435 = arith.addi %add3A_277, %add3A_434 : i32
      %lt3A_436 = arith.constant 16 : i32
      %lt3A_437 = arith.cmpi slt, %add3A_435, %lt3A_436 : i32
      %convert_element_type3A_438 = arith.extui %lt3A_437 : i1 to i32
      %cond3A_439 = arith.constant 0 : i32
      %cond3A_440 = arith.cmpi ne, %convert_element_type3A_438, %cond3A_439 : i32
      scf.if %cond3A_440 {
        %add3A_442 = arith.constant 2 : i32
        %add3A_443 = arith.addi %add3A_277, %add3A_442 : i32
        %mul3A_444 = arith.constant 8192 : i32
        %mul3A_445 = arith.muli %add3A_443, %mul3A_444 : i32
        %add3A_446 = arith.addi %mul3A_2, %mul3A_445 : i32
        %add3A_447 = arith.addi %add3A_446, %mul3A_4 : i32
        %add3A_448 = arith.constant 0 : i32
        %add3A_449 = arith.addi %add3A_447, %add3A_448 : i32
        %dma_start3A_450 = arith.constant 0 : i32
        %dma_start3A_451 = tpu.memref_slice %arg5[%add3A_449, %dma_start3A_450] : memref<262144x128xf32, #tpu.memory_space<hbm>> -> memref<128x128xf32, #tpu.memory_space<hbm>>
        %dma_start3A_452 = arith.constant 0 : i32
        %dma_start3A_453 = tpu.memref_slice %arg5[%add3A_449, %dma_start3A_452] : memref<262144x128xf32, #tpu.memory_space<hbm>> -> memref<128x128xf32, #tpu.memory_space<hbm>>
        tpu.enqueue_dma source(%arg15 : memref<128x128xf32, #tpu.memory_space<vmem>>) target(%dma_start3A_453 : memref<128x128xf32, #tpu.memory_space<hbm>>) target_semaphore(%arg18 : memref<!tpu.dma_semaphore, #tpu.memory_space<semaphore_mem>>)
        %add3A_454 = arith.constant 128 : i32
        %add3A_455 = arith.addi %add3A_447, %add3A_454 : i32
        %dma_start3A_456 = arith.constant 0 : i32
        %dma_start3A_457 = tpu.memref_slice %arg5[%add3A_455, %dma_start3A_456] : memref<262144x128xf32, #tpu.memory_space<hbm>> -> memref<128x128xf32, #tpu.memory_space<hbm>>
        %dma_start3A_458 = arith.constant 0 : i32
        %dma_start3A_459 = tpu.memref_slice %arg5[%add3A_455, %dma_start3A_458] : memref<262144x128xf32, #tpu.memory_space<hbm>> -> memref<128x128xf32, #tpu.memory_space<hbm>>
        tpu.enqueue_dma source(%arg15 : memref<128x128xf32, #tpu.memory_space<vmem>>) target(%dma_start3A_459 : memref<128x128xf32, #tpu.memory_space<hbm>>) target_semaphore(%arg18 : memref<!tpu.dma_semaphore, #tpu.memory_space<semaphore_mem>>)
        %add3A_460 = arith.constant 256 : i32
        %add3A_461 = arith.addi %add3A_447, %add3A_460 : i32
        %dma_start3A_462 = arith.constant 0 : i32
        %dma_start3A_463 = tpu.memref_slice %arg5[%add3A_461, %dma_start3A_462] : memref<262144x128xf32, #tpu.memory_space<hbm>> -> memref<128x128xf32, #tpu.memory_space<hbm>>
        %dma_start3A_464 = arith.constant 0 : i32
        %dma_start3A_465 = tpu.memref_slice %arg5[%add3A_461, %dma_start3A_464] : memref<262144x128xf32, #tpu.memory_space<hbm>> -> memref<128x128xf32, #tpu.memory_space<hbm>>
        tpu.enqueue_dma source(%arg15 : memref<128x128xf32, #tpu.memory_space<vmem>>) target(%dma_start3A_465 : memref<128x128xf32, #tpu.memory_space<hbm>>) target_semaphore(%arg18 : memref<!tpu.dma_semaphore, #tpu.memory_space<semaphore_mem>>)
        %add3A_466 = arith.constant 384 : i32
        %add3A_467 = arith.addi %add3A_447, %add3A_466 : i32
        %dma_start3A_468 = arith.constant 0 : i32
        %dma_start3A_469 = tpu.memref_slice %arg5[%add3A_467, %dma_start3A_468] : memref<262144x128xf32, #tpu.memory_space<hbm>> -> memref<128x128xf32, #tpu.memory_space<hbm>>
        %dma_start3A_470 = arith.constant 0 : i32
        %dma_start3A_471 = tpu.memref_slice %arg5[%add3A_467, %dma_start3A_470] : memref<262144x128xf32, #tpu.memory_space<hbm>> -> memref<128x128xf32, #tpu.memory_space<hbm>>
        tpu.enqueue_dma source(%arg15 : memref<128x128xf32, #tpu.memory_space<vmem>>) target(%dma_start3A_471 : memref<128x128xf32, #tpu.memory_space<hbm>>) target_semaphore(%arg18 : memref<!tpu.dma_semaphore, #tpu.memory_space<semaphore_mem>>)
      } else {
      }
      %barrier3A_441 = arith.constant 0 : index
      tpu.barrier barrier_id(%barrier3A_441)
      scf.yield %while3A_130, %while3A_293 : i32, i32
    }
    %scan3A_110 = arith.constant 8 : i32
    return
  }
}

</mosaic_0001>

<sc_bundles>
// kernel: kernel.3.cloned.1.call-start
scs
__scs_entry_jumppad:
0x0: {  	(pc) =	sbr.rel $0x88, $3  }
0x1: {  	(tag) =	ssettag $0x0;
	lr =	simm.s32 $0x1  }
0x2: {  	[smem:$0x3F9F] =	sst lr;
	_ =	strace $0xD0000000  }
0x3: {  	_ = 	snop  }
0x4: {  	_ = 	snop  }
0x5: {  	_ = 	snop  }
0x6: {  	_ = 	snop  }
0x7: {  	_ = 	snop  }
__scs_overlays_trampoline_lowered:
0x8: {  	[smem:$0x3FAE] =	sst s0  }
0x9: {  	[smem:$0x3FAF] =	sst s1  }
0xa: {  	[smem:$0x3FB0] =	sst s2  }
0xb: {  	[smem:$0x3FB1] =	sst s3  }
0xc: {  	[smem:$0x3FB2] =	sst s4  }
0xd: {  	[smem:$0x3FB3] =	sst s5  }
0xe: {  	[smem:$0x3FB4] =	sst s6  }
0xf: {  	[smem:$0x3FB5] =	sst s7  }
0x10: {  	[smem:$0x3FB6] =	sst s8  }
0x11: {  	[smem:$0x3FB7] =	sst s9;
	s0 =	simm.s32 @!p0 $0x0  }
0x12: {  	s1 =	sld [smem:$0x3F9D];
	s0 =	simm.s32 @p0 $0x1  }
0x13: {  	[smem:$0x3FB8] =	sst s0;
	s0 =	simm.s32 @!p1 $0x0  }
0x14: {  	s2 =	sld [smem:$0x3F9C];
	s0 =	simm.s32 @p1 $0x1  }
0x15: {  	[smem:$0x3FB9] =	sst s0;
	s0 =	simm.s32 @!p2 $0x0  }
0x16: {  	s3 =	sld [smem:$0x3FDB];
	s0 =	simm.s32 @p2 $0x1  }
0x17: {  	s4 =	simm.s32 $0x1BF5;
	[smem:$0x3FBB] =	sst s0  }
0x18: {  	s0 =	sld [smem:$0x3F9E];
	_ =	swait.ge [sflag:s4], $0x0  }
0x19: {  	s7 =	sld [smem:$0x3F9F]  }
0x1a: {  	s8 =	sadd.s32 $0xFFFFE003, lr  }
0x1b: {  	s9 =	sadd.s32 $0xFFFFFEF7, lr;
	s5 =	simm.s32 $0xFFFFFFFF;
	p2 =	slt.u32 s8, $0xFFFFF086  }
0x1c: {  	p1 =	slt.u32 s9, $0xF7A;
	s5 =	simm.s32 @!p2 $0x0  }
0x1d: {  	s5 =	simm.s32 @p1 $0x1;
	p0 =	seq.s32 s7, s2  }
0x1e: {  	s7 =	smul.u32 @!p0 $0xF7A, s2;
	p2 =	seq.s32 @!p0 s5, $0x0  }
0x1f: {  	s9 =	smul.u32 $0xF7A, s1;
	s8 =	simm.s32 @!p0 $0x1BF5;
	p2 =	por !p2, p0  }
0x20: {  	[sflag:s8] =	ssyncset.s32 @!p0 $0xFFFFF086;
	s6 =	sadd.s32 @!p0 s3, s7;
	s7 =	simm.s32 @!p0 $0x108  }
0x21: {  	s3 =	sadd.s32 s3, s9;
	s6 =	sadd.s32 @!p0 $0x88, s6;
	s7 =	simm.s32 @p2 $0x1082  }
0x22: {  	[simem:s7], [sflag:s8] =	dma.local @!p0 [hbm:s6], $0xF7A  }
0x23: {  	s9 =	sor.u32 $0xD0000000, s2;
	s6 =	simm.s32 $0x108;
	_ =	swait.ge @!p0 [sflag:s8], $0x0  }
0x24: {  	s3 =	sadd.s32 $0x88, s3;
	s6 =	simm.s32 @!p1 $0x1082;
	[sflag:s4] =	ssyncset.s32 $0xFFFFF086  }
0x25: {  	[simem:s6], [sflag:s4] =	dma.local [hbm:s3], $0xF7A  }
0x26: {  	[smem:$0x3F9F] =	sst s1;
	(tag) =	ssettag s2;
	_ =	strace s9  }
0x27: {  	s1 =	sld [smem:$0x3FAF]  }
0x28: {  	s2 =	sld [smem:$0x3FB0]  }
0x29: {  	s4 =	sld [smem:$0x3FB2]  }
0x2a: {  	p0 =	seq.s32 s5, $0x0;
	s5 =	sld [smem:$0x3FB3]  }
0x2b: {  	s6 =	sld [smem:$0x3FB4]  }
0x2c: {  	s7 =	sld [smem:$0x3FB5]  }
0x2d: {  	s3 =	simm.s32 $0x108;
	s8 =	sld [smem:$0x3FB6]  }
0x2e: {  	s3 =	simm.s32 @!p0 $0x1082;
	s9 =	sld [smem:$0x3FB7]  }
0x2f: {  	lr =	sadd.s32 s0, s3;
	s0 =	sld [smem:$0x3FAE]  }
0x30: {  	s3 =	sld [smem:$0x3FB1]  }
0x31: {  	[smem:$0x3FBA] =	sst s10  }
0x32: {  	s10 =	sld [smem:$0x3FB8];
	_ =	sdelay $0x3  }
0x33: {  	p0 =	seq.s32 s10, $0x1;
	s10 =	sld [smem:$0x3FBA];
	_ =	sdelay $0x3  }
0x34: {  	[smem:$0x3FBA] =	sst s10  }
0x35: {  	s10 =	sld [smem:$0x3FB9];
	_ =	sdelay $0x3  }
0x36: {  	p1 =	seq.s32 s10, $0x1;
	s10 =	sld [smem:$0x3FBA];
	_ =	sdelay $0x3  }
0x37: {  	[smem:$0x3FBA] =	sst s10  }
0x38: {  	s10 =	sld [smem:$0x3FBB]  }
0x39: {  	_ = 	snop;
	(pc) =	sbr.ind lr, $3  }
0x3a: {  	_ = 	snop  }
0x3b: {  	_ = 	snop  }
0x3c: {  	p2 =	seq.s32 s10, $0x1;
	s10 =	sld [smem:$0x3FBA]  }
0x3d: {  	_ =	shalt  }
0x3e: {  	_ =	shalt  }
0x3f: {  	_ =	shalt  }
0x40: {  	_ =	shalt  }
0x41: {  	_ =	shalt  }
0x42: {  	_ =	shalt  }
0x43: {  	_ =	shalt  }
0x44: {  	_ =	shalt  }
0x45: {  	_ =	shalt  }
0x46: {  	_ =	shalt  }
0x47: {  	_ =	shalt  }
0x48: {  	_ =	shalt  }
0x49: {  	_ =	shalt  }
0x4a: {  	_ =	shalt  }
0x4b: {  	_ =	shalt  }
0x4c: {  	_ =	shalt  }
0x4d: {  	_ =	shalt  }
0x4e: {  	_ =	shalt  }
0x4f: {  	_ =	shalt  }
0x50: {  	_ =	shalt  }
0x51: {  	_ =	shalt  }
0x52: {  	_ =	shalt  }
0x53: {  	_ =	shalt  }
0x54: {  	_ =	shalt  }
0x55: {  	_ =	shalt  }
0x56: {  	_ =	shalt  }
0x57: {  	_ =	shalt  }
0x58: {  	_ =	shalt  }
0x59: {  	_ =	shalt  }
0x5a: {  	_ =	shalt  }
0x5b: {  	_ =	shalt  }
0x5c: {  	_ =	shalt  }
0x5d: {  	_ =	shalt  }
0x5e: {  	_ =	shalt  }
0x5f: {  	_ =	shalt  }
0x60: {  	_ =	shalt  }
0x61: {  	_ =	shalt  }
0x62: {  	_ =	shalt  }
0x63: {  	_ =	shalt  }
0x64: {  	_ =	shalt  }
0x65: {  	_ =	shalt  }
0x66: {  	_ =	shalt  }
0x67: {  	_ =	shalt  }
0x68: {  	_ =	shalt  }
0x69: {  	_ =	shalt  }
0x6a: {  	_ =	shalt  }
0x6b: {  	_ =	shalt  }
0x6c: {  	_ =	shalt  }
0x6d: {  	_ =	shalt  }
0x6e: {  	_ =	shalt  }
0x6f: {  	_ =	shalt  }
0x70: {  	_ =	shalt  }
0x71: {  	_ =	shalt  }
0x72: {  	_ =	shalt  }
0x73: {  	_ =	shalt  }
0x74: {  	_ =	shalt  }
0x75: {  	_ =	shalt  }
0x76: {  	_ =	shalt  }
0x77: {  	_ =	shalt  }
0x78: {  	_ =	shalt  }
0x79: {  	_ =	shalt  }
0x7a: {  	_ =	shalt  }
0x7b: {  	_ =	shalt  }
0x7c: {  	_ =	shalt  }
0x7d: {  	_ =	shalt  }
0x7e: {  	_ =	shalt  }
0x7f: {  	_ =	shalt  }
0x80: {  	_ =	shalt  }
0x81: {  	_ =	shalt  }
0x82: {  	_ =	shalt  }
0x83: {  	_ =	shalt  }
0x84: {  	_ =	shalt  }
0x85: {  	_ =	shalt  }
0x86: {  	_ =	shalt  }
0x87: {  	_ =	shalt  }
.Lfunc_end0:
.L_simem_size_0:
called_computation_lowered:
.L_overlay_start_0:
0x88: {  	s2 =	sld [smem:$0x3FD9]  }
0x89: {  	s3 =	sld [smem:$0x3FFE];
	_ =	sdelay $0x1  }
0x8a: {  	s1 =	srdreg.scid  }
0x8b: {  	s0 =	sand.u32 $0x1, s1  }
0x8c: {  	s17 =	sshll.u32 s0, $0xA;
	s2 =	sadd.s32 s3, s2  }
0x8d: {  	s2 =	sadd.s32 s2, s17  }
0x8e: {  	[smem:$0x3FC6] =	sst s2  }
0x8f: {  	_ = 	snop  }
0x90: {  	s2 =	sld [smem:$0x3FC9]  }
0x91: {  	s18 =	sld [smem:$0x3FC8]  }
0x92: {  	s4 =	sld [smem:$0x3FD0];
	(tm) =	ssettm $0x1  }
0x93: {  	s5 =	sld [smem:$0x3FFB];
	_ =	sdelay $0x3  }
0x94: {  	_ =	strace s5  }
0x95: {  	s5 =	sld [smem:$0x3FFC];
	_ =	sdelay $0x3  }
0x96: {  	_ =	strace s5  }
0x97: {  	s5 =	sld [smem:$0x3FFD];
	_ =	sdelay $0x3  }
0x98: {  	_ =	strace s5  }
0x99: {  	_ =	strace $0x8FFFFFFF  }
0x9a: {  	s19 =	sld [smem:$0x3FDB];
	_ =	sdelay $0x1  }
0x9b: {  	s6 =	simm.s32 $_scs_section_size  }
0x9c: {  	s7 =	simm.s32 $_size__tile_overlayer_lowered;
	s8 =	simm.s32 $_tile_overlayer_lowered  }
0x9d: {  	s22 =	simm.s32 $0x1BFF;
	s21 =	sshll.u32 s8, $0x1;
	s5 =	sadd.s32 s6, s19  }
0x9e: {  	s9 =	simm.s32 $0x0;
	s20 =	sshll.u32 s7, $0x1;
	s7 =	sadd.s32 s21, s5  }
0x9f: {  	[timem:s9], [sflag:s22] =	dma.local [hbm:s7], s20  }
0xa0: {  	_ =	swait.ge [sflag:s22], s20  }
0xa1: {  	s6 =	ssub.s32 $0x0, s20;
	[sflag:s22] =	ssyncset.done $0x0  }
0xa2: {  	[sflag:s22] =	ssyncadd.s32 s6;
	_ =	sdelay $0x1  }
0xa3: {  	s23 =	simm.s32 $0x1B8B  }
0xa4: {  	_ =	swait.ge [sflag:s23], $0x1  }
0xa5: {  	[sflag:s23] =	ssyncset.done $0x0  }
0xa6: {  	s25 =	simm.s32 $0x1B8E;
	s24 =	sld [smem:$0x3FFE];
	[sflag:s23] =	ssyncadd.s32 $0xFFFFFFFF  }
0xa7: {  	s26 =	simm.s32 $execute0_lowered;
	[smem:$0x3FD2] =	sst s25  }
0xa8: {  	s7 =	sshll.u32 s26, $0x1;
	_ =	strace $0x80000046;
	[dreg:$0x1] =	wrdreg $0xFFFFFFFF  }
0xa9: {  	s28 =	simm.s32 $_size_execute0_lowered;
	s5 =	sadd.s32 s5, s7;
	[dreg:$0x0] =	wrdreg $0x0  }
0xaa: {  	s7 =	sshll.u32 s28, $0x1;
	[dreg:$0x2] =	wrdreg s5  }
0xab: {  	[dreg:$0x3] =	wrdreg s7  }
0xac: {  	[dreg:$0x4] =	wrdreg $0xC0  }
0xad: {  	_ =	task [dreg:s9], $0x5FFFF  }
0xae: {  	[dreg:$0x1] =	wrdreg $0xFFFFFFFF  }
0xaf: {  	[dreg:$0x0] =	wrdreg $0x60  }
0xb0: {  	[dreg:$0x2] =	wrdreg s18  }
0xb1: {  	[dreg:$0x3] =	wrdreg s2  }
0xb2: {  	[dreg:$0x4] =	wrdreg s24  }
0xb3: {  	[dreg:$0x5] =	wrdreg s4  }
0xb4: {  	[dreg:$0x6] =	wrdreg $0xD5000  }
0xb5: {  	[dreg:$0x7] =	wrdreg $0x9  }
0xb6: {  	_ =	task.clear_ibuf [dreg:s9], $0x8FFFF;
	_ =	strace $0x90000046  }
0xb7: {  	s29 =	simm.s32 $0x9;
	_ =	strace $0x80000048  }
0xb8: {  	_ =	swait.ge [sflag:s29], $0x1  }
0xb9: {  	[sflag:s29] =	ssyncadd.s32 $0xFFFFFFFF  }
0xba: {  	_ =	strace $0x90000048  }
0xbb: {  	_ =	sfence  }
0xbc: {  	s30 =	sld [smem:$0x0];
	_ =	sdelay $0x2  }
0xbd: {  	s31 =	sshll.u32 s1, $0xD;
	s1 =	sshrl.u32 s1, $0x2  }
0xbe: {  	s3 =	sand.u32 $0x4000, s31;
	s1 =	sadd.s32 s1, s30  }
0xbf: {  	s0 =	sor.u32 s3, s0;
	s1 =	sshll.u32 s1, $0x11  }
0xc0: {  	s0 =	sor.u32 s1, s0  }
0xc1: {  	s0 =	sadd.s32 $0x8F2B, s0  }
0xc2: {  	[sflag:s0] =	ssyncadd.remote.s32 $0x1  }
0xc3: {  	_ =	sfence.sel $0xFFFF  }
0xc4: {  	[dreg:$0x0] =	wrdreg $0xFFFFFFFF;
	(pc) =	sbr.abs _section_cstart, $3  }
0xc5: {  	[dreg:$0x1] =	wrdreg $0xFFFFFFFF  }
0xc6: {  	_ =	task.clear_ibuf [dreg:s9], $0x2FFFF;
	_ =	strace $0x9FFFFFFF  }
0xc7: {  	(tm) =	ssettm $0x7FFFFFFF  }
tec
execute0_lowered:
.L_overlay_start_1:
0x0: {  	(tag) =	ssettag $0x1  }
0x1: {  	s0 =	rddreg [dreg:$0x0]  }
0x2: {  	s1 =	rddreg [dreg:$0x1]  }
0x3: {  	s5 =	rddreg [dreg:$0x2]  }
0x4: {  	s2 =	rddreg [dreg:$0x3]  }
0x5: {  	s3 =	rddreg [dreg:$0x4];
	s6 =	srdreg.scid  }
0x6: {  	s4 =	simm.s32 $0x0;
	s29 =	stileid.u32;
	s16 =	simm.s32 $0x5  }
0x7: {  	s30 =	simm.s32 $0x9500;
	[smem:$0x7FF] =	sst s4;
	s5 =	sadd.s32 $0x400, s5  }
0x8: {  	s20 =	sadd.s32 $0x100000, s3;
	_ =	strace $0x80000047;
	[dreg:$0x6] =	wrdreg s5  }
0x9: {  	s9 =	sshll.u32 s29, $0x9;
	s12 =	sshll.u32 s29, $0x7;
	[dreg:$0xe] =	wrdreg s20  }
0xa: {  	s14 =	sshll.u32 s29, $0x10;
	s0 =	sadd.s32 s0, s12;
	[dreg:$0x7] =	wrdreg s9  }
0xb: {  	s31 =	simm.s32 $0x600;
	s11 =	sadd.s32 s14, s3;
	[dreg:$0x9] =	wrdreg s0  }
0xc: {  	s13 =	sshll.u32 s29, $0xE;
	s12 =	sadd.s32 $0x800, s2;
	[dreg:$0xa] =	wrdreg s11  }
0xd: {  	s15 =	sand.u32 $0x30000, s13;
	s13 =	sadd.s32 $0x1000, s2;
	[dreg:$0x10] =	wrdreg s12  }
0xe: {  	s6 =	sand.u32 $0x1, s6;
	s14 =	sadd.s32 $0x1800, s2;
	[dreg:$0x11] =	wrdreg s13  }
0xf: {  	p0 =	sne.s32 s29, $0x0;
	s10 =	sshll.u32 s6, $0x11;
	[dreg:$0x12] =	wrdreg s14  }
0x10: {  	s7 =	ssub.s32 $0x2, s6;
	s6 =	sadd.s32 $0x4000, s11;
	[dreg:$0x8] =	wrdreg s10  }
0x11: {  	s5 =	simm.s32 $0x1;
	s18 =	sadd.s32 $0x8000, s11;
	[dreg:$0xb] =	wrdreg s6  }
0x12: {  	s17 =	sor.u32 s9, s10;
	s11 =	sadd.s32 $0xC000, s11;
	[dreg:$0xc] =	wrdreg s18  }
0x13: {  	s8 =	sshrl.u32 s7, $0x1;
	[dreg:$0xd] =	wrdreg s11;
	s24 =	sor.u32 $0x4000, s17  }
0x14: {  	s19 =	sshll.u32 s17, $0x4;
	s0 =	sor.u32 $0x6000, s17;
	[dreg:$0x17] =	wrdreg s24  }
0x15: {  	v1 =	vmov s10;
	s10 =	simm.s32 $0xD80;
	s12 =	sadd.s32 s19, s12;
	[dreg:$0x18] =	wrdreg s0  }
0x16: {  	s7 =	ssub.s32 s7, s8;
	s22 =	sadd.s32 s19, s13;
	[dreg:$0x13] =	wrdreg s12  }
0x17: {  	s8 =	simm.s32 $0xB00;
	s6 =	sadd.s32 s19, s14;
	[dreg:$0x14] =	wrdreg s22  }
0x18: {  	s11 =	simm.s32 $0x4;
	s25 =	smax.u32 s7, $0x1;
	[dreg:$0x15] =	wrdreg s6  }
0x19: {  	s18 =	simm.s32 $0x1280;
	s21 =	sadd.s32 s2, s19;
	[dreg:$0x19] =	wrdreg s25  }
.Ltmp0:
0x1a: {  	s23 =	sadd.s32 $0x20000, s21;
	[dreg:$0xf] =	wrdreg s21;
	(pc) =	sbr.rel .LBB2_1-.Ltmp0, $4  }
0x1b: {  	s0 =	simm.s32 $0x880;
	s26 =	sadd.s32 $0x20800, s21;
	[dreg:$0x16] =	wrdreg s23  }
0x1c: {  	v3 =	vimm.s32 $0x0;
	s13 =	simm.s32 $0x1000;
	s28 =	sadd.s32 $0x21000, s21;
	[dreg:$0x1a] =	wrdreg s26  }
0x1d: {  	v4 =	vlaneseq.u32;
	v5 =	vimm.s32 $0xFFFFFFFF;
	v6 =	vimm.s32 $0x2000;
	s19 =	simm.s32 $0x2;
	s29 =	sadd.s32 $0x21800, s21;
	[dreg:$0x1b] =	wrdreg s28  }
0x1e: {  	vm0 =	vmmov $0xffff;
	v2 =	vmov s9;
	v0 =	vmov s15;
	s7 =	simm.s32 $0x0;
	s12 =	simm.s32 $0x3;
	[dreg:$0x1c] =	wrdreg s29  }
.LBB2_147:
0x1f: {  	s7 =	rddreg [dreg:$0x1d]  }
0x20: {  	s6 =	rddreg [dreg:$0x19];
	s7 =	sadd.s32 $0x1, s7  }
0x21: {  	p1 =	sne.s32 s7, s6  }
.Ltmp1:
0x22: {  	_ = 	snop;
	(pc) =	sbr.rel @!p1 .LBB2_148-.Ltmp1, $3  }
0x23: {  	_ =	sdelay $0x1  }
0x24: {  	[bflag:$0x0] =	sbarrier.arrive $0xFFFF  }
0x25: {  	s16 =	simm.s32 $0x5  }
.LBB2_1:
0x26: {  	[dreg:$0x1d] =	wrdreg s7  }
0x27: {  	s6 =	rddreg [dreg:$0x9]  }
0x28: {  	[tilespmem:s4], [sflag:$0x5] =	stream.linear.gather [hbm4b:s6+s4], $0x400, $0x38;
	[tilespmem:$0x1D580] =	vst v63  }
0x29: {  	_ =	swait.ge [sflag:s16], $0x400  }
0x2a: {  	[sflag:s16] =	ssyncset.done $0x0  }
0x2b: {  	s26 =	rddreg [dreg:$0x6];
	[sflag:s16] =	ssyncadd.s32 $0xFFFFFC00  }
0x2c: {  	[tilespmem:s30], [sflag:$0x5] =	stream.linear.gather [hbm4b:s26+s4], $0x4000, $0x38;
	[tilespmem:$0x1D580] =	vst v63  }
0x2d: {  	_ =	swait.ge [sflag:s16], $0x4000  }
0x2e: {  	s28 =	sand.u32 $0x70, s4;
	s29 =	sand.u32 $0x300, s4;
	[sflag:s16] =	ssyncset.done $0x0  }
0x2f: {  	s6 =	sor.u32 s28, s29;
	[sflag:s16] =	ssyncadd.s32 $0xFFFFC000  }
0x30: {  	v7 =	vld [tilespmem:s6+$0x0];
	_ =	sdelay $0x1  }
0x31: {  	v8 =	vld [tilespmem:s6+$0x80];
	_ =	sdelay $0x2  }
0x32: {  	s9 =	simm.s32 $0x10;
	v7 =	vshll.u32 v7, $0x8  }
0x33: {  	s7 =	simm.s32 $0x20;
	s14 =	sand.u32 $0x70, s9;
	v7 =	vadd.s32 v0, v7  }
0x34: {  	s15 =	sand.u32 $0x300, s7;
	s9 =	simm.s32 $0x20;
	s6 =	simm.s32 $0x400;
	v7 =	vadd.s32 v8, v7  }
.LBB2_2:
0x35: {  	p1 =	sne.s32 s9, $0x1F0;
	s14 =	sor.u32 s14, s15;
	[tilespmem:s6+$0x0] =	vst v7  }
0x36: {  	v7 =	vld [tilespmem:s14+$0x0];
	_ =	sdelay $0x1  }
0x37: {  	v8 =	vld [tilespmem:s14+$0x80]  }
.Ltmp2:
0x38: {  	(pc) =	sbr.rel @p1 .LBB2_2-.Ltmp2, $4  }
0x39: {  	_ = 	snop  }
0x3a: {  	v7 =	vshll.u32 v7, $0x8  }
0x3b: {  	s7 =	sadd.s32 $0x20, s7;
	s6 =	sadd.s32 $0x10, s6;
	v7 =	vadd.s32 v0, v7  }
0x3c: {  	s15 =	sand.u32 $0x300, s7;
	s14 =	sand.u32 $0x70, s9;
	s9 =	sadd.s32 $0x10, s9;
	v7 =	vadd.s32 v8, v7  }
0x3d: {  	s7 =	sor.u32 s14, s15;
	[tilespmem:s6+$0x0] =	vst v7  }
0x3e: {  	v7 =	vld [tilespmem:s7+$0x0];
	_ =	sdelay $0x1  }
0x3f: {  	v8 =	vld [tilespmem:s7+$0x80];
	_ =	sdelay $0x2  }
0x40: {  	v7 =	vshll.u32 v7, $0x8  }
0x41: {  	v7 =	vadd.s32 v0, v7  }
0x42: {  	s28 =	sadd.s32 $0x10, s6;
	v7 =	vadd.s32 v8, v7  }
0x43: {  	s29 =	simm.s32 $0x0;
	[tilespmem:s28+$0x0] =	vst v7  }
0x44: {  	v7 =	vld [tilespmem:s29+$0x400];
	_ =	sdelay $0x4  }
0x45: {  	v7 =	vsub.s32 v7, v1  }
0x46: {  	vm1 =	vlt.u32 v7, $0x20000  }
0x47: {  	v8 =	vsel vm1, $0x1, v3  }
0x48: {  	(xrf0) =	vadd.scan.msk.s32 $0xffff, v8;
	_ =	sdelay $0x1  }
0x49: {  	s6 =	simm.s32 $0x0  }
0x4a: {  	v8 =	vmov s6  }
0x4b: {  	v8 =	vadd.s32 $0xFFFFFFFF, v8  }
0x4c: {  	v8 =	vbroadcast v8, $0x0  }
0x4d: {  	v9, _, _ =	vpop (xrf0)  }
0x4e: {  	v8 =	vadd.s32 v9, v8;
	(v2sf) =	vpush v9, $0xF;
	_ =	sdelay $0x3  }
0x4f: {  	s7 =	rddreg [dreg:$0x7]  }
0x50: {  	[tilespmem:v8+s31+$0x0] =	vst.idx.msk vm1, v7;
	v7 =	vor.u32 s7, v4  }
0x51: {  	s14 =	simm.s32 $0x10;
	s9 =	simm.s32 $0x80;
	[tilespmem:v8+s0+$0x0] =	vst.idx.msk vm1, v7  }
.LBB2_4:
0x52: {  	p1 =	sne.s32 s9, $0x7C0;
	v7 =	vld [tilespmem:s14+$0x400];
	_ =	sdelay $0x4  }
0x53: {  	v7 =	vsub.s32 v7, v1  }
0x54: {  	vm1 =	vlt.u32 v7, $0x20000  }
0x55: {  	v8 =	vsel vm1, $0x1, v3  }
0x56: {  	(xrf0) =	vadd.scan.msk.s32 $0xffff, v8;
	s14 =	spop (v2sf)  }
0x57: {  	s6 =	sadd.s32 s6, s14  }
0x58: {  	v8 =	vmov s6  }
0x59: {  	v8 =	vadd.s32 $0xFFFFFFFF, v8  }
0x5a: {  	v8 =	vbroadcast v8, $0x0;
	_ =	sdelay $0x1  }
0x5b: {  	v9, _, _ =	vpop (xrf0)  }
0x5c: {  	v8 =	vadd.s32 v9, v8;
	(v2sf) =	vpush v9, $0xF;
	_ =	sdelay $0x1  }
.Ltmp3:
0x5d: {  	(pc) =	sbr.rel @p1 .LBB2_4-.Ltmp3, $4  }
0x5e: {  	_ = 	snop  }
0x5f: {  	s7 =	sadd.s32 $0x10, s7  }
0x60: {  	[tilespmem:v8+s31+$0x0] =	vst.idx.msk vm1, v7;
	v7 =	vor.u32 s7, v4  }
0x61: {  	s14 =	sshra.s32 s9, $0x2;
	s9 =	sadd.s32 $0x40, s9;
	[tilespmem:v8+s0+$0x0] =	vst.idx.msk vm1, v7  }
0x62: {  	v7 =	vld [tilespmem:s14+$0x400];
	_ =	sdelay $0x4  }
0x63: {  	v7 =	vsub.s32 v7, v1  }
0x64: {  	vm1 =	vlt.u32 v7, $0x20000  }
0x65: {  	v8 =	vsel vm1, $0x1, v3  }
0x66: {  	(xrf0) =	vadd.scan.msk.s32 $0xffff, v8;
	_ =	sdelay $0x5  }
0x67: {  	v8, _, _ =	vpop (xrf0)  }
0x68: {  	(v2sf) =	vpush v8, $0xF;
	_ =	sdelay $0x3  }
0x69: {  	s9 =	spop (v2sf)  }
0x6a: {  	s6 =	sadd.s32 s6, s9  }
0x6b: {  	v9 =	vmov s6  }
0x6c: {  	v9 =	vadd.s32 $0xFFFFFFFF, v9  }
0x6d: {  	v9 =	vbroadcast v9, $0x0;
	_ =	sdelay $0x1  }
0x6e: {  	v8 =	vadd.s32 v8, v9;
	_ =	sdelay $0x3  }
0x6f: {  	s7 =	sadd.s32 $0x10, s7  }
0x70: {  	[tilespmem:v8+s31+$0x0] =	vst.idx.msk vm1, v7;
	v7 =	vor.u32 s7, v4;
	s26 =	spop (v2sf)  }
0x71: {  	[tilespmem:v8+s0+$0x0] =	vst.idx.msk vm1, v7;
	s6 =	sadd.s32 s6, s26  }
0x72: {  	[tilespmem:s6+$0x600] =	vst v5  }
0x73: {  	s29 =	rddreg [dreg:$0xa];
	[tilespmem:s6+$0x880] =	vst v2  }
0x74: {  	[spmem:s29] =	stream.linear.scatter [tilespmem:s30], [sflag:$0x5], $0x4000, $0x38;
	[tilespmem:$0x1D580] =	vst v63  }
0x75: {  	_ =	swait.ge [sflag:s16], $0x4000  }
0x76: {  	[sflag:s16] =	ssyncset.done $0x0  }
0x77: {  	s9 =	rddreg [dreg:$0xb];
	[sflag:s16] =	ssyncadd.s32 $0xFFFFC000  }
0x78: {  	[spmem:s9] =	stream.linear.scatter [tilespmem:s30], [sflag:$0x5], $0x4000, $0x38;
	[tilespmem:$0x1D580] =	vst v63  }
0x79: {  	_ =	swait.ge [sflag:s16], $0x4000  }
0x7a: {  	[sflag:s16] =	ssyncset.done $0x0  }
0x7b: {  	s14 =	rddreg [dreg:$0xc];
	[sflag:s16] =	ssyncadd.s32 $0xFFFFC000  }
0x7c: {  	[spmem:s14] =	stream.linear.scatter [tilespmem:s30], [sflag:$0x5], $0x4000, $0x38;
	[tilespmem:$0x1D580] =	vst v63  }
0x7d: {  	_ =	swait.ge [sflag:s16], $0x4000  }
0x7e: {  	[sflag:s16] =	ssyncset.done $0x0  }
0x7f: {  	s15 =	rddreg [dreg:$0xd];
	[sflag:s16] =	ssyncadd.s32 $0xFFFFC000  }
0x80: {  	[spmem:s15] =	stream.linear.scatter [tilespmem:s30], [sflag:$0x5], $0x4000, $0x38;
	[tilespmem:$0x1D580] =	vst v63  }
0x81: {  	_ =	swait.ge [sflag:s16], $0x4000  }
0x82: {  	[sflag:s16] =	ssyncset.done $0x0  }
0x83: {  	s7 =	simm.s32 @!p0 $0x9500;
	s9 =	rddreg [dreg:$0xe];
	[sflag:s16] =	ssyncadd.s32 $0xFFFFC000  }
0x84: {  	[spmem:s9] =	stream.linear.scatter @!p0 [tilespmem:s7], [sflag:$0x5], $0x800, $0x38;
	[tilespmem:$0x1D580] =	vst v63  }
0x85: {  	s7 =	simm.s32 @!p0 $0x5  }
0x86: {  	_ =	swait.ge @!p0 [sflag:s7], $0x800  }
0x87: {  	[sflag:s7] =	ssyncset.done @!p0 $0x0  }
0x88: {  	[sflag:s7] =	ssyncadd.s32 @!p0 $0xFFFFF800  }
0x89: {  	[bflag:$0x0] =	sbarrier.arrive $0xFFFF  }
0x8a: {  	s6 =	sadd.s32 $0xF, s6;
	s16 =	rddreg [dreg:$0xf]  }
0x8b: {  	s28 =	simm.s32 $0x0;
	s21 =	sand.u32 $0xF, s6;
	s17 =	rddreg [dreg:$0x13]  }
0x8c: {  	[hbm4b:s16+s28] =	stream.linear.scatter [tilespmem:s30], [sflag:$0x1], $0x4000, $0x38;
	[tilespmem:$0x1D580] =	vst v63  }
0x8d: {  	p2 =	slt.s32 s6, $0x1;
	p1 =	sne.s32 s21, $0x0;
	s20 =	rddreg [dreg:$0x14]  }
0x8e: {  	[hbm4b:s17+s28] =	stream.linear.scatter [tilespmem:s30], [sflag:$0x1], $0x4000, $0x38;
	[tilespmem:$0x1D580] =	vst v63  }
0x8f: {  	s23 =	sshra.s32 s6, $0x1F;
	p1 =	por !p2, !p1;
	s22 =	rddreg [dreg:$0x15]  }
0x90: {  	[hbm4b:s20+s28] =	stream.linear.scatter [tilespmem:s30], [sflag:$0x1], $0x4000, $0x38;
	[tilespmem:$0x1D580] =	vst v63  }
0x91: {  	p1 =	por !p1, !p1;
	s7 =	sshrl.u32 s23, $0x1C;
	s24 =	rddreg [dreg:$0x16]  }
0x92: {  	[hbm4b:s22+s28] =	stream.linear.scatter [tilespmem:s30], [sflag:$0x1], $0x4000, $0x38;
	[tilespmem:$0x1D580] =	vst v63  }
0x93: {  	s6 =	sadd.s32 s7, s6;
	s7 =	simm.s32 $0x1;
	s25 =	rddreg [dreg:$0x1a]  }
0x94: {  	[hbm4b:s24+s28] =	stream.linear.scatter [tilespmem:s30], [sflag:$0x2], $0x4000, $0x38;
	[tilespmem:$0x1D580] =	vst v63  }
0x95: {  	s26 =	rddreg [dreg:$0x1b];
	s6 =	sshra.s32 s6, $0x4;
	s7 =	simm.s32 @!p1 $0x0  }
0x96: {  	[hbm4b:s25+s28] =	stream.linear.scatter [tilespmem:s30], [sflag:$0x2], $0x4000, $0x38;
	[tilespmem:$0x1D580] =	vst v63  }
0x97: {  	s29 =	rddreg [dreg:$0x1c];
	s6 =	ssub.s32 s6, s7  }
0x98: {  	[hbm4b:s26+s28] =	stream.linear.scatter [tilespmem:s30], [sflag:$0x2], $0x4000, $0x38;
	[tilespmem:$0x1D580] =	vst v63  }
0x99: {  	[dreg:$0x1e] =	wrdreg s6;
	p1 =	slt.s32 s6, $0x1;
	s6 =	simm.s32 $0x0  }
0x9a: {  	[hbm4b:s29+s28] =	stream.linear.scatter [tilespmem:s30], [sflag:$0x2], $0x4000, $0x38;
	[tilespmem:$0x1D580] =	vst v63  }
.LBB2_6:
.Ltmp4:
0x9b: {  	(pc) =	sbr.rel @p1 .LBB2_13-.Ltmp4, $2  }
0x9c: {  	_ =	sdelay $0x2  }
0x9d: {  	[dreg:$0x1f] =	wrdreg s6;
	s25 =	sshll.u32 s6, $0xE;
	s7 =	simm.s32 $0x0  }
0x9e: {  	s14 =	rddreg [dreg:$0x1e]  }
0x9f: {  	p3 =	sne.s32 s14, $0x1  }
.Ltmp5:
0xa0: {  	_ = 	snop;
	(pc) =	sbr.rel @!p3 .LBB2_8-.Ltmp5, $3  }
0xa1: {  	_ =	sdelay $0x1  }
0xa2: {  	s6 =	simm.s32 $0x0;
	s7 =	simm.s32 $0x600  }
0xa3: {  	v7 =	vmov s25;
	s9 =	simm.s32 $0x880;
	p2 =	por $0x0, $0x0;
	v8 =	vld [tilespmem:s7+$0x0];
	s7 =	sadd.s32 $0xFFFFFFFF, s14  }
0xa4: {  	_ =	sdelay $0x3  }
0xa5: {  	v8 =	vsub.s32 v8, v7  }
0xa6: {  	vm1 =	vlt.u32 v8, $0x2000  }
0xa7: {  	v9 =	vsel vm1, $0x1, v3  }
0xa8: {  	(xrf0) =	vadd.scan.msk.s32 $0xffff, v9;
	_ =	sdelay $0x2  }
0xa9: {  	v9 =	vmov s6  }
0xaa: {  	v9 =	vadd.s32 $0xFFFFFFFF, v9  }
0xab: {  	v9 =	vbroadcast v9, $0x0  }
0xac: {  	v10, _, _ =	vpop (xrf0)  }
0xad: {  	v9 =	vadd.s32 v10, v9;
	(v2sf) =	vpush v10, $0xF;
	_ =	sdelay $0x4  }
0xae: {  	[tilespmem:v9+s8+$0x0] =	vst.idx.msk vm1, v8  }
0xaf: {  	v8 =	vld [tilespmem:s9+$0x0]  }
0xb0: {  	p3 =	sne.s32 s7, $0x1  }
.Ltmp6:
0xb1: {  	_ = 	snop;
	(pc) =	sbr.rel @!p3 .LBB2_10-.Ltmp6, $3  }
0xb2: {  	_ =	sdelay $0x1  }
0xb3: {  	s15 =	simm.s32 $0x610;
	s20 =	sadd.s32 $0xFFFFFFFF, s7;
	[tilespmem:v9+s10+$0x0] =	vst.idx.msk vm1, v8  }
0xb4: {  	p2 =	por $0x1, $0x1;
	s14 =	simm.s32 $0x0;
	s7 =	simm.s32 $0x880;
	v8 =	vld [tilespmem:s15+$0x0]  }
.LBB2_11:
0xb5: {  	p3 =	sne.s32 s20, $0x1;
	_ =	sdelay $0x1  }
0xb6: {  	s16 =	spop (v2sf)  }
0xb7: {  	s14 =	sadd.s32 s14, s16  }
0xb8: {  	v8 =	vsub.s32 v8, v7;
	v9 =	vmov s14  }
0xb9: {  	vm1 =	vlt.u32 v8, $0x2000;
	v9 =	vadd.s32 $0xFFFFFFFF, v9  }
0xba: {  	v10 =	vsel vm1, $0x1, v3;
	v9 =	vbroadcast v9, $0x0  }
0xbb: {  	(xrf0) =	vadd.scan.msk.s32 $0xffff, v10;
	_ =	sdelay $0x5  }
0xbc: {  	v10, _, _ =	vpop (xrf0)  }
0xbd: {  	v9 =	vadd.s32 v10, v9;
	(v2sf) =	vpush v10, $0xF;
	_ =	sdelay $0x4  }
0xbe: {  	s7 =	sadd.s32 $0x10, s7;
	[tilespmem:v9+s8+$0x0] =	vst.idx.msk vm1, v8  }
0xbf: {  	v8 =	vld [tilespmem:s7+$0x0];
	_ =	sdelay $0x1  }
.Ltmp7:
0xc0: {  	(pc) =	sbr.rel @p3 .LBB2_11-.Ltmp7, $3  }
0xc1: {  	_ =	sdelay $0x1  }
0xc2: {  	s15 =	sadd.s32 $0x10, s15;
	[tilespmem:v9+s10+$0x0] =	vst.idx.msk vm1, v8  }
0xc3: {  	s20 =	sadd.s32 $0xFFFFFFFF, s20;
	v8 =	vld [tilespmem:s15+$0x0]  }
.LBB2_12:
0xc4: {  	_ =	sdelay $0x3  }
0xc5: {  	v7 =	vsub.s32 v8, v7  }
0xc6: {  	vm1 =	vlt.u32 v7, $0x2000  }
0xc7: {  	v8 =	vsel vm1, $0x1, v3  }
0xc8: {  	(xrf0) =	vadd.scan.msk.s32 $0xffff, v8;
	_ =	sdelay $0x4  }
0xc9: {  	s15 =	spop @p2 (v2sf)  }
0xca: {  	s14 =	sadd.s32 @p2 s14, s15;
	v8, _, _ =	vpop (xrf0)  }
0xcb: {  	s6 =	smov.u32 @p2 s14;
	(v2sf) =	vpush v8, $0xF  }
0xcc: {  	v9 =	vmov s6  }
0xcd: {  	v9 =	vadd.s32 $0xFFFFFFFF, v9  }
0xce: {  	v9 =	vbroadcast v9, $0x0;
	_ =	sdelay $0x1  }
0xcf: {  	v8 =	vadd.s32 v8, v9;
	_ =	sdelay $0x3  }
0xd0: {  	s7 =	sadd.s32 @p2 $0x10, s7  }
0xd1: {  	s9 =	smov.u32 @p2 s7;
	[tilespmem:v8+s8+$0x0] =	vst.idx.msk vm1, v7  }
0xd2: {  	v7 =	vld [tilespmem:s9+$0x0];
	_ =	sdelay $0x3  }
0xd3: {  	s29 =	spop (v2sf)  }
0xd4: {  	[tilespmem:v8+s10+$0x0] =	vst.idx.msk vm1, v7;
	s7 =	sadd.s32 s6, s29  }
.LBB2_13:
0xd5: {  	s6 =	sadd.s32 $0xF, s7  }
0xd6: {  	s9 =	sand.u32 $0xF, s6  }
0xd7: {  	s14 =	sshra.s32 s6, $0x1F;
	p2 =	slt.s32 s6, $0x1;
	p3 =	sne.s32 s9, $0x0  }
0xd8: {  	s29 =	sshrl.u32 s14, $0x1C;
	p2 =	por !p2, !p3  }
0xd9: {  	s14 =	simm.s32 $0x1;
	s6 =	sadd.s32 s29, s6;
	p2 =	por !p2, !p2  }
0xda: {  	s9 =	sshra.s32 s6, $0x4;
	s14 =	simm.s32 @!p2 $0x0  }
0xdb: {  	s26 =	ssub.s32 s9, s14  }
0xdc: {  	p3 =	slt.s32 s26, $0x1  }
.Ltmp8:
0xdd: {  	_ = 	snop;
	(pc) =	sbr.rel @p3 .LBB2_20-.Ltmp8, $3  }
0xde: {  	_ =	sdelay $0x1  }
0xdf: {  	[tilespmem:s7+$0xB00] =	vst v6;
	p4 =	slt.s32 s26, $0x10;
	s6 =	smov.u32 s26  }
0xe0: {  	[tilespmem:s7+$0xD80] =	vst v2;
	s6 =	simm.s32 @!p4 $0x10  }
0xe1: {  	p5 =	sne.s32 s6, $0x1  }
.Ltmp9:
0xe2: {  	_ = 	snop;
	(pc) =	sbr.rel @!p5 .LBB2_15-.Ltmp9, $3  }
0xe3: {  	_ =	sdelay $0x1  }
0xe4: {  	s14 =	simm.s32 $0xD80  }
0xe5: {  	s7 =	simm.s32 $0x1500;
	p4 =	por $0x0, $0x0;
	v7 =	vld [tilespmem:s14+$0x0];
	s14 =	sadd.s32 $0xFFFFFFFF, s6  }
0xe6: {  	_ =	sdelay $0x3  }
0xe7: {  	p5 =	sne.s32 s14, $0x1  }
.Ltmp10:
0xe8: {  	_ = 	snop;
	(pc) =	sbr.rel @!p5 .LBB2_17-.Ltmp10, $4  }
0xe9: {  	_ = 	snop  }
0xea: {  	s15 =	simm.s32 $0xD90  }
0xeb: {  	[tilespmem:s7], [sflag:$0x3] =	stream.indirect_vreg.gather [hbm4b:s1+s4], $0x80, v7, vm0, $0xb8;
	[tilespmem:$0x1D580] =	vst v63  }
0xec: {  	s16 =	sadd.s32 $0xFFFFFFFF, s14;
	p4 =	por $0x1, $0x1;
	s14 =	simm.s32 $0x1500;
	v7 =	vld [tilespmem:s15+$0x0]  }
.LBB2_18:
0xed: {  	p5 =	sne.s32 s16, $0x1;
	_ =	sdelay $0x3  }
.Ltmp11:
0xee: {  	(pc) =	sbr.rel @p5 .LBB2_18-.Ltmp11, $4  }
0xef: {  	_ = 	snop  }
0xf0: {  	s15 =	sadd.s32 $0x10, s15;
	s14 =	sadd.s32 $0x800, s14  }
0xf1: {  	[tilespmem:s14], [sflag:$0x3] =	stream.indirect_vreg.gather [hbm4b:s1+s4], $0x80, v7, vm0, $0xb8;
	[tilespmem:$0x1D580] =	vst v63  }
0xf2: {  	s16 =	sadd.s32 $0xFFFFFFFF, s16;
	v7 =	vld [tilespmem:s15+$0x0]  }
.LBB2_19:
0xf3: {  	_ =	sdelay $0x5  }
0xf4: {  	s14 =	sadd.s32 @p4 $0x800, s14  }
0xf5: {  	s7 =	smov.u32 @p4 s14  }
0xf6: {  	[tilespmem:s7], [sflag:$0x3] =	stream.indirect_vreg.gather [hbm4b:s1+s4], $0x80, v7, vm0, $0xb8;
	[tilespmem:$0x1D580] =	vst v63  }
.LBB2_20:
0xf7: {  	s7 =	rddreg [dreg:$0x1f]  }
0xf8: {  	p4 =	seq.s32 s7, $0x0  }
0xf9: {  	s7 =	sadd.s32 @!p4 $0xF, s28  }
0xfa: {  	s14 =	sand.u32 @!p4 $0xF, s7  }
0xfb: {  	p5 =	slt.s32 @!p4 s7, $0x1;
	p6 =	sne.s32 @!p4 s14, $0x0  }
0xfc: {  	s14 =	sshra.s32 @!p4 s7, $0x1F;
	p5 =	por @!p4 !p5, !p6  }
0xfd: {  	s14 =	sshrl.u32 @!p4 s14, $0x1C;
	p5 =	por @!p4 !p5, !p5  }
0xfe: {  	s7 =	sadd.s32 @!p4 s14, s7;
	s14 =	simm.s32 @!p4 $0x1;
	p5 =	por !p5, p4  }
0xff: {  	s7 =	sshra.s32 @!p4 s7, $0x4;
	s14 =	simm.s32 @p5 $0x0  }
0x100: {  	s7 =	ssub.s32 @!p4 s7, s14  }
0x101: {  	p5 =	slt.s32 @!p4 s7, $0x1  }
0x102: {  	p5 =	por p4, p5  }
.Ltmp12:
0x103: {  	_ = 	snop;
	(pc) =	sbr.rel @p5 .LBB2_26-.Ltmp12, $2  }
0x104: {  	_ =	sdelay $0x2  }
0x105: {  	s14 =	simm.s32 @!p4 $0x1000  }
0x106: {  	p4 =	sne.s32 s7, $0x1  }
.Ltmp13:
0x107: {  	_ = 	snop;
	(pc) =	sbr.rel @!p4 .LBB2_23-.Ltmp13, $2  }
0x108: {  	_ =	sdelay $0x2  }
0x109: {  	v7 =	vld [tilespmem:s14+$0x0];
	s15 =	sadd.s32 $0xFFFFFFFF, s7  }
.LBB2_22:
0x10a: {  	p4 =	sne.s32 s15, $0x1;
	_ =	sdelay $0x3  }
.Ltmp14:
0x10b: {  	(pc) =	sbr.rel @p4 .LBB2_22-.Ltmp14, $4  }
0x10c: {  	_ = 	snop  }
0x10d: {  	s14 =	sadd.s32 $0x10, s14  }
0x10e: {  	[spmem:s3] =	stream.indirect_vreg.scatter [tilespmem:s30], [sflag:$0x4], $0x80, v7, vm0, $0xb8;
	[tilespmem:$0x1D580] =	vst v63  }
0x10f: {  	s15 =	sadd.s32 $0xFFFFFFFF, s15;
	v7 =	vld [tilespmem:s14+$0x0]  }
.LBB2_23:
0x110: {  	_ =	sdelay $0x4  }
0x111: {  	p4 =	sne.s32 s7, $0x1  }
.Ltmp15:
0x112: {  	_ = 	snop;
	(pc) =	sbr.rel @!p4 .LBB2_25-.Ltmp15, $4  }
0x113: {  	_ = 	snop  }
0x114: {  	[spmem:s3] =	stream.indirect_vreg.scatter [tilespmem:s30], [sflag:$0x4], $0x80, v7, vm0, $0xb8;
	[tilespmem:$0x1D580] =	vst v63  }
0x115: {  	_ =	swait.ge [sflag:s11], $0x800  }
0x116: {  	s7 =	sadd.s32 $0xFFFFFFFF, s7;
	[sflag:s11] =	ssyncset.done $0x0  }
.LBB2_24:
0x117: {  	p4 =	sne.s32 s7, $0x1;
	s7 =	sadd.s32 $0xFFFFFFFF, s7;
	[sflag:s11] =	ssyncadd.s32 $0xFFFFF800  }
.Ltmp16:
0x118: {  	(pc) =	sbr.rel @p4 .LBB2_24-.Ltmp16, $3  }
0x119: {  	_ =	sdelay $0x1  }
0x11a: {  	_ =	swait.ge [sflag:s11], $0x800  }
0x11b: {  	[sflag:s11] =	ssyncset.done $0x0  }
.LBB2_25:
0x11c: {  	[sflag:s11] =	ssyncadd.s32 $0xFFFFF800  }
.LBB2_26:
.Ltmp17:
0x11d: {  	(pc) =	sbr.rel @p3 .LBB2_37-.Ltmp17, $2  }
0x11e: {  	_ =	sdelay $0x1  }
0x11f: {  	[bflag:$0x0] =	sbarrier.arrive $0xFFFF;
	_ =	sdelay $0x1  }
0x120: {  	s7 =	simm.s32 $0xFFFFFFFF  }
0x121: {  	s14 =	smov.u32 s6;
	s7 =	simm.s32 @!p2 $0x0  }
.LBB2_28:
0x122: {  	p2 =	sne.s32 s14, $0x1  }
.Ltmp18:
0x123: {  	_ = 	snop;
	(pc) =	sbr.rel @p2 .LBB2_28-.Ltmp18, $4  }
0x124: {  	_ = 	snop  }
0x125: {  	_ =	swait.ge [sflag:s12], $0x800  }
0x126: {  	[sflag:s12] =	ssyncset.done $0x0  }
0x127: {  	s14 =	sadd.s32 $0xFFFFFFFF, s14;
	[sflag:s12] =	ssyncadd.s32 $0xFFFFF800  }
0x128: {  	p2 =	sne.s32 s6, $0x1  }
.Ltmp19:
0x129: {  	_ = 	snop;
	(pc) =	sbr.rel @!p2 .LBB2_30-.Ltmp19, $3  }
0x12a: {  	_ =	sdelay $0x1  }
0x12b: {  	s15 =	simm.s32 $0xB00  }
0x12c: {  	s14 =	simm.s32 $0x1500;
	s6 =	sadd.s32 $0xFFFFFFFF, s6;
	p3 =	por $0x0, $0x0;
	v7 =	vld [tilespmem:s15+$0x0]  }
0x12d: {  	_ =	sdelay $0x3  }
0x12e: {  	p4 =	sne.s32 s6, $0x1  }
.Ltmp20:
0x12f: {  	_ = 	snop;
	(pc) =	sbr.rel @!p4 .LBB2_32-.Ltmp20, $4  }
0x130: {  	_ = 	snop  }
0x131: {  	s16 =	simm.s32 $0xB10  }
0x132: {  	[spmem:s3] =	stream.indirect_vreg.scatter.add.f32 [tilespmem:s14], [sflag:$0x3], $0x80, v7, vm0, $0xb8;
	[tilespmem:$0x1D580] =	vst v63  }
0x133: {  	s17 =	sadd.s32 $0xFFFFFFFF, s6;
	p3 =	por $0x1, $0x1;
	s15 =	simm.s32 $0x1500;
	v7 =	vld [tilespmem:s16+$0x0]  }
.LBB2_33:
0x134: {  	p4 =	sne.s32 s17, $0x1;
	_ =	sdelay $0x3  }
.Ltmp21:
0x135: {  	(pc) =	sbr.rel @p4 .LBB2_33-.Ltmp21, $4  }
0x136: {  	_ = 	snop  }
0x137: {  	s16 =	sadd.s32 $0x10, s16;
	s15 =	sadd.s32 $0x800, s15  }
0x138: {  	[spmem:s3] =	stream.indirect_vreg.scatter.add.f32 [tilespmem:s15], [sflag:$0x3], $0x80, v7, vm0, $0xb8;
	[tilespmem:$0x1D580] =	vst v63  }
0x139: {  	s17 =	sadd.s32 $0xFFFFFFFF, s17;
	v7 =	vld [tilespmem:s16+$0x0]  }
.LBB2_34:
0x13a: {  	_ =	sdelay $0x5  }
.Ltmp22:
0x13b: {  	s15 =	sadd.s32 @p3 $0x800, s15;
	(pc) =	sbr.rel @!p2 .LBB2_36-.Ltmp22, $4  }
0x13c: {  	s14 =	smov.u32 @p3 s15  }
0x13d: {  	[spmem:s3] =	stream.indirect_vreg.scatter.add.f32 [tilespmem:s14], [sflag:$0x3], $0x80, v7, vm0, $0xb8;
	[tilespmem:$0x1D580] =	vst v63  }
0x13e: {  	_ =	swait.ge [sflag:s12], $0x800  }
0x13f: {  	[sflag:s12] =	ssyncset.done $0x0  }
.LBB2_35:
0x140: {  	p2 =	sne.s32 s6, $0x1;
	s6 =	sadd.s32 $0xFFFFFFFF, s6;
	[sflag:s12] =	ssyncadd.s32 $0xFFFFF800  }
.Ltmp23:
0x141: {  	(pc) =	sbr.rel @p2 .LBB2_35-.Ltmp23, $3  }
0x142: {  	_ =	sdelay $0x1  }
0x143: {  	_ =	swait.ge [sflag:s12], $0x800  }
0x144: {  	[sflag:s12] =	ssyncset.done $0x0  }
.LBB2_36:
0x145: {  	p2 =	sgt.u32 s26, $0x10  }
.Ltmp24:
0x146: {  	_ = 	snop;
	(pc) =	sbr.rel @!p2 .LBB2_37-.Ltmp24, $2  }
0x147: {  	_ =	sdelay $0x2  }
0x148: {  	[sflag:s12] =	ssyncadd.s32 $0xFFFFF800  }
.Ltmp25:
0x149: {  	(pc) =	sbr.rel .LBB2_39-.Ltmp25, $4  }
0x14a: {  	_ = 	snop  }
0x14b: {  	s6 =	sadd.s32 $0xF, s26  }
0x14c: {  	s7 =	sadd.s32 s7, s9;
	s20 =	simm.s32 $0x1;
	s28 =	simm.s32 $0xE80  }
0x14d: {  	s23 =	simm.s32 $0xC00;
	s9 =	sshrl.u32 s6, $0x4;
	s14 =	sadd.s32 $0xFFFFFFF0, s7  }
.LBB2_54:
0x14e: {  	[sflag:s12] =	ssyncadd.s32 $0xFFFFF800  }
.LBB2_55:
0x14f: {  	s20 =	sadd.s32 $0x1, s20  }
0x150: {  	p2 =	sne.s32 s20, s9  }
.Ltmp26:
0x151: {  	_ = 	snop;
	(pc) =	sbr.rel @!p2 .LBB2_56-.Ltmp26, $2  }
0x152: {  	_ =	sdelay $0x2  }
0x153: {  	s14 =	sadd.s32 $0xFFFFFFF0, s14;
	s28 =	sadd.s32 $0x100, s28;
	s23 =	sadd.s32 $0x100, s23  }
.LBB2_39:
0x154: {  	s7 =	sshll.u32 s20, $0x4  }
0x155: {  	s7 =	ssub.s32 s26, s7  }
0x156: {  	p2 =	slt.s32 s7, $0x1  }
.Ltmp27:
0x157: {  	_ = 	snop;
	(pc) =	sbr.rel @p2 .LBB2_55-.Ltmp27, $1  }
0x158: {  	_ =	sdelay $0x3  }
0x159: {  	p2 =	sgt.s32 s14, $0x1;
	s7 =	smov.u32 s14  }
0x15a: {  	s7 =	simm.s32 @!p2 $0x1  }
0x15b: {  	s7 =	smin.u32 s7, $0x10  }
0x15c: {  	s16 =	sshll.u32 s7, $0xD  }
0x15d: {  	p2 =	sne.s32 s16, $0x2000  }
.Ltmp28:
0x15e: {  	_ = 	snop;
	(pc) =	sbr.rel @!p2 .LBB2_41-.Ltmp28, $3  }
0x15f: {  	_ =	sdelay $0x1  }
0x160: {  	s15 =	simm.s32 $0x1500  }
0x161: {  	v7 =	vld [tilespmem:s28+$0x0];
	p3 =	por $0x0, $0x0;
	s22 =	ssub.s32 $0x0, s7;
	s7 =	sadd.s32 $0xFFFFE000, s16  }
0x162: {  	_ =	sdelay $0x3  }
0x163: {  	p4 =	sne.s32 s7, $0x2000  }
.Ltmp29:
0x164: {  	_ = 	snop;
	(pc) =	sbr.rel @!p4 .LBB2_43-.Ltmp29, $4  }
0x165: {  	_ = 	snop  }
0x166: {  	s17 =	sadd.s32 $0x10, s28  }
0x167: {  	[tilespmem:s15], [sflag:$0x3] =	stream.indirect_vreg.gather [hbm4b:s1+s4], $0x80, v7, vm0, $0xb8;
	[tilespmem:$0x1D580] =	vst v63  }
0x168: {  	s21 =	sadd.s32 $0xFFFFE000, s7;
	p3 =	por $0x1, $0x1;
	s16 =	simm.s32 $0x1500;
	v7 =	vld [tilespmem:s17+$0x0]  }
.LBB2_44:
0x169: {  	p4 =	sne.s32 s21, $0x2000;
	_ =	sdelay $0x3  }
.Ltmp30:
0x16a: {  	(pc) =	sbr.rel @p4 .LBB2_44-.Ltmp30, $4  }
0x16b: {  	_ = 	snop  }
0x16c: {  	s17 =	sadd.s32 $0x10, s17;
	s16 =	sadd.s32 $0x800, s16  }
0x16d: {  	[tilespmem:s16], [sflag:$0x3] =	stream.indirect_vreg.gather [hbm4b:s1+s4], $0x80, v7, vm0, $0xb8;
	[tilespmem:$0x1D580] =	vst v63  }
0x16e: {  	s21 =	sadd.s32 $0xFFFFE000, s21;
	v7 =	vld [tilespmem:s17+$0x0]  }
.LBB2_45:
0x16f: {  	_ =	sdelay $0x5  }
0x170: {  	s16 =	sadd.s32 @p3 $0x800, s16  }
0x171: {  	s15 =	smov.u32 @p3 s16  }
0x172: {  	[tilespmem:s15], [sflag:$0x3] =	stream.indirect_vreg.gather [hbm4b:s1+s4], $0x80, v7, vm0, $0xb8;
	[tilespmem:$0x1D580] =	vst v63  }
0x173: {  	s15 =	smov.u32 s22  }
.LBB2_46:
0x174: {  	s15 =	sadd.s32 $0x1, s15  }
0x175: {  	p3 =	seq.s32 s15, $0x0  }
.Ltmp31:
0x176: {  	_ = 	snop;
	(pc) =	sbr.rel @!p3 .LBB2_46-.Ltmp31, $4  }
0x177: {  	_ = 	snop  }
0x178: {  	_ =	swait.ge [sflag:s12], $0x800  }
0x179: {  	[sflag:s12] =	ssyncset.done $0x0  }
0x17a: {  	[sflag:s12] =	ssyncadd.s32 $0xFFFFF800  }
.Ltmp32:
0x17b: {  	(pc) =	sbr.rel @!p2 .LBB2_48-.Ltmp32, $2  }
0x17c: {  	_ =	sdelay $0x2  }
0x17d: {  	s15 =	simm.s32 $0x1500;
	v7 =	vld [tilespmem:s23+$0x0];
	p3 =	por $0x0, $0x0  }
0x17e: {  	_ =	sdelay $0x3  }
0x17f: {  	p2 =	sne.s32 s7, $0x2000  }
.Ltmp33:
0x180: {  	_ = 	snop;
	(pc) =	sbr.rel @!p2 .LBB2_50-.Ltmp33, $4  }
0x181: {  	_ = 	snop  }
0x182: {  	s16 =	sadd.s32 $0x10, s23  }
0x183: {  	[spmem:s3] =	stream.indirect_vreg.scatter.add.f32 [tilespmem:s15], [sflag:$0x3], $0x80, v7, vm0, $0xb8;
	[tilespmem:$0x1D580] =	vst v63  }
0x184: {  	s17 =	sadd.s32 $0xFFFFE000, s7;
	p3 =	por $0x1, $0x1;
	s7 =	simm.s32 $0x1500;
	v7 =	vld [tilespmem:s16+$0x0]  }
.LBB2_51:
0x185: {  	p2 =	sne.s32 s17, $0x2000;
	_ =	sdelay $0x3  }
.Ltmp34:
0x186: {  	(pc) =	sbr.rel @p2 .LBB2_51-.Ltmp34, $4  }
0x187: {  	_ = 	snop  }
0x188: {  	s16 =	sadd.s32 $0x10, s16;
	s7 =	sadd.s32 $0x800, s7  }
0x189: {  	[spmem:s3] =	stream.indirect_vreg.scatter.add.f32 [tilespmem:s7], [sflag:$0x3], $0x80, v7, vm0, $0xb8;
	[tilespmem:$0x1D580] =	vst v63  }
0x18a: {  	s17 =	sadd.s32 $0xFFFFE000, s17;
	v7 =	vld [tilespmem:s16+$0x0]  }
.LBB2_52:
0x18b: {  	_ =	sdelay $0x2  }
0x18c: {  	s7 =	sadd.s32 @p3 $0x800, s7  }
0x18d: {  	s15 =	smov.u32 @p3 s7;
	s7 =	sadd.s32 $0x1, s22  }
0x18e: {  	p2 =	seq.s32 s7, $0x0  }
.Ltmp35:
0x18f: {  	_ = 	snop;
	(pc) =	sbr.rel @p2 .LBB2_54-.Ltmp35, $4  }
0x190: {  	_ = 	snop  }
0x191: {  	[spmem:s3] =	stream.indirect_vreg.scatter.add.f32 [tilespmem:s15], [sflag:$0x3], $0x80, v7, vm0, $0xb8;
	[tilespmem:$0x1D580] =	vst v63  }
0x192: {  	_ =	swait.ge [sflag:s12], $0x800  }
0x193: {  	[sflag:s12] =	ssyncset.done $0x0  }
.LBB2_53:
0x194: {  	s7 =	sadd.s32 $0x1, s7  }
0x195: {  	[sflag:s12] =	ssyncadd.s32 $0xFFFFF800;
	p2 =	seq.s32 s7, $0x0  }
.Ltmp36:
0x196: {  	(pc) =	sbr.rel @!p2 .LBB2_53-.Ltmp36, $3  }
0x197: {  	_ =	sdelay $0x1  }
0x198: {  	_ =	swait.ge [sflag:s12], $0x800  }
0x199: {  	[sflag:s12] =	ssyncset.done $0x0  }
.Ltmp37:
0x19a: {  	_ = 	snop;
	(pc) =	sbr.rel .LBB2_54-.Ltmp37, $1  }
0x19b: {  	_ =	sdelay $0x3  }
.LBB2_41:
.Ltmp38:
0x19c: {  	(pc) =	sbr.rel .LBB2_45-.Ltmp38, $2  }
0x19d: {  	_ =	sdelay $0x2  }
0x19e: {  	s16 =	simm.s32 $0x1500  }
.LBB2_48:
.Ltmp39:
0x19f: {  	(pc) =	sbr.rel .LBB2_52-.Ltmp39, $2  }
0x1a0: {  	_ =	sdelay $0x2  }
0x1a1: {  	s7 =	simm.s32 $0x1500  }
.LBB2_43:
.Ltmp40:
0x1a2: {  	(pc) =	sbr.rel .LBB2_45-.Ltmp40, $2  }
0x1a3: {  	_ =	sdelay $0x2  }
0x1a4: {  	s16 =	simm.s32 $0x1500  }
.LBB2_50:
.Ltmp41:
0x1a5: {  	(pc) =	sbr.rel .LBB2_52-.Ltmp41, $2  }
0x1a6: {  	_ =	sdelay $0x2  }
0x1a7: {  	s7 =	simm.s32 $0x1500  }
.LBB2_37:
0x1a8: {  	s6 =	sadd.s32 $0xF, s26  }
.LBB2_56:
0x1a9: {  	_ =	swait.ge [sflag:s5], $0x4000  }
0x1aa: {  	s7 =	sand.u32 $0xF, s6;
	[sflag:s5] =	ssyncset.done $0x0  }
0x1ab: {  	s28 =	sshra.s32 s6, $0x1F;
	p3 =	slt.s32 s26, $0xFFFFFFF2;
	[sflag:s5] =	ssyncadd.s32 $0xFFFFC000  }
0x1ac: {  	p2 =	sne.s32 s7, $0x0;
	s7 =	sshrl.u32 s28, $0x1C;
	_ =	swait.ge [sflag:s5], $0x4000  }
0x1ad: {  	p2 =	por !p3, !p2;
	s29 =	sadd.s32 s7, s6;
	[sflag:s5] =	ssyncset.done $0x0  }
0x1ae: {  	s7 =	simm.s32 $0x1;
	p2 =	por !p2, !p2;
	[sflag:s5] =	ssyncadd.s32 $0xFFFFC000  }
0x1af: {  	s6 =	sshra.s32 s29, $0x4;
	s7 =	simm.s32 @!p2 $0x0;
	_ =	swait.ge [sflag:s5], $0x4000  }
0x1b0: {  	s6 =	ssub.s32 s6, s7;
	[sflag:s5] =	ssyncset.done $0x0  }
0x1b1: {  	p2 =	slt.s32 s6, $0x1;
	[sflag:s5] =	ssyncadd.s32 $0xFFFFC000  }
.Ltmp42:
0x1b2: {  	_ =	swait.ge [sflag:s5], $0x4000;
	(pc) =	sbr.rel @p2 .LBB2_75-.Ltmp42, $3  }
0x1b3: {  	[sflag:s5] =	ssyncset.done $0x0  }
0x1b4: {  	[sflag:s5] =	ssyncadd.s32 $0xFFFFC000  }
0x1b5: {  	[bflag:$0x0] =	sbarrier.arrive $0xFFFF;
	_ =	sdelay $0x1  }
.Ltmp43:
0x1b6: {  	(pc) =	sbr.rel .LBB2_58-.Ltmp43, $4  }
0x1b7: {  	_ = 	snop  }
0x1b8: {  	s7 =	rddreg [dreg:$0x8]  }
0x1b9: {  	s7 =	sor.u32 s7, s25  }
0x1ba: {  	s9 =	simm.s32 $0x0;
	s14 =	simm.s32 $0xB00;
	s28 =	smov.u32 s26;
	v7 =	vmov s7  }
.LBB2_73:
0x1bb: {  	[sflag:s12] =	ssyncadd.s32 $0xFFFFF800  }
.LBB2_74:
0x1bc: {  	s9 =	sadd.s32 $0x1, s9  }
0x1bd: {  	p2 =	sne.s32 s9, s6  }
.Ltmp44:
0x1be: {  	_ = 	snop;
	(pc) =	sbr.rel @!p2 .LBB2_75-.Ltmp44, $2  }
0x1bf: {  	_ =	sdelay $0x2  }
0x1c0: {  	s28 =	sadd.s32 $0xFFFFFFF0, s28;
	s14 =	sadd.s32 $0x100, s14  }
.LBB2_58:
0x1c1: {  	s7 =	sshll.u32 s9, $0x4  }
0x1c2: {  	p2 =	sle.s32 s26, s7  }
.Ltmp45:
0x1c3: {  	_ = 	snop;
	(pc) =	sbr.rel @p2 .LBB2_74-.Ltmp45, $1  }
0x1c4: {  	_ =	sdelay $0x3  }
0x1c5: {  	p2 =	sgt.s32 s28, $0x1;
	s7 =	smov.u32 s28  }
0x1c6: {  	s7 =	simm.s32 @!p2 $0x1  }
0x1c7: {  	s7 =	smin.u32 s7, $0x10  }
0x1c8: {  	s16 =	sshll.u32 s7, $0xD  }
0x1c9: {  	p2 =	sne.s32 s16, $0x2000  }
.Ltmp46:
0x1ca: {  	_ = 	snop;
	(pc) =	sbr.rel @!p2 .LBB2_60-.Ltmp46, $3  }
0x1cb: {  	_ =	sdelay $0x1  }
0x1cc: {  	s15 =	simm.s32 $0x1500;
	p3 =	por $0x0, $0x0  }
0x1cd: {  	v8 =	vld [tilespmem:s14+$0x0];
	s22 =	sadd.s32 $0x10, s14;
	s20 =	ssub.s32 $0x0, s7;
	s7 =	sadd.s32 $0xFFFFE000, s16  }
0x1ce: {  	_ =	sdelay $0x3  }
0x1cf: {  	vm1 =	vgt.s32 v8, $0x1FFF  }
0x1d0: {  	v8 =	vsel vm1, $0x0, v8  }
0x1d1: {  	p4 =	sne.s32 s7, $0x2000  }
.Ltmp47:
0x1d2: {  	_ = 	snop;
	(pc) =	sbr.rel @!p4 .LBB2_62-.Ltmp47, $4  }
0x1d3: {  	_ = 	snop  }
0x1d4: {  	s23 =	sadd.s32 $0x10, s14  }
0x1d5: {  	[tilespmem:s15], [sflag:$0x3] =	stream.indirect_vreg.gather [spmem:s3], $0x80, v8, vm0, $0xb8;
	[tilespmem:$0x1D580] =	vst v63  }
0x1d6: {  	s29 =	sadd.s32 $0xFFFFE000, s7;
	p3 =	por $0x1, $0x1;
	s16 =	simm.s32 $0x1500;
	v8 =	vld [tilespmem:s23+$0x0]  }
.LBB2_63:
0x1d7: {  	p4 =	sne.s32 s29, $0x2000;
	_ =	sdelay $0x3  }
0x1d8: {  	vm1 =	vgt.s32 v8, $0x1FFF  }
0x1d9: {  	v8 =	vsel vm1, $0x0, v8;
	_ =	sdelay $0x1  }
.Ltmp48:
0x1da: {  	(pc) =	sbr.rel @p4 .LBB2_63-.Ltmp48, $4  }
0x1db: {  	_ = 	snop  }
0x1dc: {  	s23 =	sadd.s32 $0x10, s23;
	s16 =	sadd.s32 $0x800, s16  }
0x1dd: {  	[tilespmem:s16], [sflag:$0x3] =	stream.indirect_vreg.gather [spmem:s3], $0x80, v8, vm0, $0xb8;
	[tilespmem:$0x1D580] =	vst v63  }
0x1de: {  	s29 =	sadd.s32 $0xFFFFE000, s29;
	v8 =	vld [tilespmem:s23+$0x0]  }
.LBB2_64:
0x1df: {  	_ =	sdelay $0x3  }
0x1e0: {  	vm1 =	vgt.s32 v8, $0x1FFF  }
0x1e1: {  	v8 =	vsel vm1, $0x0, v8;
	_ =	sdelay $0x2  }
0x1e2: {  	s16 =	sadd.s32 @p3 $0x800, s16  }
0x1e3: {  	s15 =	smov.u32 @p3 s16  }
0x1e4: {  	[tilespmem:s15], [sflag:$0x3] =	stream.indirect_vreg.gather [spmem:s3], $0x80, v8, vm0, $0xb8;
	[tilespmem:$0x1D580] =	vst v63  }
0x1e5: {  	s15 =	smov.u32 s20  }
.LBB2_65:
0x1e6: {  	s15 =	sadd.s32 $0x1, s15  }
0x1e7: {  	p3 =	seq.s32 s15, $0x0  }
.Ltmp49:
0x1e8: {  	_ = 	snop;
	(pc) =	sbr.rel @!p3 .LBB2_65-.Ltmp49, $4  }
0x1e9: {  	_ = 	snop  }
0x1ea: {  	_ =	swait.ge [sflag:s12], $0x800  }
0x1eb: {  	[sflag:s12] =	ssyncset.done $0x0  }
0x1ec: {  	[sflag:s12] =	ssyncadd.s32 $0xFFFFF800  }
.Ltmp50:
0x1ed: {  	(pc) =	sbr.rel @!p2 .LBB2_67-.Ltmp50, $2  }
0x1ee: {  	_ =	sdelay $0x2  }
0x1ef: {  	s15 =	simm.s32 $0x1500;
	v8 =	vld [tilespmem:s14+$0x0];
	p3 =	por $0x0, $0x0  }
0x1f0: {  	_ =	sdelay $0x3  }
0x1f1: {  	vm1 =	vgt.s32 v8, $0x1FFF  }
0x1f2: {  	v8 =	vsel vm1, $0x0, v8  }
0x1f3: {  	v8 =	vadd.s32 v7, v8  }
0x1f4: {  	p2 =	sne.s32 s7, $0x2000  }
.Ltmp51:
0x1f5: {  	_ = 	snop;
	(pc) =	sbr.rel @!p2 .LBB2_69-.Ltmp51, $3  }
0x1f6: {  	_ =	sdelay $0x1  }
0x1f7: {  	[hbm4b:s2+s4] =	stream.indirect_vreg.scatter [tilespmem:s15], [sflag:$0x3], $0x80, v8, vm0, $0xb8;
	[tilespmem:$0x1D580] =	vst v63  }
0x1f8: {  	s16 =	sadd.s32 $0xFFFFE000, s7;
	p3 =	por $0x1, $0x1;
	s7 =	simm.s32 $0x1500;
	v8 =	vld [tilespmem:s22+$0x0]  }
.LBB2_70:
0x1f9: {  	p2 =	sne.s32 s16, $0x2000;
	_ =	sdelay $0x3  }
0x1fa: {  	vm1 =	vgt.s32 v8, $0x1FFF  }
0x1fb: {  	v8 =	vsel vm1, $0x0, v8  }
0x1fc: {  	v8 =	vadd.s32 v7, v8;
	_ =	sdelay $0x1  }
.Ltmp52:
0x1fd: {  	(pc) =	sbr.rel @p2 .LBB2_70-.Ltmp52, $4  }
0x1fe: {  	_ = 	snop  }
0x1ff: {  	s22 =	sadd.s32 $0x10, s22;
	s7 =	sadd.s32 $0x800, s7  }
0x200: {  	[hbm4b:s2+s4] =	stream.indirect_vreg.scatter [tilespmem:s7], [sflag:$0x3], $0x80, v8, vm0, $0xb8;
	[tilespmem:$0x1D580] =	vst v63  }
0x201: {  	s16 =	sadd.s32 $0xFFFFE000, s16;
	v8 =	vld [tilespmem:s22+$0x0]  }
.LBB2_71:
0x202: {  	_ =	sdelay $0x3  }
0x203: {  	vm1 =	vgt.s32 v8, $0x1FFF  }
0x204: {  	v8 =	vsel vm1, $0x0, v8  }
0x205: {  	s7 =	sadd.s32 @p3 $0x800, s7;
	v8 =	vadd.s32 v7, v8  }
0x206: {  	s15 =	smov.u32 @p3 s7;
	s7 =	sadd.s32 $0x1, s20  }
0x207: {  	p2 =	seq.s32 s7, $0x0  }
.Ltmp53:
0x208: {  	_ = 	snop;
	(pc) =	sbr.rel @p2 .LBB2_73-.Ltmp53, $4  }
0x209: {  	_ = 	snop  }
0x20a: {  	[hbm4b:s2+s4] =	stream.indirect_vreg.scatter [tilespmem:s15], [sflag:$0x3], $0x80, v8, vm0, $0xb8;
	[tilespmem:$0x1D580] =	vst v63  }
0x20b: {  	_ =	swait.ge [sflag:s12], $0x800  }
0x20c: {  	[sflag:s12] =	ssyncset.done $0x0  }
.LBB2_72:
0x20d: {  	s7 =	sadd.s32 $0x1, s7  }
0x20e: {  	[sflag:s12] =	ssyncadd.s32 $0xFFFFF800;
	p2 =	seq.s32 s7, $0x0  }
.Ltmp54:
0x20f: {  	(pc) =	sbr.rel @!p2 .LBB2_72-.Ltmp54, $3  }
0x210: {  	_ =	sdelay $0x1  }
0x211: {  	_ =	swait.ge [sflag:s12], $0x800  }
0x212: {  	[sflag:s12] =	ssyncset.done $0x0  }
.Ltmp55:
0x213: {  	_ = 	snop;
	(pc) =	sbr.rel .LBB2_73-.Ltmp55, $1  }
0x214: {  	_ =	sdelay $0x3  }
.LBB2_60:
.Ltmp56:
0x215: {  	(pc) =	sbr.rel .LBB2_64-.Ltmp56, $2  }
0x216: {  	_ =	sdelay $0x2  }
0x217: {  	s16 =	simm.s32 $0x1500  }
.LBB2_67:
.Ltmp57:
0x218: {  	(pc) =	sbr.rel .LBB2_71-.Ltmp57, $2  }
0x219: {  	_ =	sdelay $0x2  }
0x21a: {  	s7 =	simm.s32 $0x1500  }
.LBB2_62:
.Ltmp58:
0x21b: {  	(pc) =	sbr.rel .LBB2_64-.Ltmp58, $2  }
0x21c: {  	_ =	sdelay $0x2  }
0x21d: {  	s16 =	simm.s32 $0x1500  }
.LBB2_69:
.Ltmp59:
0x21e: {  	(pc) =	sbr.rel .LBB2_71-.Ltmp59, $2  }
0x21f: {  	_ =	sdelay $0x2  }
0x220: {  	s7 =	simm.s32 $0x1500  }
.LBB2_75:
0x221: {  	s6 =	rddreg [dreg:$0x1f]  }
0x222: {  	p2 =	seq.s32 s6, $0x7;
	s6 =	rddreg [dreg:$0x17]  }
0x223: {  	s6 =	sadd.s32 @!p2 s25, s6  }
0x224: {  	s6 =	sshll.u32 @!p2 s6, $0x4  }
0x225: {  	s9 =	simm.s32 @!p2 $0x0;
	s14 =	simm.s32 @!p2 $0x9500;
	s7 =	sadd.s32 @!p2 s2, s6  }
0x226: {  	[hbm4b:s7+s9] =	stream.linear.scatter @!p2 [tilespmem:s14], [sflag:$0x1], $0x4000, $0x38;
	[tilespmem:$0x1D580] =	vst v63  }
0x227: {  	s6 =	sand.u32 @!p2 $0x1FFDE000, s6;
	s7 =	rddreg [dreg:$0x10]  }
0x228: {  	s7 =	sadd.s32 @!p2 s6, s7  }
0x229: {  	[hbm4b:s7+s9] =	stream.linear.scatter @!p2 [tilespmem:s14], [sflag:$0x1], $0x4000, $0x38;
	[tilespmem:$0x1D580] =	vst v63  }
0x22a: {  	s7 =	rddreg [dreg:$0x11]  }
0x22b: {  	s7 =	sadd.s32 @!p2 s6, s7  }
0x22c: {  	[hbm4b:s7+s9] =	stream.linear.scatter @!p2 [tilespmem:s14], [sflag:$0x1], $0x4000, $0x38;
	[tilespmem:$0x1D580] =	vst v63  }
.Ltmp60:
0x22d: {  	s7 =	rddreg [dreg:$0x12];
	(pc) =	sbr.rel @p1 .LBB2_76-.Ltmp60, $4  }
0x22e: {  	s6 =	sadd.s32 @!p2 s6, s7  }
0x22f: {  	[hbm4b:s6+s9] =	stream.linear.scatter @!p2 [tilespmem:s14], [sflag:$0x1], $0x4000, $0x38;
	[tilespmem:$0x1D580] =	vst v63  }
0x230: {  	[bflag:$0x0] =	sbarrier.arrive $0xFFFF  }
0x231: {  	s14 =	sor.u32 $0x2000, s25  }
0x232: {  	s15 =	rddreg [dreg:$0x1e]  }
0x233: {  	p4 =	sne.s32 s15, $0x1  }
.Ltmp61:
0x234: {  	_ = 	snop;
	(pc) =	sbr.rel @!p4 .LBB2_78-.Ltmp61, $3  }
0x235: {  	_ =	sdelay $0x1  }
0x236: {  	s6 =	simm.s32 $0x0;
	s7 =	simm.s32 $0x600  }
0x237: {  	v7 =	vmov s14;
	s9 =	simm.s32 $0x880;
	p3 =	por $0x0, $0x0;
	v8 =	vld [tilespmem:s7+$0x0];
	s7 =	sadd.s32 $0xFFFFFFFF, s15  }
0x238: {  	_ =	sdelay $0x3  }
0x239: {  	v8 =	vsub.s32 v8, v7  }
0x23a: {  	vm1 =	vlt.u32 v8, $0x2000  }
0x23b: {  	v9 =	vsel vm1, $0x1, v3  }
0x23c: {  	(xrf0) =	vadd.scan.msk.s32 $0xffff, v9;
	_ =	sdelay $0x2  }
0x23d: {  	v9 =	vmov s6  }
0x23e: {  	v9 =	vadd.s32 $0xFFFFFFFF, v9  }
0x23f: {  	v9 =	vbroadcast v9, $0x0  }
0x240: {  	v10, _, _ =	vpop (xrf0)  }
0x241: {  	v9 =	vadd.s32 v10, v9;
	(v2sf) =	vpush v10, $0xF;
	_ =	sdelay $0x4  }
0x242: {  	[tilespmem:v9+s13+$0x0] =	vst.idx.msk vm1, v8  }
0x243: {  	v8 =	vld [tilespmem:s9+$0x0]  }
0x244: {  	p4 =	sne.s32 s7, $0x1  }
.Ltmp62:
0x245: {  	_ = 	snop;
	(pc) =	sbr.rel @!p4 .LBB2_80-.Ltmp62, $3  }
0x246: {  	_ =	sdelay $0x1  }
0x247: {  	s15 =	simm.s32 $0x610;
	s22 =	sadd.s32 $0xFFFFFFFF, s7;
	[tilespmem:v9+s18+$0x0] =	vst.idx.msk vm1, v8  }
0x248: {  	p3 =	por $0x1, $0x1;
	s20 =	simm.s32 $0x0;
	s7 =	simm.s32 $0x880;
	v8 =	vld [tilespmem:s15+$0x0]  }
.LBB2_81:
0x249: {  	p4 =	sne.s32 s22, $0x1;
	_ =	sdelay $0x1  }
0x24a: {  	s16 =	spop (v2sf)  }
0x24b: {  	s20 =	sadd.s32 s20, s16  }
0x24c: {  	v8 =	vsub.s32 v8, v7;
	v9 =	vmov s20  }
0x24d: {  	vm1 =	vlt.u32 v8, $0x2000;
	v9 =	vadd.s32 $0xFFFFFFFF, v9  }
0x24e: {  	v10 =	vsel vm1, $0x1, v3;
	v9 =	vbroadcast v9, $0x0  }
0x24f: {  	(xrf0) =	vadd.scan.msk.s32 $0xffff, v10;
	_ =	sdelay $0x5  }
0x250: {  	v10, _, _ =	vpop (xrf0)  }
0x251: {  	v9 =	vadd.s32 v10, v9;
	(v2sf) =	vpush v10, $0xF;
	_ =	sdelay $0x4  }
0x252: {  	s7 =	sadd.s32 $0x10, s7;
	[tilespmem:v9+s13+$0x0] =	vst.idx.msk vm1, v8  }
0x253: {  	v8 =	vld [tilespmem:s7+$0x0];
	_ =	sdelay $0x1  }
.Ltmp63:
0x254: {  	(pc) =	sbr.rel @p4 .LBB2_81-.Ltmp63, $3  }
0x255: {  	_ =	sdelay $0x1  }
0x256: {  	s15 =	sadd.s32 $0x10, s15;
	[tilespmem:v9+s18+$0x0] =	vst.idx.msk vm1, v8  }
0x257: {  	s22 =	sadd.s32 $0xFFFFFFFF, s22;
	v8 =	vld [tilespmem:s15+$0x0]  }
.LBB2_82:
0x258: {  	_ =	sdelay $0x3  }
0x259: {  	v7 =	vsub.s32 v8, v7  }
0x25a: {  	vm1 =	vlt.u32 v7, $0x2000  }
0x25b: {  	v8 =	vsel vm1, $0x1, v3  }
0x25c: {  	(xrf0) =	vadd.scan.msk.s32 $0xffff, v8;
	_ =	sdelay $0x4  }
0x25d: {  	s15 =	spop @p3 (v2sf)  }
0x25e: {  	s15 =	sadd.s32 @p3 s20, s15;
	v8, _, _ =	vpop (xrf0)  }
0x25f: {  	s6 =	smov.u32 @p3 s15;
	(v2sf) =	vpush v8, $0xF  }
0x260: {  	v9 =	vmov s6  }
0x261: {  	v9 =	vadd.s32 $0xFFFFFFFF, v9  }
0x262: {  	v9 =	vbroadcast v9, $0x0;
	_ =	sdelay $0x1  }
0x263: {  	v8 =	vadd.s32 v8, v9;
	_ =	sdelay $0x3  }
0x264: {  	s7 =	sadd.s32 @p3 $0x10, s7  }
0x265: {  	s9 =	smov.u32 @p3 s7;
	[tilespmem:v8+s13+$0x0] =	vst.idx.msk vm1, v7  }
0x266: {  	v7 =	vld [tilespmem:s9+$0x0]  }
.Ltmp64:
0x267: {  	_ = 	snop;
	(pc) =	sbr.rel .LBB2_83-.Ltmp64, $3  }
0x268: {  	_ =	sdelay $0x1  }
0x269: {  	s29 =	spop (v2sf)  }
0x26a: {  	[tilespmem:v8+s18+$0x0] =	vst.idx.msk vm1, v7;
	s28 =	sadd.s32 s6, s29  }
.LBB2_76:
0x26b: {  	s28 =	simm.s32 $0x0  }
.LBB2_83:
0x26c: {  	s6 =	sadd.s32 $0xF, s28  }
0x26d: {  	s7 =	sand.u32 $0xF, s6  }
0x26e: {  	s9 =	sshra.s32 s6, $0x1F;
	p3 =	slt.s32 s6, $0x1;
	p4 =	sne.s32 s7, $0x0  }
0x26f: {  	s29 =	sshrl.u32 s9, $0x1C;
	p3 =	por !p3, !p4  }
0x270: {  	s7 =	simm.s32 $0x1;
	s6 =	sadd.s32 s29, s6;
	p3 =	por !p3, !p3  }
0x271: {  	s6 =	sshra.s32 s6, $0x4;
	s7 =	simm.s32 @!p3 $0x0  }
0x272: {  	s20 =	ssub.s32 s6, s7  }
0x273: {  	p5 =	sgt.s32 s20, $0x0  }
.Ltmp65:
0x274: {  	_ = 	snop;
	(pc) =	sbr.rel @!p5 .LBB2_90-.Ltmp65, $3  }
0x275: {  	_ =	sdelay $0x1  }
0x276: {  	[tilespmem:s28+$0x1000] =	vst v6;
	p4 =	slt.s32 s20, $0x10;
	s9 =	smov.u32 s20  }
0x277: {  	[tilespmem:s28+$0x1280] =	vst v2;
	s9 =	simm.s32 @!p4 $0x10  }
0x278: {  	p5 =	seq.s32 s9, $0x1  }
.Ltmp66:
0x279: {  	_ = 	snop;
	(pc) =	sbr.rel @p5 .LBB2_85-.Ltmp66, $3  }
0x27a: {  	_ =	sdelay $0x1  }
0x27b: {  	s15 =	simm.s32 $0x1280  }
0x27c: {  	s7 =	simm.s32 $0x1500;
	p4 =	por $0x0, $0x0;
	v7 =	vld [tilespmem:s15+$0x0];
	s15 =	sadd.s32 $0xFFFFFFFF, s9  }
0x27d: {  	_ =	sdelay $0x3  }
0x27e: {  	p5 =	seq.s32 s15, $0x1  }
.Ltmp67:
0x27f: {  	_ = 	snop;
	(pc) =	sbr.rel @p5 .LBB2_87-.Ltmp67, $4  }
0x280: {  	_ = 	snop  }
0x281: {  	s16 =	simm.s32 $0x1290  }
0x282: {  	[tilespmem:s7], [sflag:$0x3] =	stream.indirect_vreg.gather [hbm4b:s1+s4], $0x80, v7, vm0, $0xb8;
	[tilespmem:$0x1D580] =	vst v63  }
0x283: {  	s17 =	sadd.s32 $0xFFFFFFFF, s15;
	p4 =	por $0x1, $0x1;
	s15 =	simm.s32 $0x1500;
	v7 =	vld [tilespmem:s16+$0x0]  }
.LBB2_88:
0x284: {  	p5 =	seq.s32 s17, $0x1;
	_ =	sdelay $0x3  }
.Ltmp68:
0x285: {  	(pc) =	sbr.rel @!p5 .LBB2_88-.Ltmp68, $4  }
0x286: {  	_ = 	snop  }
0x287: {  	s16 =	sadd.s32 $0x10, s16;
	s15 =	sadd.s32 $0x800, s15  }
0x288: {  	[tilespmem:s15], [sflag:$0x3] =	stream.indirect_vreg.gather [hbm4b:s1+s4], $0x80, v7, vm0, $0xb8;
	[tilespmem:$0x1D580] =	vst v63  }
0x289: {  	s17 =	sadd.s32 $0xFFFFFFFF, s17;
	v7 =	vld [tilespmem:s16+$0x0]  }
.LBB2_89:
0x28a: {  	_ =	sdelay $0x5  }
0x28b: {  	s15 =	sadd.s32 @p4 $0x800, s15  }
0x28c: {  	s7 =	smov.u32 @p4 s15  }
0x28d: {  	[tilespmem:s7], [sflag:$0x3] =	stream.indirect_vreg.gather [hbm4b:s1+s4], $0x80, v7, vm0, $0xb8;
	[tilespmem:$0x1D580] =	vst v63  }
.LBB2_90:
0x28e: {  	p4 =	sgt.s32 s26, $0x0  }
.Ltmp69:
0x28f: {  	_ = 	snop;
	(pc) =	sbr.rel @!p4 .LBB2_96-.Ltmp69, $2  }
0x290: {  	_ =	sdelay $0x2  }
0x291: {  	s7 =	simm.s32 $0xB00  }
0x292: {  	p4 =	sne.s32 s26, $0x1  }
.Ltmp70:
0x293: {  	_ = 	snop;
	(pc) =	sbr.rel @!p4 .LBB2_93-.Ltmp70, $2  }
0x294: {  	_ =	sdelay $0x2  }
0x295: {  	v7 =	vld [tilespmem:s7+$0x0];
	s15 =	sadd.s32 $0xFFFFFFFF, s26  }
.LBB2_92:
0x296: {  	p4 =	sne.s32 s15, $0x1;
	_ =	sdelay $0x3  }
.Ltmp71:
0x297: {  	(pc) =	sbr.rel @p4 .LBB2_92-.Ltmp71, $4  }
0x298: {  	_ = 	snop  }
0x299: {  	s7 =	sadd.s32 $0x10, s7  }
0x29a: {  	[spmem:s3] =	stream.indirect_vreg.scatter [tilespmem:s30], [sflag:$0x4], $0x80, v7, vm0, $0xb8;
	[tilespmem:$0x1D580] =	vst v63  }
0x29b: {  	s15 =	sadd.s32 $0xFFFFFFFF, s15;
	v7 =	vld [tilespmem:s7+$0x0]  }
.LBB2_93:
0x29c: {  	_ =	sdelay $0x4  }
0x29d: {  	p4 =	sne.s32 s26, $0x1  }
.Ltmp72:
0x29e: {  	_ = 	snop;
	(pc) =	sbr.rel @!p4 .LBB2_95-.Ltmp72, $4  }
0x29f: {  	_ = 	snop  }
0x2a0: {  	[spmem:s3] =	stream.indirect_vreg.scatter [tilespmem:s30], [sflag:$0x4], $0x80, v7, vm0, $0xb8;
	[tilespmem:$0x1D580] =	vst v63  }
0x2a1: {  	_ =	swait.ge [sflag:s11], $0x800  }
0x2a2: {  	s7 =	sadd.s32 $0xFFFFFFFF, s26;
	[sflag:s11] =	ssyncset.done $0x0  }
.LBB2_94:
0x2a3: {  	p4 =	sne.s32 s7, $0x1;
	s7 =	sadd.s32 $0xFFFFFFFF, s7;
	[sflag:s11] =	ssyncadd.s32 $0xFFFFF800  }
.Ltmp73:
0x2a4: {  	(pc) =	sbr.rel @p4 .LBB2_94-.Ltmp73, $3  }
0x2a5: {  	_ =	sdelay $0x1  }
0x2a6: {  	_ =	swait.ge [sflag:s11], $0x800  }
0x2a7: {  	[sflag:s11] =	ssyncset.done $0x0  }
.LBB2_95:
0x2a8: {  	[sflag:s11] =	ssyncadd.s32 $0xFFFFF800  }
.LBB2_96:
0x2a9: {  	p4 =	slt.s32 s20, $0x1  }
.Ltmp74:
0x2aa: {  	_ = 	snop;
	(pc) =	sbr.rel @p4 .LBB2_107-.Ltmp74, $2  }
0x2ab: {  	_ =	sdelay $0x1  }
0x2ac: {  	[bflag:$0x0] =	sbarrier.arrive $0xFFFF;
	_ =	sdelay $0x1  }
0x2ad: {  	s7 =	simm.s32 $0xFFFFFFFF  }
0x2ae: {  	s15 =	smov.u32 s9;
	s7 =	simm.s32 @!p3 $0x0  }
.LBB2_98:
0x2af: {  	p3 =	sne.s32 s15, $0x1  }
.Ltmp75:
0x2b0: {  	_ = 	snop;
	(pc) =	sbr.rel @p3 .LBB2_98-.Ltmp75, $4  }
0x2b1: {  	_ = 	snop  }
0x2b2: {  	_ =	swait.ge [sflag:s12], $0x800  }
0x2b3: {  	[sflag:s12] =	ssyncset.done $0x0  }
0x2b4: {  	s15 =	sadd.s32 $0xFFFFFFFF, s15;
	[sflag:s12] =	ssyncadd.s32 $0xFFFFF800  }
0x2b5: {  	p3 =	sne.s32 s9, $0x1  }
.Ltmp76:
0x2b6: {  	_ = 	snop;
	(pc) =	sbr.rel @!p3 .LBB2_100-.Ltmp76, $3  }
0x2b7: {  	_ =	sdelay $0x1  }
0x2b8: {  	s16 =	simm.s32 $0x1000  }
0x2b9: {  	s15 =	simm.s32 $0x1500;
	s9 =	sadd.s32 $0xFFFFFFFF, s9;
	p4 =	por $0x0, $0x0;
	v7 =	vld [tilespmem:s16+$0x0]  }
0x2ba: {  	_ =	sdelay $0x3  }
0x2bb: {  	p5 =	sne.s32 s9, $0x1  }
.Ltmp77:
0x2bc: {  	_ = 	snop;
	(pc) =	sbr.rel @!p5 .LBB2_102-.Ltmp77, $4  }
0x2bd: {  	_ = 	snop  }
0x2be: {  	s17 =	simm.s32 $0x1010  }
0x2bf: {  	[spmem:s3] =	stream.indirect_vreg.scatter.add.f32 [tilespmem:s15], [sflag:$0x3], $0x80, v7, vm0, $0xb8;
	[tilespmem:$0x1D580] =	vst v63  }
0x2c0: {  	s21 =	sadd.s32 $0xFFFFFFFF, s9;
	p4 =	por $0x1, $0x1;
	s16 =	simm.s32 $0x1500;
	v7 =	vld [tilespmem:s17+$0x0]  }
.LBB2_103:
0x2c1: {  	p5 =	sne.s32 s21, $0x1;
	_ =	sdelay $0x3  }
.Ltmp78:
0x2c2: {  	(pc) =	sbr.rel @p5 .LBB2_103-.Ltmp78, $4  }
0x2c3: {  	_ = 	snop  }
0x2c4: {  	s17 =	sadd.s32 $0x10, s17;
	s16 =	sadd.s32 $0x800, s16  }
0x2c5: {  	[spmem:s3] =	stream.indirect_vreg.scatter.add.f32 [tilespmem:s16], [sflag:$0x3], $0x80, v7, vm0, $0xb8;
	[tilespmem:$0x1D580] =	vst v63  }
0x2c6: {  	s21 =	sadd.s32 $0xFFFFFFFF, s21;
	v7 =	vld [tilespmem:s17+$0x0]  }
.LBB2_104:
0x2c7: {  	_ =	sdelay $0x5  }
.Ltmp79:
0x2c8: {  	s16 =	sadd.s32 @p4 $0x800, s16;
	(pc) =	sbr.rel @!p3 .LBB2_106-.Ltmp79, $4  }
0x2c9: {  	s15 =	smov.u32 @p4 s16  }
0x2ca: {  	[spmem:s3] =	stream.indirect_vreg.scatter.add.f32 [tilespmem:s15], [sflag:$0x3], $0x80, v7, vm0, $0xb8;
	[tilespmem:$0x1D580] =	vst v63  }
0x2cb: {  	_ =	swait.ge [sflag:s12], $0x800  }
0x2cc: {  	[sflag:s12] =	ssyncset.done $0x0  }
.LBB2_105:
0x2cd: {  	p3 =	sne.s32 s9, $0x1;
	s9 =	sadd.s32 $0xFFFFFFFF, s9;
	[sflag:s12] =	ssyncadd.s32 $0xFFFFF800  }
.Ltmp80:
0x2ce: {  	(pc) =	sbr.rel @p3 .LBB2_105-.Ltmp80, $3  }
0x2cf: {  	_ =	sdelay $0x1  }
0x2d0: {  	_ =	swait.ge [sflag:s12], $0x800  }
0x2d1: {  	[sflag:s12] =	ssyncset.done $0x0  }
.LBB2_106:
0x2d2: {  	p3 =	sgt.u32 s20, $0x10  }
.Ltmp81:
0x2d3: {  	_ = 	snop;
	(pc) =	sbr.rel @!p3 .LBB2_107-.Ltmp81, $2  }
0x2d4: {  	_ =	sdelay $0x2  }
0x2d5: {  	[sflag:s12] =	ssyncadd.s32 $0xFFFFF800  }
.Ltmp82:
0x2d6: {  	(pc) =	sbr.rel .LBB2_109-.Ltmp82, $4  }
0x2d7: {  	_ = 	snop  }
0x2d8: {  	s26 =	sadd.s32 $0xF, s20  }
0x2d9: {  	s7 =	sadd.s32 s7, s6;
	s29 =	simm.s32 $0x1;
	s23 =	simm.s32 $0x1380  }
0x2da: {  	s22 =	simm.s32 $0x1100;
	s6 =	sshrl.u32 s26, $0x4;
	s9 =	sadd.s32 $0xFFFFFFF0, s7  }
.LBB2_124:
0x2db: {  	[sflag:s12] =	ssyncadd.s32 $0xFFFFF800  }
.LBB2_125:
0x2dc: {  	s29 =	sadd.s32 $0x1, s29  }
0x2dd: {  	p3 =	sne.s32 s29, s6  }
.Ltmp83:
0x2de: {  	_ = 	snop;
	(pc) =	sbr.rel @!p3 .LBB2_126-.Ltmp83, $2  }
0x2df: {  	_ =	sdelay $0x2  }
0x2e0: {  	s9 =	sadd.s32 $0xFFFFFFF0, s9;
	s23 =	sadd.s32 $0x100, s23;
	s22 =	sadd.s32 $0x100, s22  }
.LBB2_109:
0x2e1: {  	s7 =	sshll.u32 s29, $0x4  }
0x2e2: {  	s7 =	ssub.s32 s20, s7  }
0x2e3: {  	p3 =	slt.s32 s7, $0x1  }
.Ltmp84:
0x2e4: {  	_ = 	snop;
	(pc) =	sbr.rel @p3 .LBB2_125-.Ltmp84, $1  }
0x2e5: {  	_ =	sdelay $0x3  }
0x2e6: {  	p3 =	sgt.s32 s9, $0x1;
	s7 =	smov.u32 s9  }
0x2e7: {  	s7 =	simm.s32 @!p3 $0x1  }
0x2e8: {  	s7 =	smin.u32 s7, $0x10  }
0x2e9: {  	s15 =	sshll.u32 s7, $0xD  }
0x2ea: {  	p3 =	sne.s32 s15, $0x2000  }
.Ltmp85:
0x2eb: {  	_ = 	snop;
	(pc) =	sbr.rel @!p3 .LBB2_111-.Ltmp85, $3  }
0x2ec: {  	_ =	sdelay $0x1  }
0x2ed: {  	s16 =	simm.s32 $0x1500  }
0x2ee: {  	v7 =	vld [tilespmem:s23+$0x0];
	p4 =	por $0x0, $0x0;
	s7 =	ssub.s32 $0x0, s7;
	s15 =	sadd.s32 $0xFFFFE000, s15  }
0x2ef: {  	_ =	sdelay $0x3  }
0x2f0: {  	p5 =	sne.s32 s15, $0x2000  }
.Ltmp86:
0x2f1: {  	_ = 	snop;
	(pc) =	sbr.rel @!p5 .LBB2_113-.Ltmp86, $4  }
0x2f2: {  	_ = 	snop  }
0x2f3: {  	s21 =	sadd.s32 $0x10, s23  }
0x2f4: {  	[tilespmem:s16], [sflag:$0x3] =	stream.indirect_vreg.gather [hbm4b:s1+s4], $0x80, v7, vm0, $0xb8;
	[tilespmem:$0x1D580] =	vst v63  }
0x2f5: {  	s24 =	sadd.s32 $0xFFFFE000, s15;
	p4 =	por $0x1, $0x1;
	s17 =	simm.s32 $0x1500;
	v7 =	vld [tilespmem:s21+$0x0]  }
.LBB2_114:
0x2f6: {  	p5 =	sne.s32 s24, $0x2000;
	_ =	sdelay $0x3  }
.Ltmp87:
0x2f7: {  	(pc) =	sbr.rel @p5 .LBB2_114-.Ltmp87, $4  }
0x2f8: {  	_ = 	snop  }
0x2f9: {  	s21 =	sadd.s32 $0x10, s21;
	s17 =	sadd.s32 $0x800, s17  }
0x2fa: {  	[tilespmem:s17], [sflag:$0x3] =	stream.indirect_vreg.gather [hbm4b:s1+s4], $0x80, v7, vm0, $0xb8;
	[tilespmem:$0x1D580] =	vst v63  }
0x2fb: {  	s24 =	sadd.s32 $0xFFFFE000, s24;
	v7 =	vld [tilespmem:s21+$0x0]  }
.LBB2_115:
0x2fc: {  	_ =	sdelay $0x5  }
0x2fd: {  	s17 =	sadd.s32 @p4 $0x800, s17  }
0x2fe: {  	s16 =	smov.u32 @p4 s17  }
0x2ff: {  	[tilespmem:s16], [sflag:$0x3] =	stream.indirect_vreg.gather [hbm4b:s1+s4], $0x80, v7, vm0, $0xb8;
	[tilespmem:$0x1D580] =	vst v63  }
0x300: {  	s16 =	smov.u32 s7  }
.LBB2_116:
0x301: {  	s16 =	sadd.s32 $0x1, s16  }
0x302: {  	p4 =	seq.s32 s16, $0x0  }
.Ltmp88:
0x303: {  	_ = 	snop;
	(pc) =	sbr.rel @!p4 .LBB2_116-.Ltmp88, $4  }
0x304: {  	_ = 	snop  }
0x305: {  	_ =	swait.ge [sflag:s12], $0x800  }
0x306: {  	[sflag:s12] =	ssyncset.done $0x0  }
0x307: {  	[sflag:s12] =	ssyncadd.s32 $0xFFFFF800  }
.Ltmp89:
0x308: {  	(pc) =	sbr.rel @!p3 .LBB2_118-.Ltmp89, $2  }
0x309: {  	_ =	sdelay $0x2  }
0x30a: {  	s16 =	simm.s32 $0x1500;
	v7 =	vld [tilespmem:s22+$0x0];
	p4 =	por $0x0, $0x0  }
0x30b: {  	_ =	sdelay $0x3  }
0x30c: {  	p3 =	sne.s32 s15, $0x2000  }
.Ltmp90:
0x30d: {  	_ = 	snop;
	(pc) =	sbr.rel @!p3 .LBB2_120-.Ltmp90, $4  }
0x30e: {  	_ = 	snop  }
0x30f: {  	s17 =	sadd.s32 $0x10, s22  }
0x310: {  	[spmem:s3] =	stream.indirect_vreg.scatter.add.f32 [tilespmem:s16], [sflag:$0x3], $0x80, v7, vm0, $0xb8;
	[tilespmem:$0x1D580] =	vst v63  }
0x311: {  	s21 =	sadd.s32 $0xFFFFE000, s15;
	p4 =	por $0x1, $0x1;
	s15 =	simm.s32 $0x1500;
	v7 =	vld [tilespmem:s17+$0x0]  }
.LBB2_121:
0x312: {  	p3 =	sne.s32 s21, $0x2000;
	_ =	sdelay $0x3  }
.Ltmp91:
0x313: {  	(pc) =	sbr.rel @p3 .LBB2_121-.Ltmp91, $4  }
0x314: {  	_ = 	snop  }
0x315: {  	s17 =	sadd.s32 $0x10, s17;
	s15 =	sadd.s32 $0x800, s15  }
0x316: {  	[spmem:s3] =	stream.indirect_vreg.scatter.add.f32 [tilespmem:s15], [sflag:$0x3], $0x80, v7, vm0, $0xb8;
	[tilespmem:$0x1D580] =	vst v63  }
0x317: {  	s21 =	sadd.s32 $0xFFFFE000, s21;
	v7 =	vld [tilespmem:s17+$0x0]  }
.LBB2_122:
0x318: {  	_ =	sdelay $0x3  }
0x319: {  	s7 =	sadd.s32 $0x1, s7  }
0x31a: {  	p3 =	seq.s32 s7, $0x0  }
.Ltmp92:
0x31b: {  	s15 =	sadd.s32 @p4 $0x800, s15;
	(pc) =	sbr.rel @p3 .LBB2_124-.Ltmp92, $4  }
0x31c: {  	s16 =	smov.u32 @p4 s15  }
0x31d: {  	[spmem:s3] =	stream.indirect_vreg.scatter.add.f32 [tilespmem:s16], [sflag:$0x3], $0x80, v7, vm0, $0xb8;
	[tilespmem:$0x1D580] =	vst v63  }
0x31e: {  	_ =	swait.ge [sflag:s12], $0x800  }
0x31f: {  	[sflag:s12] =	ssyncset.done $0x0  }
.LBB2_123:
0x320: {  	s7 =	sadd.s32 $0x1, s7  }
0x321: {  	[sflag:s12] =	ssyncadd.s32 $0xFFFFF800;
	p3 =	seq.s32 s7, $0x0  }
.Ltmp93:
0x322: {  	(pc) =	sbr.rel @!p3 .LBB2_123-.Ltmp93, $3  }
0x323: {  	_ =	sdelay $0x1  }
0x324: {  	_ =	swait.ge [sflag:s12], $0x800  }
0x325: {  	[sflag:s12] =	ssyncset.done $0x0  }
.Ltmp94:
0x326: {  	_ = 	snop;
	(pc) =	sbr.rel .LBB2_124-.Ltmp94, $1  }
0x327: {  	_ =	sdelay $0x3  }
.LBB2_111:
.Ltmp95:
0x328: {  	(pc) =	sbr.rel .LBB2_115-.Ltmp95, $2  }
0x329: {  	_ =	sdelay $0x2  }
0x32a: {  	s17 =	simm.s32 $0x1500  }
.LBB2_118:
.Ltmp96:
0x32b: {  	(pc) =	sbr.rel .LBB2_122-.Ltmp96, $2  }
0x32c: {  	_ =	sdelay $0x2  }
0x32d: {  	s15 =	simm.s32 $0x1500  }
.LBB2_113:
.Ltmp97:
0x32e: {  	(pc) =	sbr.rel .LBB2_115-.Ltmp97, $2  }
0x32f: {  	_ =	sdelay $0x2  }
0x330: {  	s17 =	simm.s32 $0x1500  }
.LBB2_120:
.Ltmp98:
0x331: {  	(pc) =	sbr.rel .LBB2_122-.Ltmp98, $2  }
0x332: {  	_ =	sdelay $0x2  }
0x333: {  	s15 =	simm.s32 $0x1500  }
.LBB2_107:
0x334: {  	s26 =	sadd.s32 $0xF, s20  }
.LBB2_126:
0x335: {  	_ =	swait.ge [sflag:s19], $0x4000  }
0x336: {  	s6 =	sand.u32 $0xF, s26;
	[sflag:s19] =	ssyncset.done $0x0  }
0x337: {  	s29 =	sshra.s32 s26, $0x1F;
	p4 =	slt.s32 s20, $0xFFFFFFF2;
	[sflag:s19] =	ssyncadd.s32 $0xFFFFC000  }
0x338: {  	s7 =	simm.s32 $0x1;
	p3 =	sne.s32 s6, $0x0;
	_ =	swait.ge [sflag:s19], $0x4000  }
0x339: {  	s6 =	sshrl.u32 s29, $0x1C;
	p3 =	por !p4, !p3;
	[sflag:s19] =	ssyncset.done $0x0  }
0x33a: {  	s6 =	sadd.s32 s6, s26;
	p3 =	por !p3, !p3;
	[sflag:s19] =	ssyncadd.s32 $0xFFFFC000  }
0x33b: {  	s6 =	sshra.s32 s6, $0x4;
	s7 =	simm.s32 @!p3 $0x0;
	_ =	swait.ge [sflag:s19], $0x4000  }
0x33c: {  	s6 =	ssub.s32 s6, s7;
	[sflag:s19] =	ssyncset.done $0x0  }
0x33d: {  	p3 =	slt.s32 s6, $0x1;
	[sflag:s19] =	ssyncadd.s32 $0xFFFFC000  }
.Ltmp99:
0x33e: {  	_ =	swait.ge [sflag:s19], $0x4000;
	(pc) =	sbr.rel @p3 .LBB2_145-.Ltmp99, $3  }
0x33f: {  	[sflag:s19] =	ssyncset.done $0x0  }
0x340: {  	[sflag:s19] =	ssyncadd.s32 $0xFFFFC000  }
0x341: {  	[bflag:$0x0] =	sbarrier.arrive $0xFFFF;
	_ =	sdelay $0x1  }
.Ltmp100:
0x342: {  	(pc) =	sbr.rel .LBB2_128-.Ltmp100, $4  }
0x343: {  	_ = 	snop  }
0x344: {  	s7 =	rddreg [dreg:$0x8]  }
0x345: {  	s7 =	sor.u32 s7, s14  }
0x346: {  	s26 =	simm.s32 $0x1000;
	s9 =	smov.u32 s20;
	s14 =	simm.s32 $0x0;
	v7 =	vmov s7  }
.LBB2_143:
0x347: {  	[sflag:s12] =	ssyncadd.s32 $0xFFFFF800  }
.LBB2_144:
0x348: {  	s14 =	sadd.s32 $0x1, s14  }
0x349: {  	p3 =	sne.s32 s14, s6  }
.Ltmp101:
0x34a: {  	_ = 	snop;
	(pc) =	sbr.rel @!p3 .LBB2_145-.Ltmp101, $2  }
0x34b: {  	_ =	sdelay $0x2  }
0x34c: {  	s9 =	sadd.s32 $0xFFFFFFF0, s9;
	s26 =	sadd.s32 $0x100, s26  }
.LBB2_128:
0x34d: {  	s7 =	sshll.u32 s14, $0x4  }
0x34e: {  	p3 =	sle.s32 s20, s7  }
.Ltmp102:
0x34f: {  	_ = 	snop;
	(pc) =	sbr.rel @p3 .LBB2_144-.Ltmp102, $1  }
0x350: {  	_ =	sdelay $0x3  }
0x351: {  	p3 =	sgt.s32 s9, $0x1;
	s7 =	smov.u32 s9  }
0x352: {  	s7 =	simm.s32 @!p3 $0x1  }
0x353: {  	s7 =	smin.u32 s7, $0x10  }
0x354: {  	s16 =	sshll.u32 s7, $0xD  }
0x355: {  	p3 =	sne.s32 s16, $0x2000  }
.Ltmp103:
0x356: {  	_ = 	snop;
	(pc) =	sbr.rel @!p3 .LBB2_130-.Ltmp103, $3  }
0x357: {  	_ =	sdelay $0x1  }
0x358: {  	s15 =	simm.s32 $0x1500;
	p4 =	por $0x0, $0x0  }
0x359: {  	v8 =	vld [tilespmem:s26+$0x0];
	s23 =	sadd.s32 $0x10, s26;
	s22 =	ssub.s32 $0x0, s7;
	s7 =	sadd.s32 $0xFFFFE000, s16  }
0x35a: {  	_ =	sdelay $0x3  }
0x35b: {  	vm1 =	vgt.s32 v8, $0x1FFF  }
0x35c: {  	v8 =	vsel vm1, $0x0, v8  }
0x35d: {  	p5 =	sne.s32 s7, $0x2000  }
.Ltmp104:
0x35e: {  	_ = 	snop;
	(pc) =	sbr.rel @!p5 .LBB2_132-.Ltmp104, $4  }
0x35f: {  	_ = 	snop  }
0x360: {  	s29 =	sadd.s32 $0x10, s26  }
0x361: {  	[tilespmem:s15], [sflag:$0x3] =	stream.indirect_vreg.gather [spmem:s3], $0x80, v8, vm0, $0xb8;
	[tilespmem:$0x1D580] =	vst v63  }
0x362: {  	s17 =	sadd.s32 $0xFFFFE000, s7;
	p4 =	por $0x1, $0x1;
	s16 =	simm.s32 $0x1500;
	v8 =	vld [tilespmem:s29+$0x0]  }
.LBB2_133:
0x363: {  	p5 =	sne.s32 s17, $0x2000;
	_ =	sdelay $0x3  }
0x364: {  	vm1 =	vgt.s32 v8, $0x1FFF  }
0x365: {  	v8 =	vsel vm1, $0x0, v8;
	_ =	sdelay $0x1  }
.Ltmp105:
0x366: {  	(pc) =	sbr.rel @p5 .LBB2_133-.Ltmp105, $4  }
0x367: {  	_ = 	snop  }
0x368: {  	s29 =	sadd.s32 $0x10, s29;
	s16 =	sadd.s32 $0x800, s16  }
0x369: {  	[tilespmem:s16], [sflag:$0x3] =	stream.indirect_vreg.gather [spmem:s3], $0x80, v8, vm0, $0xb8;
	[tilespmem:$0x1D580] =	vst v63  }
0x36a: {  	s17 =	sadd.s32 $0xFFFFE000, s17;
	v8 =	vld [tilespmem:s29+$0x0]  }
.LBB2_134:
0x36b: {  	_ =	sdelay $0x3  }
0x36c: {  	vm1 =	vgt.s32 v8, $0x1FFF  }
0x36d: {  	v8 =	vsel vm1, $0x0, v8;
	_ =	sdelay $0x2  }
0x36e: {  	s16 =	sadd.s32 @p4 $0x800, s16  }
0x36f: {  	s15 =	smov.u32 @p4 s16  }
0x370: {  	[tilespmem:s15], [sflag:$0x3] =	stream.indirect_vreg.gather [spmem:s3], $0x80, v8, vm0, $0xb8;
	[tilespmem:$0x1D580] =	vst v63  }
0x371: {  	s15 =	smov.u32 s22  }
.LBB2_135:
0x372: {  	s15 =	sadd.s32 $0x1, s15  }
0x373: {  	p4 =	seq.s32 s15, $0x0  }
.Ltmp106:
0x374: {  	_ = 	snop;
	(pc) =	sbr.rel @!p4 .LBB2_135-.Ltmp106, $4  }
0x375: {  	_ = 	snop  }
0x376: {  	_ =	swait.ge [sflag:s12], $0x800  }
0x377: {  	[sflag:s12] =	ssyncset.done $0x0  }
0x378: {  	[sflag:s12] =	ssyncadd.s32 $0xFFFFF800  }
.Ltmp107:
0x379: {  	(pc) =	sbr.rel @!p3 .LBB2_137-.Ltmp107, $2  }
0x37a: {  	_ =	sdelay $0x2  }
0x37b: {  	s15 =	simm.s32 $0x1500;
	v8 =	vld [tilespmem:s26+$0x0];
	p4 =	por $0x0, $0x0  }
0x37c: {  	_ =	sdelay $0x3  }
0x37d: {  	vm1 =	vgt.s32 v8, $0x1FFF  }
0x37e: {  	v8 =	vsel vm1, $0x0, v8  }
0x37f: {  	v8 =	vadd.s32 v7, v8  }
0x380: {  	p3 =	sne.s32 s7, $0x2000  }
.Ltmp108:
0x381: {  	_ = 	snop;
	(pc) =	sbr.rel @!p3 .LBB2_139-.Ltmp108, $3  }
0x382: {  	_ =	sdelay $0x1  }
0x383: {  	[hbm4b:s2+s4] =	stream.indirect_vreg.scatter [tilespmem:s15], [sflag:$0x3], $0x80, v8, vm0, $0xb8;
	[tilespmem:$0x1D580] =	vst v63  }
0x384: {  	s16 =	sadd.s32 $0xFFFFE000, s7;
	p4 =	por $0x1, $0x1;
	s7 =	simm.s32 $0x1500;
	v8 =	vld [tilespmem:s23+$0x0]  }
.LBB2_140:
0x385: {  	p3 =	sne.s32 s16, $0x2000;
	_ =	sdelay $0x3  }
0x386: {  	vm1 =	vgt.s32 v8, $0x1FFF  }
0x387: {  	v8 =	vsel vm1, $0x0, v8  }
0x388: {  	v8 =	vadd.s32 v7, v8;
	_ =	sdelay $0x1  }
.Ltmp109:
0x389: {  	(pc) =	sbr.rel @p3 .LBB2_140-.Ltmp109, $4  }
0x38a: {  	_ = 	snop  }
0x38b: {  	s23 =	sadd.s32 $0x10, s23;
	s7 =	sadd.s32 $0x800, s7  }
0x38c: {  	[hbm4b:s2+s4] =	stream.indirect_vreg.scatter [tilespmem:s7], [sflag:$0x3], $0x80, v8, vm0, $0xb8;
	[tilespmem:$0x1D580] =	vst v63  }
0x38d: {  	s16 =	sadd.s32 $0xFFFFE000, s16;
	v8 =	vld [tilespmem:s23+$0x0]  }
.LBB2_141:
0x38e: {  	_ =	sdelay $0x3  }
0x38f: {  	vm1 =	vgt.s32 v8, $0x1FFF  }
0x390: {  	v8 =	vsel vm1, $0x0, v8  }
0x391: {  	s7 =	sadd.s32 @p4 $0x800, s7;
	v8 =	vadd.s32 v7, v8  }
0x392: {  	s15 =	smov.u32 @p4 s7;
	s7 =	sadd.s32 $0x1, s22  }
0x393: {  	p3 =	seq.s32 s7, $0x0  }
.Ltmp110:
0x394: {  	_ = 	snop;
	(pc) =	sbr.rel @p3 .LBB2_143-.Ltmp110, $4  }
0x395: {  	_ = 	snop  }
0x396: {  	[hbm4b:s2+s4] =	stream.indirect_vreg.scatter [tilespmem:s15], [sflag:$0x3], $0x80, v8, vm0, $0xb8;
	[tilespmem:$0x1D580] =	vst v63  }
0x397: {  	_ =	swait.ge [sflag:s12], $0x800  }
0x398: {  	[sflag:s12] =	ssyncset.done $0x0  }
.LBB2_142:
0x399: {  	s7 =	sadd.s32 $0x1, s7  }
0x39a: {  	[sflag:s12] =	ssyncadd.s32 $0xFFFFF800;
	p3 =	seq.s32 s7, $0x0  }
.Ltmp111:
0x39b: {  	(pc) =	sbr.rel @!p3 .LBB2_142-.Ltmp111, $3  }
0x39c: {  	_ =	sdelay $0x1  }
0x39d: {  	_ =	swait.ge [sflag:s12], $0x800  }
0x39e: {  	[sflag:s12] =	ssyncset.done $0x0  }
.Ltmp112:
0x39f: {  	_ = 	snop;
	(pc) =	sbr.rel .LBB2_143-.Ltmp112, $1  }
0x3a0: {  	_ =	sdelay $0x3  }
.LBB2_130:
.Ltmp113:
0x3a1: {  	(pc) =	sbr.rel .LBB2_134-.Ltmp113, $2  }
0x3a2: {  	_ =	sdelay $0x2  }
0x3a3: {  	s16 =	simm.s32 $0x1500  }
.LBB2_137:
.Ltmp114:
0x3a4: {  	(pc) =	sbr.rel .LBB2_141-.Ltmp114, $2  }
0x3a5: {  	_ =	sdelay $0x2  }
0x3a6: {  	s7 =	simm.s32 $0x1500  }
.LBB2_132:
.Ltmp115:
0x3a7: {  	(pc) =	sbr.rel .LBB2_134-.Ltmp115, $2  }
0x3a8: {  	_ =	sdelay $0x2  }
0x3a9: {  	s16 =	simm.s32 $0x1500  }
.LBB2_139:
.Ltmp116:
0x3aa: {  	(pc) =	sbr.rel .LBB2_141-.Ltmp116, $2  }
0x3ab: {  	_ =	sdelay $0x2  }
0x3ac: {  	s7 =	simm.s32 $0x1500  }
.LBB2_145:
.Ltmp117:
0x3ad: {  	(pc) =	sbr.rel @p2 .LBB2_147-.Ltmp117, $1  }
0x3ae: {  	_ =	sdelay $0x3  }
0x3af: {  	s6 =	rddreg [dreg:$0x18]  }
0x3b0: {  	s6 =	sadd.s32 s25, s6  }
0x3b1: {  	s6 =	sshll.u32 s6, $0x4  }
0x3b2: {  	s24 =	rddreg [dreg:$0x10];
	s7 =	sadd.s32 s2, s6;
	s6 =	sand.u32 $0x1FFFE000, s6  }
0x3b3: {  	[hbm4b:s7+s4] =	stream.linear.scatter [tilespmem:s30], [sflag:$0x2], $0x4000, $0x38;
	[tilespmem:$0x1D580] =	vst v63  }
0x3b4: {  	s25 =	rddreg [dreg:$0x11];
	s7 =	sadd.s32 s6, s24  }
0x3b5: {  	[hbm4b:s7+s4] =	stream.linear.scatter [tilespmem:s30], [sflag:$0x2], $0x4000, $0x38;
	[tilespmem:$0x1D580] =	vst v63  }
0x3b6: {  	s26 =	rddreg [dreg:$0x12];
	s7 =	sadd.s32 s6, s25  }
0x3b7: {  	[hbm4b:s7+s4] =	stream.linear.scatter [tilespmem:s30], [sflag:$0x2], $0x4000, $0x38;
	[tilespmem:$0x1D580] =	vst v63  }
.Ltmp118:
0x3b8: {  	s6 =	sadd.s32 s6, s26;
	(pc) =	sbr.rel .LBB2_6-.Ltmp118, $4  }
0x3b9: {  	[hbm4b:s6+s4] =	stream.linear.scatter [tilespmem:s30], [sflag:$0x2], $0x4000, $0x38;
	[tilespmem:$0x1D580] =	vst v63  }
0x3ba: {  	[bflag:$0x0] =	sbarrier.arrive $0xFFFF  }
0x3bb: {  	s29 =	rddreg [dreg:$0x1f]  }
0x3bc: {  	s6 =	sadd.s32 $0x1, s29  }
.LBB2_8:
.Ltmp119:
0x3bd: {  	(pc) =	sbr.rel .LBB2_12-.Ltmp119, $2  }
0x3be: {  	_ =	sdelay $0x2  }
0x3bf: {  	s14 =	simm.s32 $0x0;
	s7 =	simm.s32 $0x880  }
.LBB2_15:
.Ltmp120:
0x3c0: {  	(pc) =	sbr.rel .LBB2_19-.Ltmp120, $2  }
0x3c1: {  	_ =	sdelay $0x2  }
0x3c2: {  	s14 =	simm.s32 $0x1500  }
.LBB2_30:
.Ltmp121:
0x3c3: {  	(pc) =	sbr.rel .LBB2_34-.Ltmp121, $2  }
0x3c4: {  	_ =	sdelay $0x2  }
0x3c5: {  	s15 =	simm.s32 $0x1500  }
.LBB2_78:
.Ltmp122:
0x3c6: {  	(pc) =	sbr.rel .LBB2_82-.Ltmp122, $2  }
0x3c7: {  	_ =	sdelay $0x2  }
0x3c8: {  	s20 =	simm.s32 $0x0;
	s7 =	simm.s32 $0x880  }
.LBB2_85:
.Ltmp123:
0x3c9: {  	(pc) =	sbr.rel .LBB2_89-.Ltmp123, $2  }
0x3ca: {  	_ =	sdelay $0x2  }
0x3cb: {  	s15 =	simm.s32 $0x1500  }
.LBB2_100:
.Ltmp124:
0x3cc: {  	(pc) =	sbr.rel .LBB2_104-.Ltmp124, $2  }
0x3cd: {  	_ =	sdelay $0x2  }
0x3ce: {  	s16 =	simm.s32 $0x1500  }
.LBB2_10:
.Ltmp125:
0x3cf: {  	(pc) =	sbr.rel .LBB2_12-.Ltmp125, $2  }
0x3d0: {  	_ =	sdelay $0x2  }
0x3d1: {  	s14 =	simm.s32 $0x0;
	s7 =	simm.s32 $0x880  }
.LBB2_17:
.Ltmp126:
0x3d2: {  	(pc) =	sbr.rel .LBB2_19-.Ltmp126, $2  }
0x3d3: {  	_ =	sdelay $0x2  }
0x3d4: {  	s14 =	simm.s32 $0x1500  }
.LBB2_32:
.Ltmp127:
0x3d5: {  	(pc) =	sbr.rel .LBB2_34-.Ltmp127, $2  }
0x3d6: {  	_ =	sdelay $0x2  }
0x3d7: {  	s15 =	simm.s32 $0x1500  }
.LBB2_80:
.Ltmp128:
0x3d8: {  	(pc) =	sbr.rel .LBB2_82-.Ltmp128, $2  }
0x3d9: {  	_ =	sdelay $0x2  }
0x3da: {  	s20 =	simm.s32 $0x0;
	s7 =	simm.s32 $0x880  }
.LBB2_87:
.Ltmp129:
0x3db: {  	(pc) =	sbr.rel .LBB2_89-.Ltmp129, $2  }
0x3dc: {  	_ =	sdelay $0x2  }
0x3dd: {  	s15 =	simm.s32 $0x1500  }
.LBB2_102:
.Ltmp130:
0x3de: {  	(pc) =	sbr.rel .LBB2_104-.Ltmp130, $2  }
0x3df: {  	_ =	sdelay $0x2  }
0x3e0: {  	s16 =	simm.s32 $0x1500  }
.LBB2_148:
0x3e1: {  	_ =	sfence.sel $0x180000  }
0x3e2: {  	[bflag:$0x0] =	sbarrier.arrive $0xFFFF  }
0x3e3: {  	_ =	strace $0x90000047  }
0x3e4: {  	[bflag:$0x2] =	sbarrier.arrive $0xFFFF  }
0x3e5: {  	s0 =	rddreg [dreg:$0x5]  }
0x3e6: {  	s0 =	sadd.s32 @!p0 $0x100000, s0  }
0x3e7: {  	[sflag:s0] =	ssyncadd.tile.s32 @!p0 $0x1;
	_ =	shalt  }
.Lfunc_end2:
_tile_overlayer_lowered:
.L_overlay_start_2:
0x3e8: {  	(tag) =	ssettag $0x2  }
0x3e9: {  	s0 =	rddreg [dreg:$0x0];
	s2 =	stileid.u32  }
0x3ea: {  	s1 =	rddreg [dreg:$0x1];
	p0 =	sne.s32 s2, $0x0  }
0x3eb: {  	s3 =	rddreg [dreg:$0x2];
	[bflag:$0x3] =	sbarrier.arrive $0xFFFF;
	s2 =	simm.s32 @!p0 $0x1C05  }
0x3ec: {  	[timem:s3], [sflag:s2] =	dma.local @!p0 [hbm:s0], s1  }
0x3ed: {  	s0 =	simm.s32 @!p0 $0x5  }
0x3ee: {  	_ =	swait.ge @!p0 [sflag:s0], s1  }
0x3ef: {  	s1 =	ssub.s32 @!p0 $0x0, s1;
	[sflag:s0] =	ssyncset.done @!p0 $0x0  }
0x3f0: {  	[sflag:s0] =	ssyncadd.s32 @!p0 s1  }
0x3f1: {  	[bflag:$0x3] =	sbarrier.arrive $0xFFFF  }
0x3f2: {  	_ =	shalt  }

</sc_bundles>
